<compile_context>
chip_gen: v7x
topology: tpu7x:2x2x1
jax: 0.10.2.dev20260603
libtpu: 0.0.44.dev20260713+nightly
codegen_flags: <defaults>
</compile_context>

<pallas_src>
import functools
import math

import numpy as np
import jax
import jax.numpy as jnp
from jax import lax
from jax.experimental import pallas as pl
from jax.experimental.pallas import tpu as pltpu
from jax.experimental.pallas import tpu_sc as plsc

_B, _S, _E = 4096, 200, 64
_NW = 32
_ROWS_PER_W = _B // _NW
_NBUF = 4
_AHEAD = 2


def _pos_encoding_np(seq_len=_S, emb_size=_E):
    position_idx = np.arange(0, seq_len, dtype=np.float32)[:, None]
    fill = position_idx * np.exp(
        -np.arange(0, emb_size, 2, dtype=np.float32) * math.log(10000.0) / emb_size)
    pos = np.zeros((seq_len, emb_size), dtype=np.float32)
    pos[:, 0::2] = np.sin(fill)
    pos[:, 1::2] = np.cos(fill)
    return pos


_POS = _pos_encoding_np()


def _make_kernel():
    mesh = plsc.VectorSubcoreMesh(core_axis_name="c", subcore_axis_name="s")

    row_buf = pltpu.VMEM((_S, _E), jnp.float32)
    scratch = (
        [pltpu.VMEM((_ROWS_PER_W, _S), jnp.int32)]
        + [pltpu.VMEM((_S, _E), jnp.float32)]
        + [row_buf] * _NBUF
        + [pltpu.SemaphoreType.DMA] * _NBUF
        + [pltpu.SemaphoreType.DMA] * _NBUF
    )

    @functools.partial(
        pl.kernel,
        out_type=jax.ShapeDtypeStruct((_B, _S, 2 * _E), jnp.float32),
        mesh=mesh,
        scratch_types=scratch,
        compiler_params=pltpu.CompilerParams(use_tc_tiling_on_sc=False),
    )
    def emb_kernel(x_hbm, table_hbm, pos_hbm, out_hbm, idx_all, pos_v,
                   r0, r1, r2, r3, g0, g1, g2, g3, w0, w1, w2, w3):
        rows = (r0, r1, r2, r3)
        gsem = (g0, g1, g2, g3)
        wsem = (w0, w1, w2, w3)

        wid = lax.axis_index("s") * 2 + lax.axis_index("c")
        base = wid * _ROWS_PER_W

        pltpu.sync_copy(pos_hbm, pos_v)
        pltpu.sync_copy(x_hbm.at[pl.ds(base, _ROWS_PER_W)], idx_all)

        def start_gather(v, b):
            pltpu.async_copy(table_hbm.at[idx_all.at[v]], rows[b], gsem[b])

        def wait_gather(b):
            pltpu.make_async_copy(table_hbm.at[idx_all.at[0]], rows[b],
                                  gsem[b]).wait()

        def wait_write(b):
            pltpu.make_async_copy(rows[b], out_hbm.at[base, :, pl.ds(0, _E)],
                                  wsem[b]).wait()

        def add_pos(b):
            buf = rows[b]

            @plsc.parallel_loop(0, _S, unroll=4)
            def _(r):
                for c in range(_E // 16):
                    sl = pl.ds(c * 16, 16)
                    buf[r, sl] = buf[r, sl] + pos_v[r, sl]

        def visit(v, b, do_wwait, do_gather):
            wait_gather(b)
            add_pos(b)
            pltpu.async_copy(rows[b], out_hbm.at[base + v, :, pl.ds(0, _E)],
                             wsem[b])
            if do_gather:
                bn = (b + _AHEAD) % _NBUF
                if do_wwait:
                    wait_write(bn)
                start_gather(v + _AHEAD, bn)

        for v in range(_AHEAD):
            start_gather(v, v)

        for b in range(_NBUF):
            visit(b, b, do_wwait=(b >= _AHEAD), do_gather=True)

        def body(k, carry):
            for b in range(_NBUF):
                visit(_NBUF * k + b, b, do_wwait=True, do_gather=True)
            return carry

        lax.fori_loop(1, _ROWS_PER_W // _NBUF - 1, body, 0)

        last = _ROWS_PER_W - _NBUF
        for b in range(_NBUF):
            visit(last + b, b, do_wwait=(b < _AHEAD), do_gather=(b < _AHEAD))

        for b in range(_NBUF):
            wait_write(b)

    return emb_kernel


_EMB_KERNEL = _make_kernel()


@jax.jit
def kernel(x, emb_table):
    pos = jnp.asarray(_POS)
    out128 = _EMB_KERNEL(x.astype(jnp.int32), emb_table, pos)
    return out128[:, :, :_E]

# --- scband reference (transcript-rebuilt; emitter-appended) ---
"""Pipeline reference for scband-embedding-with-position-41601053229321 (READ-ONLY COPY).

The authoritative reference and input builder live on the scoring server;
editing this copy changes nothing except your own understanding.
"""

import jax, jax.numpy as jnp
import numpy as np
import math

VOCAB = 1000000
EMB = 64
SEQ_MAX = 500
BATCH = 4096
SEQ = 200


def _pos_encoding(seq_max_len=SEQ_MAX, emb_size=EMB):
    position_idx = np.arange(0, seq_max_len, dtype=np.float32)[:, None]
    position_emb_fill = position_idx * np.exp(-np.arange(0, emb_size, 2, dtype=np.float32) * math.log(10000.0) / emb_size)
    pos_encoding = np.zeros((seq_max_len, emb_size), dtype=np.float32)
    pos_encoding[:, 0::2] = np.sin(position_emb_fill)
    pos_encoding[:, 1::2] = np.cos(position_emb_fill)
    return jnp.asarray(pos_encoding)


def setup_inputs(seed: int = 0) -> dict:
    key = jax.random.key(seed)
    k1, k2 = jax.random.split(key)
    x = jax.random.randint(k1, (BATCH, SEQ), 0, VOCAB, dtype=jnp.int64 if jax.config.jax_enable_x64 else jnp.int32)
    emb_table = jax.random.normal(k2, (VOCAB, EMB), dtype=jnp.float32) * 0.02
    return {"x": x, "emb_table": emb_table}


def reference(x, emb_table):
    # Embedding lookup (gather) -> SparseCore-friendly
    out = jnp.take(emb_table, x, axis=0)  # [B, S, E]
    pos = _pos_encoding()  # [SEQ_MAX, E] fixed (non-learned) buffer
    seq_len = out.shape[1]
    out = out + pos[None, :seq_len, :]
    # Dropout is identity in eval mode (deterministic reference)
    return out

if __name__ == "__main__":
    import jax
    _d = setup_inputs()
    print(jax.jit(kernel)(*tuple(_d.values())))

</pallas_src>

<mosaic_0001>
#map = affine_map<(d0, d1) -> (0, 0)>
#map1 = affine_map<(d0, d1) -> (0, 0, 0)>
module attributes {stable_mosaic.version = 14 : i64} {
  func.func @emb_kernel(%arg0: i32, %arg1: i32, %arg2: memref<4096x200xi32, #tpu.memory_space<hbm>>, %arg3: memref<1000000x64xf32, #tpu.memory_space<hbm>>, %arg4: memref<200x64xf32, #tpu.memory_space<hbm>>, %arg5: memref<4096x200x128xf32, #tpu.memory_space<hbm>>, %arg6: memref<128x200xi32, #tpu.memory_space<vmem>>, %arg7: memref<200x64xf32, #tpu.memory_space<vmem>>, %arg8: memref<200x64xf32, #tpu.memory_space<vmem>>, %arg9: memref<200x64xf32, #tpu.memory_space<vmem>>, %arg10: memref<200x64xf32, #tpu.memory_space<vmem>>, %arg11: memref<200x64xf32, #tpu.memory_space<vmem>>, %arg12: memref<!tpu.dma_semaphore, #tpu.memory_space<semaphore_mem>>, %arg13: memref<!tpu.dma_semaphore, #tpu.memory_space<semaphore_mem>>, %arg14: memref<!tpu.dma_semaphore, #tpu.memory_space<semaphore_mem>>, %arg15: memref<!tpu.dma_semaphore, #tpu.memory_space<semaphore_mem>>, %arg16: memref<!tpu.dma_semaphore, #tpu.memory_space<semaphore_mem>>, %arg17: memref<!tpu.dma_semaphore, #tpu.memory_space<semaphore_mem>>, %arg18: memref<!tpu.dma_semaphore, #tpu.memory_space<semaphore_mem>>, %arg19: memref<!tpu.dma_semaphore, #tpu.memory_space<semaphore_mem>>) attributes {dimension_semantics = [#tpu.dimension_semantics<core_parallel>, #tpu.dimension_semantics<subcore_parallel>], iteration_bounds = array<i64: 2, 16>, scalar_prefetch = 0 : i64, scratch_operands = 14 : i64, tpu.core_type = #tpu.core_type<sc_vector_subcore>, window_params = [{transform_indices = #map}, {transform_indices = #map}, {transform_indices = #map}, {transform_indices = #map1}]} {
    %mul3A = arith.constant 2 : i32
    %mul3A_0 = arith.muli %arg1, %mul3A : i32
    %add3A = arith.addi %mul3A_0, %arg0 : i32
    %mul3A_1 = arith.constant 128 : i32
    %mul3A_2 = arith.muli %add3A, %mul3A_1 : i32
    "tpu.region"() ({
      %run_scoped3A = tpu.sem_alloc : memref<!tpu.dma_semaphore, #tpu.memory_space<semaphore_mem>>
      tpu.enqueue_dma source(%arg4 : memref<200x64xf32, #tpu.memory_space<hbm>>) target(%arg7 : memref<200x64xf32, #tpu.memory_space<vmem>>) target_semaphore(%run_scoped3A : memref<!tpu.dma_semaphore, #tpu.memory_space<semaphore_mem>>)
      tpu.wait_dma2 semaphore(%run_scoped3A : memref<!tpu.dma_semaphore, #tpu.memory_space<semaphore_mem>>) src(%arg4 : memref<200x64xf32, #tpu.memory_space<hbm>>) dst(%arg7 : memref<200x64xf32, #tpu.memory_space<vmem>>)
      tpu.yield
    }) : () -> ()
    "tpu.region"() ({
      %run_scoped3A = tpu.sem_alloc : memref<!tpu.dma_semaphore, #tpu.memory_space<semaphore_mem>>
      %dma_start3A_285 = arith.constant 0 : i32
      %dma_start3A_286 = tpu.memref_slice %arg2[%mul3A_2, %dma_start3A_285] : memref<4096x200xi32, #tpu.memory_space<hbm>> -> memref<128x200xi32, #tpu.memory_space<hbm>>
      %dma_start3A_287 = arith.constant 0 : i32
      %dma_start3A_288 = tpu.memref_slice %arg2[%mul3A_2, %dma_start3A_287] : memref<4096x200xi32, #tpu.memory_space<hbm>> -> memref<128x200xi32, #tpu.memory_space<hbm>>
      tpu.enqueue_dma source(%dma_start3A_288 : memref<128x200xi32, #tpu.memory_space<hbm>>) target(%arg6 : memref<128x200xi32, #tpu.memory_space<vmem>>) target_semaphore(%run_scoped3A : memref<!tpu.dma_semaphore, #tpu.memory_space<semaphore_mem>>)
      %dma_wait3A_289 = arith.constant 0 : i32
      %dma_wait3A_290 = tpu.memref_slice %arg2[%mul3A_2, %dma_wait3A_289] : memref<4096x200xi32, #tpu.memory_space<hbm>> -> memref<128x200xi32, #tpu.memory_space<hbm>>
      %dma_wait3A_291 = arith.constant 0 : i32
      %dma_wait3A_292 = tpu.memref_slice %arg2[%mul3A_2, %dma_wait3A_291] : memref<4096x200xi32, #tpu.memory_space<hbm>> -> memref<128x200xi32, #tpu.memory_space<hbm>>
      tpu.wait_dma2 semaphore(%run_scoped3A : memref<!tpu.dma_semaphore, #tpu.memory_space<semaphore_mem>>) src(%dma_wait3A_292 : memref<128x200xi32, #tpu.memory_space<hbm>>) dst(%arg6 : memref<128x200xi32, #tpu.memory_space<vmem>>)
      tpu.yield
    }) : () -> ()
    %dma_start3A = arith.constant 0 : i32
    %dma_start3A_3 = arith.constant 0 : i32
    %dma_start3A_4 = tpu.memref_slice %arg6[%dma_start3A, %dma_start3A_3] : memref<128x200xi32, #tpu.memory_space<vmem>> -> memref<1x200xi32, #tpu.memory_space<vmem>>
    %dma_start3A_5 = tpu.memref_squeeze %dma_start3A_4 : memref<1x200xi32, #tpu.memory_space<vmem>> -> memref<200xi32, #tpu.memory_space<vmem>>
    %dma_start3A_6 = arith.constant 0 : i32
    %dma_start3A_7 = arith.constant 0 : i32
    %dma_start3A_8 = tpu.memref_slice %arg3[%dma_start3A_6, %dma_start3A_7] : memref<1000000x64xf32, #tpu.memory_space<hbm>> -> memref<1000000x64xf32, #tpu.memory_space<hbm>>
    tpu.enqueue_indirect_dma source(%dma_start3A_8 : memref<1000000x64xf32, #tpu.memory_space<hbm>>) target(%arg8 : memref<200x64xf32, #tpu.memory_space<vmem>>) offsets(%dma_start3A_5 : memref<200xi32, #tpu.memory_space<vmem>>) semaphore(%arg12 : memref<!tpu.dma_semaphore, #tpu.memory_space<semaphore_mem>>)
    %dma_start3A_9 = arith.constant 1 : i32
    %dma_start3A_10 = arith.constant 0 : i32
    %dma_start3A_11 = tpu.memref_slice %arg6[%dma_start3A_9, %dma_start3A_10] : memref<128x200xi32, #tpu.memory_space<vmem>> -> memref<1x200xi32, #tpu.memory_space<vmem>>
    %dma_start3A_12 = tpu.memref_squeeze %dma_start3A_11 : memref<1x200xi32, #tpu.memory_space<vmem>> -> memref<200xi32, #tpu.memory_space<vmem>>
    %dma_start3A_13 = arith.constant 0 : i32
    %dma_start3A_14 = arith.constant 0 : i32
    %dma_start3A_15 = tpu.memref_slice %arg3[%dma_start3A_13, %dma_start3A_14] : memref<1000000x64xf32, #tpu.memory_space<hbm>> -> memref<1000000x64xf32, #tpu.memory_space<hbm>>
    tpu.enqueue_indirect_dma source(%dma_start3A_15 : memref<1000000x64xf32, #tpu.memory_space<hbm>>) target(%arg9 : memref<200x64xf32, #tpu.memory_space<vmem>>) offsets(%dma_start3A_12 : memref<200xi32, #tpu.memory_space<vmem>>) semaphore(%arg13 : memref<!tpu.dma_semaphore, #tpu.memory_space<semaphore_mem>>)
    %dma_wait3A = arith.constant 0 : i32
    %dma_wait3A_16 = arith.constant 0 : i32
    %dma_wait3A_17 = tpu.memref_slice %arg6[%dma_wait3A, %dma_wait3A_16] : memref<128x200xi32, #tpu.memory_space<vmem>> -> memref<1x200xi32, #tpu.memory_space<vmem>>
    %dma_wait3A_18 = tpu.memref_squeeze %dma_wait3A_17 : memref<1x200xi32, #tpu.memory_space<vmem>> -> memref<200xi32, #tpu.memory_space<vmem>>
    %dma_wait3A_19 = arith.constant 0 : i32
    %dma_wait3A_20 = arith.constant 0 : i32
    %dma_wait3A_21 = tpu.memref_slice %arg3[%dma_wait3A_19, %dma_wait3A_20] : memref<1000000x64xf32, #tpu.memory_space<hbm>> -> memref<1000000x64xf32, #tpu.memory_space<hbm>>
    tpu.wait_indirect_dma semaphore(%arg12 : memref<!tpu.dma_semaphore, #tpu.memory_space<semaphore_mem>>) src(%dma_wait3A_21 : memref<1000000x64xf32, #tpu.memory_space<hbm>>) dst(%arg8 : memref<200x64xf32, #tpu.memory_space<vmem>>)
    %parallel_loop3A = arith.constant 0 : i32
    %parallel_loop3A_22 = arith.constant 200 : i32
    %parallel_loop3A_23 = arith.constant 1 : i32
    scf.for %parallel_loop3A_285 = %parallel_loop3A to %parallel_loop3A_22 step %parallel_loop3A_23  : i32 {
      %parallel_loop3A_286 = arith.index_cast %parallel_loop3A_285 : i32 to index
      %parallel_loop3A_287 = arith.constant 0 : index
      %parallel_loop3A_288 = tpu.vector_load %arg8[%parallel_loop3A_286, %parallel_loop3A_287] {strides = array<i32>} : memref<200x64xf32, #tpu.memory_space<vmem>>, vector<1x16xf32>,
      %parallel_loop3A_289 = vector.shape_cast %parallel_loop3A_288 : vector<1x16xf32> to vector<16xf32>
      %parallel_loop3A_290 = arith.index_cast %parallel_loop3A_285 : i32 to index
      %parallel_loop3A_291 = arith.constant 0 : index
      %parallel_loop3A_292 = tpu.vector_load %arg7[%parallel_loop3A_290, %parallel_loop3A_291] {strides = array<i32>} : memref<200x64xf32, #tpu.memory_space<vmem>>, vector<1x16xf32>,
      %parallel_loop3A_293 = vector.shape_cast %parallel_loop3A_292 : vector<1x16xf32> to vector<16xf32>
      %parallel_loop3A_294 = arith.addf %parallel_loop3A_289, %parallel_loop3A_293 : vector<16xf32>
      %parallel_loop3A_295 = arith.index_cast %parallel_loop3A_285 : i32 to index
      %parallel_loop3A_296 = arith.constant 0 : index
      %parallel_loop3A_297 = tpu.vector_load %arg8[%parallel_loop3A_295, %parallel_loop3A_296] {strides = array<i32>} : memref<200x64xf32, #tpu.memory_space<vmem>>, vector<1x16xf32>,
      %parallel_loop3A_298 = vector.shape_cast %parallel_loop3A_297 : vector<1x16xf32> to vector<16xf32>
      %parallel_loop3A_299 = vector.shape_cast %parallel_loop3A_294 : vector<16xf32> to vector<1x16xf32>
      tpu.vector_store %arg8[%parallel_loop3A_295, %parallel_loop3A_296], %parallel_loop3A_299 {strides = array<i32>} : memref<200x64xf32, #tpu.memory_space<vmem>>, vector<1x16xf32>,
      %parallel_loop3A_300 = arith.index_cast %parallel_loop3A_285 : i32 to index
      %parallel_loop3A_301 = arith.constant 16 : index
      %parallel_loop3A_302 = tpu.vector_load %arg8[%parallel_loop3A_300, %parallel_loop3A_301] {strides = array<i32>} : memref<200x64xf32, #tpu.memory_space<vmem>>, vector<1x16xf32>,
      %parallel_loop3A_303 = vector.shape_cast %parallel_loop3A_302 : vector<1x16xf32> to vector<16xf32>
      %parallel_loop3A_304 = arith.index_cast %parallel_loop3A_285 : i32 to index
      %parallel_loop3A_305 = arith.constant 16 : index
      %parallel_loop3A_306 = tpu.vector_load %arg7[%parallel_loop3A_304, %parallel_loop3A_305] {strides = array<i32>} : memref<200x64xf32, #tpu.memory_space<vmem>>, vector<1x16xf32>,
      %parallel_loop3A_307 = vector.shape_cast %parallel_loop3A_306 : vector<1x16xf32> to vector<16xf32>
      %parallel_loop3A_308 = arith.addf %parallel_loop3A_303, %parallel_loop3A_307 : vector<16xf32>
      %parallel_loop3A_309 = arith.index_cast %parallel_loop3A_285 : i32 to index
      %parallel_loop3A_310 = arith.constant 16 : index
      %parallel_loop3A_311 = tpu.vector_load %arg8[%parallel_loop3A_309, %parallel_loop3A_310] {strides = array<i32>} : memref<200x64xf32, #tpu.memory_space<vmem>>, vector<1x16xf32>,
      %parallel_loop3A_312 = vector.shape_cast %parallel_loop3A_311 : vector<1x16xf32> to vector<16xf32>
      %parallel_loop3A_313 = vector.shape_cast %parallel_loop3A_308 : vector<16xf32> to vector<1x16xf32>
      tpu.vector_store %arg8[%parallel_loop3A_309, %parallel_loop3A_310], %parallel_loop3A_313 {strides = array<i32>} : memref<200x64xf32, #tpu.memory_space<vmem>>, vector<1x16xf32>,
      %parallel_loop3A_314 = arith.index_cast %parallel_loop3A_285 : i32 to index
      %parallel_loop3A_315 = arith.constant 32 : index
      %parallel_loop3A_316 = tpu.vector_load %arg8[%parallel_loop3A_314, %parallel_loop3A_315] {strides = array<i32>} : memref<200x64xf32, #tpu.memory_space<vmem>>, vector<1x16xf32>,
      %parallel_loop3A_317 = vector.shape_cast %parallel_loop3A_316 : vector<1x16xf32> to vector<16xf32>
      %parallel_loop3A_318 = arith.index_cast %parallel_loop3A_285 : i32 to index
      %parallel_loop3A_319 = arith.constant 32 : index
      %parallel_loop3A_320 = tpu.vector_load %arg7[%parallel_loop3A_318, %parallel_loop3A_319] {strides = array<i32>} : memref<200x64xf32, #tpu.memory_space<vmem>>, vector<1x16xf32>,
      %parallel_loop3A_321 = vector.shape_cast %parallel_loop3A_320 : vector<1x16xf32> to vector<16xf32>
      %parallel_loop3A_322 = arith.addf %parallel_loop3A_317, %parallel_loop3A_321 : vector<16xf32>
      %parallel_loop3A_323 = arith.index_cast %parallel_loop3A_285 : i32 to index
      %parallel_loop3A_324 = arith.constant 32 : index
      %parallel_loop3A_325 = tpu.vector_load %arg8[%parallel_loop3A_323, %parallel_loop3A_324] {strides = array<i32>} : memref<200x64xf32, #tpu.memory_space<vmem>>, vector<1x16xf32>,
      %parallel_loop3A_326 = vector.shape_cast %parallel_loop3A_325 : vector<1x16xf32> to vector<16xf32>
      %parallel_loop3A_327 = vector.shape_cast %parallel_loop3A_322 : vector<16xf32> to vector<1x16xf32>
      tpu.vector_store %arg8[%parallel_loop3A_323, %parallel_loop3A_324], %parallel_loop3A_327 {strides = array<i32>} : memref<200x64xf32, #tpu.memory_space<vmem>>, vector<1x16xf32>,
      %parallel_loop3A_328 = arith.index_cast %parallel_loop3A_285 : i32 to index
      %parallel_loop3A_329 = arith.constant 48 : index
      %parallel_loop3A_330 = tpu.vector_load %arg8[%parallel_loop3A_328, %parallel_loop3A_329] {strides = array<i32>} : memref<200x64xf32, #tpu.memory_space<vmem>>, vector<1x16xf32>,
      %parallel_loop3A_331 = vector.shape_cast %parallel_loop3A_330 : vector<1x16xf32> to vector<16xf32>
      %parallel_loop3A_332 = arith.index_cast %parallel_loop3A_285 : i32 to index
      %parallel_loop3A_333 = arith.constant 48 : index
      %parallel_loop3A_334 = tpu.vector_load %arg7[%parallel_loop3A_332, %parallel_loop3A_333] {strides = array<i32>} : memref<200x64xf32, #tpu.memory_space<vmem>>, vector<1x16xf32>,
      %parallel_loop3A_335 = vector.shape_cast %parallel_loop3A_334 : vector<1x16xf32> to vector<16xf32>
      %parallel_loop3A_336 = arith.addf %parallel_loop3A_331, %parallel_loop3A_335 : vector<16xf32>
      %parallel_loop3A_337 = arith.index_cast %parallel_loop3A_285 : i32 to index
      %parallel_loop3A_338 = arith.constant 48 : index
      %parallel_loop3A_339 = tpu.vector_load %arg8[%parallel_loop3A_337, %parallel_loop3A_338] {strides = array<i32>} : memref<200x64xf32, #tpu.memory_space<vmem>>, vector<1x16xf32>,
      %parallel_loop3A_340 = vector.shape_cast %parallel_loop3A_339 : vector<1x16xf32> to vector<16xf32>
      %parallel_loop3A_341 = vector.shape_cast %parallel_loop3A_336 : vector<16xf32> to vector<1x16xf32>
      tpu.vector_store %arg8[%parallel_loop3A_337, %parallel_loop3A_338], %parallel_loop3A_341 {strides = array<i32>} : memref<200x64xf32, #tpu.memory_space<vmem>>, vector<1x16xf32>,
    } {sc.loop_unroll_factor = 4 : i64, sc.parallel_access}
    %add3A_24 = arith.constant 0 : i32
    %add3A_25 = arith.addi %mul3A_2, %add3A_24 : i32
    %dma_start3A_26 = arith.constant 0 : i32
    %dma_start3A_27 = arith.constant 0 : i32
    %dma_start3A_28 = tpu.memref_slice %arg5[%add3A_25, %dma_start3A_26, %dma_start3A_27] : memref<4096x200x128xf32, #tpu.memory_space<hbm>> -> memref<1x200x64xf32, #tpu.memory_space<hbm>>
    %dma_start3A_29 = tpu.memref_squeeze %dma_start3A_28 : memref<1x200x64xf32, #tpu.memory_space<hbm>> -> memref<200x64xf32, #tpu.memory_space<hbm>>
    %dma_start3A_30 = arith.constant 0 : i32
    %dma_start3A_31 = arith.constant 0 : i32
    %dma_start3A_32 = tpu.memref_slice %arg5[%add3A_25, %dma_start3A_30, %dma_start3A_31] : memref<4096x200x128xf32, #tpu.memory_space<hbm>> -> memref<1x200x64xf32, #tpu.memory_space<hbm>>
    %dma_start3A_33 = tpu.memref_squeeze %dma_start3A_32 : memref<1x200x64xf32, #tpu.memory_space<hbm>> -> memref<200x64xf32, #tpu.memory_space<hbm>>
    tpu.enqueue_dma source(%arg8 : memref<200x64xf32, #tpu.memory_space<vmem>>) target(%dma_start3A_33 : memref<200x64xf32, #tpu.memory_space<hbm>>) target_semaphore(%arg16 : memref<!tpu.dma_semaphore, #tpu.memory_space<semaphore_mem>>)
    %dma_start3A_34 = arith.constant 2 : i32
    %dma_start3A_35 = arith.constant 0 : i32
    %dma_start3A_36 = tpu.memref_slice %arg6[%dma_start3A_34, %dma_start3A_35] : memref<128x200xi32, #tpu.memory_space<vmem>> -> memref<1x200xi32, #tpu.memory_space<vmem>>
    %dma_start3A_37 = tpu.memref_squeeze %dma_start3A_36 : memref<1x200xi32, #tpu.memory_space<vmem>> -> memref<200xi32, #tpu.memory_space<vmem>>
    %dma_start3A_38 = arith.constant 0 : i32
    %dma_start3A_39 = arith.constant 0 : i32
    %dma_start3A_40 = tpu.memref_slice %arg3[%dma_start3A_38, %dma_start3A_39] : memref<1000000x64xf32, #tpu.memory_space<hbm>> -> memref<1000000x64xf32, #tpu.memory_space<hbm>>
    tpu.enqueue_indirect_dma source(%dma_start3A_40 : memref<1000000x64xf32, #tpu.memory_space<hbm>>) target(%arg10 : memref<200x64xf32, #tpu.memory_space<vmem>>) offsets(%dma_start3A_37 : memref<200xi32, #tpu.memory_space<vmem>>) semaphore(%arg14 : memref<!tpu.dma_semaphore, #tpu.memory_space<semaphore_mem>>)
    %dma_wait3A_41 = arith.constant 0 : i32
    %dma_wait3A_42 = arith.constant 0 : i32
    %dma_wait3A_43 = tpu.memref_slice %arg6[%dma_wait3A_41, %dma_wait3A_42] : memref<128x200xi32, #tpu.memory_space<vmem>> -> memref<1x200xi32, #tpu.memory_space<vmem>>
    %dma_wait3A_44 = tpu.memref_squeeze %dma_wait3A_43 : memref<1x200xi32, #tpu.memory_space<vmem>> -> memref<200xi32, #tpu.memory_space<vmem>>
    %dma_wait3A_45 = arith.constant 0 : i32
    %dma_wait3A_46 = arith.constant 0 : i32
    %dma_wait3A_47 = tpu.memref_slice %arg3[%dma_wait3A_45, %dma_wait3A_46] : memref<1000000x64xf32, #tpu.memory_space<hbm>> -> memref<1000000x64xf32, #tpu.memory_space<hbm>>
    tpu.wait_indirect_dma semaphore(%arg13 : memref<!tpu.dma_semaphore, #tpu.memory_space<semaphore_mem>>) src(%dma_wait3A_47 : memref<1000000x64xf32, #tpu.memory_space<hbm>>) dst(%arg9 : memref<200x64xf32, #tpu.memory_space<vmem>>)
    %parallel_loop3A_48 = arith.constant 0 : i32
    %parallel_loop3A_49 = arith.constant 200 : i32
    %parallel_loop3A_50 = arith.constant 1 : i32
    scf.for %parallel_loop3A_285 = %parallel_loop3A_48 to %parallel_loop3A_49 step %parallel_loop3A_50  : i32 {
      %parallel_loop3A_286 = arith.index_cast %parallel_loop3A_285 : i32 to index
      %parallel_loop3A_287 = arith.constant 0 : index
      %parallel_loop3A_288 = tpu.vector_load %arg9[%parallel_loop3A_286, %parallel_loop3A_287] {strides = array<i32>} : memref<200x64xf32, #tpu.memory_space<vmem>>, vector<1x16xf32>,
      %parallel_loop3A_289 = vector.shape_cast %parallel_loop3A_288 : vector<1x16xf32> to vector<16xf32>
      %parallel_loop3A_290 = arith.index_cast %parallel_loop3A_285 : i32 to index
      %parallel_loop3A_291 = arith.constant 0 : index
      %parallel_loop3A_292 = tpu.vector_load %arg7[%parallel_loop3A_290, %parallel_loop3A_291] {strides = array<i32>} : memref<200x64xf32, #tpu.memory_space<vmem>>, vector<1x16xf32>,
      %parallel_loop3A_293 = vector.shape_cast %parallel_loop3A_292 : vector<1x16xf32> to vector<16xf32>
      %parallel_loop3A_294 = arith.addf %parallel_loop3A_289, %parallel_loop3A_293 : vector<16xf32>
      %parallel_loop3A_295 = arith.index_cast %parallel_loop3A_285 : i32 to index
      %parallel_loop3A_296 = arith.constant 0 : index
      %parallel_loop3A_297 = tpu.vector_load %arg9[%parallel_loop3A_295, %parallel_loop3A_296] {strides = array<i32>} : memref<200x64xf32, #tpu.memory_space<vmem>>, vector<1x16xf32>,
      %parallel_loop3A_298 = vector.shape_cast %parallel_loop3A_297 : vector<1x16xf32> to vector<16xf32>
      %parallel_loop3A_299 = vector.shape_cast %parallel_loop3A_294 : vector<16xf32> to vector<1x16xf32>
      tpu.vector_store %arg9[%parallel_loop3A_295, %parallel_loop3A_296], %parallel_loop3A_299 {strides = array<i32>} : memref<200x64xf32, #tpu.memory_space<vmem>>, vector<1x16xf32>,
      %parallel_loop3A_300 = arith.index_cast %parallel_loop3A_285 : i32 to index
      %parallel_loop3A_301 = arith.constant 16 : index
      %parallel_loop3A_302 = tpu.vector_load %arg9[%parallel_loop3A_300, %parallel_loop3A_301] {strides = array<i32>} : memref<200x64xf32, #tpu.memory_space<vmem>>, vector<1x16xf32>,
      %parallel_loop3A_303 = vector.shape_cast %parallel_loop3A_302 : vector<1x16xf32> to vector<16xf32>
      %parallel_loop3A_304 = arith.index_cast %parallel_loop3A_285 : i32 to index
      %parallel_loop3A_305 = arith.constant 16 : index
      %parallel_loop3A_306 = tpu.vector_load %arg7[%parallel_loop3A_304, %parallel_loop3A_305] {strides = array<i32>} : memref<200x64xf32, #tpu.memory_space<vmem>>, vector<1x16xf32>,
      %parallel_loop3A_307 = vector.shape_cast %parallel_loop3A_306 : vector<1x16xf32> to vector<16xf32>
      %parallel_loop3A_308 = arith.addf %parallel_loop3A_303, %parallel_loop3A_307 : vector<16xf32>
      %parallel_loop3A_309 = arith.index_cast %parallel_loop3A_285 : i32 to index
      %parallel_loop3A_310 = arith.constant 16 : index
      %parallel_loop3A_311 = tpu.vector_load %arg9[%parallel_loop3A_309, %parallel_loop3A_310] {strides = array<i32>} : memref<200x64xf32, #tpu.memory_space<vmem>>, vector<1x16xf32>,
      %parallel_loop3A_312 = vector.shape_cast %parallel_loop3A_311 : vector<1x16xf32> to vector<16xf32>
      %parallel_loop3A_313 = vector.shape_cast %parallel_loop3A_308 : vector<16xf32> to vector<1x16xf32>
      tpu.vector_store %arg9[%parallel_loop3A_309, %parallel_loop3A_310], %parallel_loop3A_313 {strides = array<i32>} : memref<200x64xf32, #tpu.memory_space<vmem>>, vector<1x16xf32>,
      %parallel_loop3A_314 = arith.index_cast %parallel_loop3A_285 : i32 to index
      %parallel_loop3A_315 = arith.constant 32 : index
      %parallel_loop3A_316 = tpu.vector_load %arg9[%parallel_loop3A_314, %parallel_loop3A_315] {strides = array<i32>} : memref<200x64xf32, #tpu.memory_space<vmem>>, vector<1x16xf32>,
      %parallel_loop3A_317 = vector.shape_cast %parallel_loop3A_316 : vector<1x16xf32> to vector<16xf32>
      %parallel_loop3A_318 = arith.index_cast %parallel_loop3A_285 : i32 to index
      %parallel_loop3A_319 = arith.constant 32 : index
      %parallel_loop3A_320 = tpu.vector_load %arg7[%parallel_loop3A_318, %parallel_loop3A_319] {strides = array<i32>} : memref<200x64xf32, #tpu.memory_space<vmem>>, vector<1x16xf32>,
      %parallel_loop3A_321 = vector.shape_cast %parallel_loop3A_320 : vector<1x16xf32> to vector<16xf32>
      %parallel_loop3A_322 = arith.addf %parallel_loop3A_317, %parallel_loop3A_321 : vector<16xf32>
      %parallel_loop3A_323 = arith.index_cast %parallel_loop3A_285 : i32 to index
      %parallel_loop3A_324 = arith.constant 32 : index
      %parallel_loop3A_325 = tpu.vector_load %arg9[%parallel_loop3A_323, %parallel_loop3A_324] {strides = array<i32>} : memref<200x64xf32, #tpu.memory_space<vmem>>, vector<1x16xf32>,
      %parallel_loop3A_326 = vector.shape_cast %parallel_loop3A_325 : vector<1x16xf32> to vector<16xf32>
      %parallel_loop3A_327 = vector.shape_cast %parallel_loop3A_322 : vector<16xf32> to vector<1x16xf32>
      tpu.vector_store %arg9[%parallel_loop3A_323, %parallel_loop3A_324], %parallel_loop3A_327 {strides = array<i32>} : memref<200x64xf32, #tpu.memory_space<vmem>>, vector<1x16xf32>,
      %parallel_loop3A_328 = arith.index_cast %parallel_loop3A_285 : i32 to index
      %parallel_loop3A_329 = arith.constant 48 : index
      %parallel_loop3A_330 = tpu.vector_load %arg9[%parallel_loop3A_328, %parallel_loop3A_329] {strides = array<i32>} : memref<200x64xf32, #tpu.memory_space<vmem>>, vector<1x16xf32>,
      %parallel_loop3A_331 = vector.shape_cast %parallel_loop3A_330 : vector<1x16xf32> to vector<16xf32>
      %parallel_loop3A_332 = arith.index_cast %parallel_loop3A_285 : i32 to index
      %parallel_loop3A_333 = arith.constant 48 : index
      %parallel_loop3A_334 = tpu.vector_load %arg7[%parallel_loop3A_332, %parallel_loop3A_333] {strides = array<i32>} : memref<200x64xf32, #tpu.memory_space<vmem>>, vector<1x16xf32>,
      %parallel_loop3A_335 = vector.shape_cast %parallel_loop3A_334 : vector<1x16xf32> to vector<16xf32>
      %parallel_loop3A_336 = arith.addf %parallel_loop3A_331, %parallel_loop3A_335 : vector<16xf32>
      %parallel_loop3A_337 = arith.index_cast %parallel_loop3A_285 : i32 to index
      %parallel_loop3A_338 = arith.constant 48 : index
      %parallel_loop3A_339 = tpu.vector_load %arg9[%parallel_loop3A_337, %parallel_loop3A_338] {strides = array<i32>} : memref<200x64xf32, #tpu.memory_space<vmem>>, vector<1x16xf32>,
      %parallel_loop3A_340 = vector.shape_cast %parallel_loop3A_339 : vector<1x16xf32> to vector<16xf32>
      %parallel_loop3A_341 = vector.shape_cast %parallel_loop3A_336 : vector<16xf32> to vector<1x16xf32>
      tpu.vector_store %arg9[%parallel_loop3A_337, %parallel_loop3A_338], %parallel_loop3A_341 {strides = array<i32>} : memref<200x64xf32, #tpu.memory_space<vmem>>, vector<1x16xf32>,
    } {sc.loop_unroll_factor = 4 : i64, sc.parallel_access}
    %add3A_51 = arith.constant 1 : i32
    %add3A_52 = arith.addi %mul3A_2, %add3A_51 : i32
    %dma_start3A_53 = arith.constant 0 : i32
    %dma_start3A_54 = arith.constant 0 : i32
    %dma_start3A_55 = tpu.memref_slice %arg5[%add3A_52, %dma_start3A_53, %dma_start3A_54] : memref<4096x200x128xf32, #tpu.memory_space<hbm>> -> memref<1x200x64xf32, #tpu.memory_space<hbm>>
    %dma_start3A_56 = tpu.memref_squeeze %dma_start3A_55 : memref<1x200x64xf32, #tpu.memory_space<hbm>> -> memref<200x64xf32, #tpu.memory_space<hbm>>
    %dma_start3A_57 = arith.constant 0 : i32
    %dma_start3A_58 = arith.constant 0 : i32
    %dma_start3A_59 = tpu.memref_slice %arg5[%add3A_52, %dma_start3A_57, %dma_start3A_58] : memref<4096x200x128xf32, #tpu.memory_space<hbm>> -> memref<1x200x64xf32, #tpu.memory_space<hbm>>
    %dma_start3A_60 = tpu.memref_squeeze %dma_start3A_59 : memref<1x200x64xf32, #tpu.memory_space<hbm>> -> memref<200x64xf32, #tpu.memory_space<hbm>>
    tpu.enqueue_dma source(%arg9 : memref<200x64xf32, #tpu.memory_space<vmem>>) target(%dma_start3A_60 : memref<200x64xf32, #tpu.memory_space<hbm>>) target_semaphore(%arg17 : memref<!tpu.dma_semaphore, #tpu.memory_space<semaphore_mem>>)
    %dma_start3A_61 = arith.constant 3 : i32
    %dma_start3A_62 = arith.constant 0 : i32
    %dma_start3A_63 = tpu.memref_slice %arg6[%dma_start3A_61, %dma_start3A_62] : memref<128x200xi32, #tpu.memory_space<vmem>> -> memref<1x200xi32, #tpu.memory_space<vmem>>
    %dma_start3A_64 = tpu.memref_squeeze %dma_start3A_63 : memref<1x200xi32, #tpu.memory_space<vmem>> -> memref<200xi32, #tpu.memory_space<vmem>>
    %dma_start3A_65 = arith.constant 0 : i32
    %dma_start3A_66 = arith.constant 0 : i32
    %dma_start3A_67 = tpu.memref_slice %arg3[%dma_start3A_65, %dma_start3A_66] : memref<1000000x64xf32, #tpu.memory_space<hbm>> -> memref<1000000x64xf32, #tpu.memory_space<hbm>>
    tpu.enqueue_indirect_dma source(%dma_start3A_67 : memref<1000000x64xf32, #tpu.memory_space<hbm>>) target(%arg11 : memref<200x64xf32, #tpu.memory_space<vmem>>) offsets(%dma_start3A_64 : memref<200xi32, #tpu.memory_space<vmem>>) semaphore(%arg15 : memref<!tpu.dma_semaphore, #tpu.memory_space<semaphore_mem>>)
    %dma_wait3A_68 = arith.constant 0 : i32
    %dma_wait3A_69 = arith.constant 0 : i32
    %dma_wait3A_70 = tpu.memref_slice %arg6[%dma_wait3A_68, %dma_wait3A_69] : memref<128x200xi32, #tpu.memory_space<vmem>> -> memref<1x200xi32, #tpu.memory_space<vmem>>
    %dma_wait3A_71 = tpu.memref_squeeze %dma_wait3A_70 : memref<1x200xi32, #tpu.memory_space<vmem>> -> memref<200xi32, #tpu.memory_space<vmem>>
    %dma_wait3A_72 = arith.constant 0 : i32
    %dma_wait3A_73 = arith.constant 0 : i32
    %dma_wait3A_74 = tpu.memref_slice %arg3[%dma_wait3A_72, %dma_wait3A_73] : memref<1000000x64xf32, #tpu.memory_space<hbm>> -> memref<1000000x64xf32, #tpu.memory_space<hbm>>
    tpu.wait_indirect_dma semaphore(%arg14 : memref<!tpu.dma_semaphore, #tpu.memory_space<semaphore_mem>>) src(%dma_wait3A_74 : memref<1000000x64xf32, #tpu.memory_space<hbm>>) dst(%arg10 : memref<200x64xf32, #tpu.memory_space<vmem>>)
    %parallel_loop3A_75 = arith.constant 0 : i32
    %parallel_loop3A_76 = arith.constant 200 : i32
    %parallel_loop3A_77 = arith.constant 1 : i32
    scf.for %parallel_loop3A_285 = %parallel_loop3A_75 to %parallel_loop3A_76 step %parallel_loop3A_77  : i32 {
      %parallel_loop3A_286 = arith.index_cast %parallel_loop3A_285 : i32 to index
      %parallel_loop3A_287 = arith.constant 0 : index
      %parallel_loop3A_288 = tpu.vector_load %arg10[%parallel_loop3A_286, %parallel_loop3A_287] {strides = array<i32>} : memref<200x64xf32, #tpu.memory_space<vmem>>, vector<1x16xf32>,
      %parallel_loop3A_289 = vector.shape_cast %parallel_loop3A_288 : vector<1x16xf32> to vector<16xf32>
      %parallel_loop3A_290 = arith.index_cast %parallel_loop3A_285 : i32 to index
      %parallel_loop3A_291 = arith.constant 0 : index
      %parallel_loop3A_292 = tpu.vector_load %arg7[%parallel_loop3A_290, %parallel_loop3A_291] {strides = array<i32>} : memref<200x64xf32, #tpu.memory_space<vmem>>, vector<1x16xf32>,
      %parallel_loop3A_293 = vector.shape_cast %parallel_loop3A_292 : vector<1x16xf32> to vector<16xf32>
      %parallel_loop3A_294 = arith.addf %parallel_loop3A_289, %parallel_loop3A_293 : vector<16xf32>
      %parallel_loop3A_295 = arith.index_cast %parallel_loop3A_285 : i32 to index
      %parallel_loop3A_296 = arith.constant 0 : index
      %parallel_loop3A_297 = tpu.vector_load %arg10[%parallel_loop3A_295, %parallel_loop3A_296] {strides = array<i32>} : memref<200x64xf32, #tpu.memory_space<vmem>>, vector<1x16xf32>,
      %parallel_loop3A_298 = vector.shape_cast %parallel_loop3A_297 : vector<1x16xf32> to vector<16xf32>
      %parallel_loop3A_299 = vector.shape_cast %parallel_loop3A_294 : vector<16xf32> to vector<1x16xf32>
      tpu.vector_store %arg10[%parallel_loop3A_295, %parallel_loop3A_296], %parallel_loop3A_299 {strides = array<i32>} : memref<200x64xf32, #tpu.memory_space<vmem>>, vector<1x16xf32>,
      %parallel_loop3A_300 = arith.index_cast %parallel_loop3A_285 : i32 to index
      %parallel_loop3A_301 = arith.constant 16 : index
      %parallel_loop3A_302 = tpu.vector_load %arg10[%parallel_loop3A_300, %parallel_loop3A_301] {strides = array<i32>} : memref<200x64xf32, #tpu.memory_space<vmem>>, vector<1x16xf32>,
      %parallel_loop3A_303 = vector.shape_cast %parallel_loop3A_302 : vector<1x16xf32> to vector<16xf32>
      %parallel_loop3A_304 = arith.index_cast %parallel_loop3A_285 : i32 to index
      %parallel_loop3A_305 = arith.constant 16 : index
      %parallel_loop3A_306 = tpu.vector_load %arg7[%parallel_loop3A_304, %parallel_loop3A_305] {strides = array<i32>} : memref<200x64xf32, #tpu.memory_space<vmem>>, vector<1x16xf32>,
      %parallel_loop3A_307 = vector.shape_cast %parallel_loop3A_306 : vector<1x16xf32> to vector<16xf32>
      %parallel_loop3A_308 = arith.addf %parallel_loop3A_303, %parallel_loop3A_307 : vector<16xf32>
      %parallel_loop3A_309 = arith.index_cast %parallel_loop3A_285 : i32 to index
      %parallel_loop3A_310 = arith.constant 16 : index
      %parallel_loop3A_311 = tpu.vector_load %arg10[%parallel_loop3A_309, %parallel_loop3A_310] {strides = array<i32>} : memref<200x64xf32, #tpu.memory_space<vmem>>, vector<1x16xf32>,
      %parallel_loop3A_312 = vector.shape_cast %parallel_loop3A_311 : vector<1x16xf32> to vector<16xf32>
      %parallel_loop3A_313 = vector.shape_cast %parallel_loop3A_308 : vector<16xf32> to vector<1x16xf32>
      tpu.vector_store %arg10[%parallel_loop3A_309, %parallel_loop3A_310], %parallel_loop3A_313 {strides = array<i32>} : memref<200x64xf32, #tpu.memory_space<vmem>>, vector<1x16xf32>,
      %parallel_loop3A_314 = arith.index_cast %parallel_loop3A_285 : i32 to index
      %parallel_loop3A_315 = arith.constant 32 : index
      %parallel_loop3A_316 = tpu.vector_load %arg10[%parallel_loop3A_314, %parallel_loop3A_315] {strides = array<i32>} : memref<200x64xf32, #tpu.memory_space<vmem>>, vector<1x16xf32>,
      %parallel_loop3A_317 = vector.shape_cast %parallel_loop3A_316 : vector<1x16xf32> to vector<16xf32>
      %parallel_loop3A_318 = arith.index_cast %parallel_loop3A_285 : i32 to index
      %parallel_loop3A_319 = arith.constant 32 : index
      %parallel_loop3A_320 = tpu.vector_load %arg7[%parallel_loop3A_318, %parallel_loop3A_319] {strides = array<i32>} : memref<200x64xf32, #tpu.memory_space<vmem>>, vector<1x16xf32>,
      %parallel_loop3A_321 = vector.shape_cast %parallel_loop3A_320 : vector<1x16xf32> to vector<16xf32>
      %parallel_loop3A_322 = arith.addf %parallel_loop3A_317, %parallel_loop3A_321 : vector<16xf32>
      %parallel_loop3A_323 = arith.index_cast %parallel_loop3A_285 : i32 to index
      %parallel_loop3A_324 = arith.constant 32 : index
      %parallel_loop3A_325 = tpu.vector_load %arg10[%parallel_loop3A_323, %parallel_loop3A_324] {strides = array<i32>} : memref<200x64xf32, #tpu.memory_space<vmem>>, vector<1x16xf32>,
      %parallel_loop3A_326 = vector.shape_cast %parallel_loop3A_325 : vector<1x16xf32> to vector<16xf32>
      %parallel_loop3A_327 = vector.shape_cast %parallel_loop3A_322 : vector<16xf32> to vector<1x16xf32>
      tpu.vector_store %arg10[%parallel_loop3A_323, %parallel_loop3A_324], %parallel_loop3A_327 {strides = array<i32>} : memref<200x64xf32, #tpu.memory_space<vmem>>, vector<1x16xf32>,
      %parallel_loop3A_328 = arith.index_cast %parallel_loop3A_285 : i32 to index
      %parallel_loop3A_329 = arith.constant 48 : index
      %parallel_loop3A_330 = tpu.vector_load %arg10[%parallel_loop3A_328, %parallel_loop3A_329] {strides = array<i32>} : memref<200x64xf32, #tpu.memory_space<vmem>>, vector<1x16xf32>,
      %parallel_loop3A_331 = vector.shape_cast %parallel_loop3A_330 : vector<1x16xf32> to vector<16xf32>
      %parallel_loop3A_332 = arith.index_cast %parallel_loop3A_285 : i32 to index
      %parallel_loop3A_333 = arith.constant 48 : index
      %parallel_loop3A_334 = tpu.vector_load %arg7[%parallel_loop3A_332, %parallel_loop3A_333] {strides = array<i32>} : memref<200x64xf32, #tpu.memory_space<vmem>>, vector<1x16xf32>,
      %parallel_loop3A_335 = vector.shape_cast %parallel_loop3A_334 : vector<1x16xf32> to vector<16xf32>
      %parallel_loop3A_336 = arith.addf %parallel_loop3A_331, %parallel_loop3A_335 : vector<16xf32>
      %parallel_loop3A_337 = arith.index_cast %parallel_loop3A_285 : i32 to index
      %parallel_loop3A_338 = arith.constant 48 : index
      %parallel_loop3A_339 = tpu.vector_load %arg10[%parallel_loop3A_337, %parallel_loop3A_338] {strides = array<i32>} : memref<200x64xf32, #tpu.memory_space<vmem>>, vector<1x16xf32>,
      %parallel_loop3A_340 = vector.shape_cast %parallel_loop3A_339 : vector<1x16xf32> to vector<16xf32>
      %parallel_loop3A_341 = vector.shape_cast %parallel_loop3A_336 : vector<16xf32> to vector<1x16xf32>
      tpu.vector_store %arg10[%parallel_loop3A_337, %parallel_loop3A_338], %parallel_loop3A_341 {strides = array<i32>} : memref<200x64xf32, #tpu.memory_space<vmem>>, vector<1x16xf32>,
    } {sc.loop_unroll_factor = 4 : i64, sc.parallel_access}
    %add3A_78 = arith.constant 2 : i32
    %add3A_79 = arith.addi %mul3A_2, %add3A_78 : i32
    %dma_start3A_80 = arith.constant 0 : i32
    %dma_start3A_81 = arith.constant 0 : i32
    %dma_start3A_82 = tpu.memref_slice %arg5[%add3A_79, %dma_start3A_80, %dma_start3A_81] : memref<4096x200x128xf32, #tpu.memory_space<hbm>> -> memref<1x200x64xf32, #tpu.memory_space<hbm>>
    %dma_start3A_83 = tpu.memref_squeeze %dma_start3A_82 : memref<1x200x64xf32, #tpu.memory_space<hbm>> -> memref<200x64xf32, #tpu.memory_space<hbm>>
    %dma_start3A_84 = arith.constant 0 : i32
    %dma_start3A_85 = arith.constant 0 : i32
    %dma_start3A_86 = tpu.memref_slice %arg5[%add3A_79, %dma_start3A_84, %dma_start3A_85] : memref<4096x200x128xf32, #tpu.memory_space<hbm>> -> memref<1x200x64xf32, #tpu.memory_space<hbm>>
    %dma_start3A_87 = tpu.memref_squeeze %dma_start3A_86 : memref<1x200x64xf32, #tpu.memory_space<hbm>> -> memref<200x64xf32, #tpu.memory_space<hbm>>
    tpu.enqueue_dma source(%arg10 : memref<200x64xf32, #tpu.memory_space<vmem>>) target(%dma_start3A_87 : memref<200x64xf32, #tpu.memory_space<hbm>>) target_semaphore(%arg18 : memref<!tpu.dma_semaphore, #tpu.memory_space<semaphore_mem>>)
    %dma_wait3A_88 = arith.constant 0 : i32
    %dma_wait3A_89 = arith.constant 0 : i32
    %dma_wait3A_90 = tpu.memref_slice %arg5[%mul3A_2, %dma_wait3A_88, %dma_wait3A_89] : memref<4096x200x128xf32, #tpu.memory_space<hbm>> -> memref<1x200x64xf32, #tpu.memory_space<hbm>>
    %dma_wait3A_91 = tpu.memref_squeeze %dma_wait3A_90 : memref<1x200x64xf32, #tpu.memory_space<hbm>> -> memref<200x64xf32, #tpu.memory_space<hbm>>
    %dma_wait3A_92 = arith.constant 0 : i32
    %dma_wait3A_93 = arith.constant 0 : i32
    %dma_wait3A_94 = tpu.memref_slice %arg5[%mul3A_2, %dma_wait3A_92, %dma_wait3A_93] : memref<4096x200x128xf32, #tpu.memory_space<hbm>> -> memref<1x200x64xf32, #tpu.memory_space<hbm>>
    %dma_wait3A_95 = tpu.memref_squeeze %dma_wait3A_94 : memref<1x200x64xf32, #tpu.memory_space<hbm>> -> memref<200x64xf32, #tpu.memory_space<hbm>>
    tpu.wait_dma2 semaphore(%arg16 : memref<!tpu.dma_semaphore, #tpu.memory_space<semaphore_mem>>) src(%arg8 : memref<200x64xf32, #tpu.memory_space<vmem>>) dst(%dma_wait3A_95 : memref<200x64xf32, #tpu.memory_space<hbm>>)
    %dma_start3A_96 = arith.constant 4 : i32
    %dma_start3A_97 = arith.constant 0 : i32
    %dma_start3A_98 = tpu.memref_slice %arg6[%dma_start3A_96, %dma_start3A_97] : memref<128x200xi32, #tpu.memory_space<vmem>> -> memref<1x200xi32, #tpu.memory_space<vmem>>
    %dma_start3A_99 = tpu.memref_squeeze %dma_start3A_98 : memref<1x200xi32, #tpu.memory_space<vmem>> -> memref<200xi32, #tpu.memory_space<vmem>>
    %dma_start3A_100 = arith.constant 0 : i32
    %dma_start3A_101 = arith.constant 0 : i32
    %dma_start3A_102 = tpu.memref_slice %arg3[%dma_start3A_100, %dma_start3A_101] : memref<1000000x64xf32, #tpu.memory_space<hbm>> -> memref<1000000x64xf32, #tpu.memory_space<hbm>>
    tpu.enqueue_indirect_dma source(%dma_start3A_102 : memref<1000000x64xf32, #tpu.memory_space<hbm>>) target(%arg8 : memref<200x64xf32, #tpu.memory_space<vmem>>) offsets(%dma_start3A_99 : memref<200xi32, #tpu.memory_space<vmem>>) semaphore(%arg12 : memref<!tpu.dma_semaphore, #tpu.memory_space<semaphore_mem>>)
    %dma_wait3A_103 = arith.constant 0 : i32
    %dma_wait3A_104 = arith.constant 0 : i32
    %dma_wait3A_105 = tpu.memref_slice %arg6[%dma_wait3A_103, %dma_wait3A_104] : memref<128x200xi32, #tpu.memory_space<vmem>> -> memref<1x200xi32, #tpu.memory_space<vmem>>
    %dma_wait3A_106 = tpu.memref_squeeze %dma_wait3A_105 : memref<1x200xi32, #tpu.memory_space<vmem>> -> memref<200xi32, #tpu.memory_space<vmem>>
    %dma_wait3A_107 = arith.constant 0 : i32
    %dma_wait3A_108 = arith.constant 0 : i32
    %dma_wait3A_109 = tpu.memref_slice %arg3[%dma_wait3A_107, %dma_wait3A_108] : memref<1000000x64xf32, #tpu.memory_space<hbm>> -> memref<1000000x64xf32, #tpu.memory_space<hbm>>
    tpu.wait_indirect_dma semaphore(%arg15 : memref<!tpu.dma_semaphore, #tpu.memory_space<semaphore_mem>>) src(%dma_wait3A_109 : memref<1000000x64xf32, #tpu.memory_space<hbm>>) dst(%arg11 : memref<200x64xf32, #tpu.memory_space<vmem>>)
    %parallel_loop3A_110 = arith.constant 0 : i32
    %parallel_loop3A_111 = arith.constant 200 : i32
    %parallel_loop3A_112 = arith.constant 1 : i32
    scf.for %parallel_loop3A_285 = %parallel_loop3A_110 to %parallel_loop3A_111 step %parallel_loop3A_112  : i32 {
      %parallel_loop3A_286 = arith.index_cast %parallel_loop3A_285 : i32 to index
      %parallel_loop3A_287 = arith.constant 0 : index
      %parallel_loop3A_288 = tpu.vector_load %arg11[%parallel_loop3A_286, %parallel_loop3A_287] {strides = array<i32>} : memref<200x64xf32, #tpu.memory_space<vmem>>, vector<1x16xf32>,
      %parallel_loop3A_289 = vector.shape_cast %parallel_loop3A_288 : vector<1x16xf32> to vector<16xf32>
      %parallel_loop3A_290 = arith.index_cast %parallel_loop3A_285 : i32 to index
      %parallel_loop3A_291 = arith.constant 0 : index
      %parallel_loop3A_292 = tpu.vector_load %arg7[%parallel_loop3A_290, %parallel_loop3A_291] {strides = array<i32>} : memref<200x64xf32, #tpu.memory_space<vmem>>, vector<1x16xf32>,
      %parallel_loop3A_293 = vector.shape_cast %parallel_loop3A_292 : vector<1x16xf32> to vector<16xf32>
      %parallel_loop3A_294 = arith.addf %parallel_loop3A_289, %parallel_loop3A_293 : vector<16xf32>
      %parallel_loop3A_295 = arith.index_cast %parallel_loop3A_285 : i32 to index
      %parallel_loop3A_296 = arith.constant 0 : index
      %parallel_loop3A_297 = tpu.vector_load %arg11[%parallel_loop3A_295, %parallel_loop3A_296] {strides = array<i32>} : memref<200x64xf32, #tpu.memory_space<vmem>>, vector<1x16xf32>,
      %parallel_loop3A_298 = vector.shape_cast %parallel_loop3A_297 : vector<1x16xf32> to vector<16xf32>
      %parallel_loop3A_299 = vector.shape_cast %parallel_loop3A_294 : vector<16xf32> to vector<1x16xf32>
      tpu.vector_store %arg11[%parallel_loop3A_295, %parallel_loop3A_296], %parallel_loop3A_299 {strides = array<i32>} : memref<200x64xf32, #tpu.memory_space<vmem>>, vector<1x16xf32>,
      %parallel_loop3A_300 = arith.index_cast %parallel_loop3A_285 : i32 to index
      %parallel_loop3A_301 = arith.constant 16 : index
      %parallel_loop3A_302 = tpu.vector_load %arg11[%parallel_loop3A_300, %parallel_loop3A_301] {strides = array<i32>} : memref<200x64xf32, #tpu.memory_space<vmem>>, vector<1x16xf32>,
      %parallel_loop3A_303 = vector.shape_cast %parallel_loop3A_302 : vector<1x16xf32> to vector<16xf32>
      %parallel_loop3A_304 = arith.index_cast %parallel_loop3A_285 : i32 to index
      %parallel_loop3A_305 = arith.constant 16 : index
      %parallel_loop3A_306 = tpu.vector_load %arg7[%parallel_loop3A_304, %parallel_loop3A_305] {strides = array<i32>} : memref<200x64xf32, #tpu.memory_space<vmem>>, vector<1x16xf32>,
      %parallel_loop3A_307 = vector.shape_cast %parallel_loop3A_306 : vector<1x16xf32> to vector<16xf32>
      %parallel_loop3A_308 = arith.addf %parallel_loop3A_303, %parallel_loop3A_307 : vector<16xf32>
      %parallel_loop3A_309 = arith.index_cast %parallel_loop3A_285 : i32 to index
      %parallel_loop3A_310 = arith.constant 16 : index
      %parallel_loop3A_311 = tpu.vector_load %arg11[%parallel_loop3A_309, %parallel_loop3A_310] {strides = array<i32>} : memref<200x64xf32, #tpu.memory_space<vmem>>, vector<1x16xf32>,
      %parallel_loop3A_312 = vector.shape_cast %parallel_loop3A_311 : vector<1x16xf32> to vector<16xf32>
      %parallel_loop3A_313 = vector.shape_cast %parallel_loop3A_308 : vector<16xf32> to vector<1x16xf32>
      tpu.vector_store %arg11[%parallel_loop3A_309, %parallel_loop3A_310], %parallel_loop3A_313 {strides = array<i32>} : memref<200x64xf32, #tpu.memory_space<vmem>>, vector<1x16xf32>,
      %parallel_loop3A_314 = arith.index_cast %parallel_loop3A_285 : i32 to index
      %parallel_loop3A_315 = arith.constant 32 : index
      %parallel_loop3A_316 = tpu.vector_load %arg11[%parallel_loop3A_314, %parallel_loop3A_315] {strides = array<i32>} : memref<200x64xf32, #tpu.memory_space<vmem>>, vector<1x16xf32>,
      %parallel_loop3A_317 = vector.shape_cast %parallel_loop3A_316 : vector<1x16xf32> to vector<16xf32>
      %parallel_loop3A_318 = arith.index_cast %parallel_loop3A_285 : i32 to index
      %parallel_loop3A_319 = arith.constant 32 : index
      %parallel_loop3A_320 = tpu.vector_load %arg7[%parallel_loop3A_318, %parallel_loop3A_319] {strides = array<i32>} : memref<200x64xf32, #tpu.memory_space<vmem>>, vector<1x16xf32>,
      %parallel_loop3A_321 = vector.shape_cast %parallel_loop3A_320 : vector<1x16xf32> to vector<16xf32>
      %parallel_loop3A_322 = arith.addf %parallel_loop3A_317, %parallel_loop3A_321 : vector<16xf32>
      %parallel_loop3A_323 = arith.index_cast %parallel_loop3A_285 : i32 to index
      %parallel_loop3A_324 = arith.constant 32 : index
      %parallel_loop3A_325 = tpu.vector_load %arg11[%parallel_loop3A_323, %parallel_loop3A_324] {strides = array<i32>} : memref<200x64xf32, #tpu.memory_space<vmem>>, vector<1x16xf32>,
      %parallel_loop3A_326 = vector.shape_cast %parallel_loop3A_325 : vector<1x16xf32> to vector<16xf32>
      %parallel_loop3A_327 = vector.shape_cast %parallel_loop3A_322 : vector<16xf32> to vector<1x16xf32>
      tpu.vector_store %arg11[%parallel_loop3A_323, %parallel_loop3A_324], %parallel_loop3A_327 {strides = array<i32>} : memref<200x64xf32, #tpu.memory_space<vmem>>, vector<1x16xf32>,
      %parallel_loop3A_328 = arith.index_cast %parallel_loop3A_285 : i32 to index
      %parallel_loop3A_329 = arith.constant 48 : index
      %parallel_loop3A_330 = tpu.vector_load %arg11[%parallel_loop3A_328, %parallel_loop3A_329] {strides = array<i32>} : memref<200x64xf32, #tpu.memory_space<vmem>>, vector<1x16xf32>,
      %parallel_loop3A_331 = vector.shape_cast %parallel_loop3A_330 : vector<1x16xf32> to vector<16xf32>
      %parallel_loop3A_332 = arith.index_cast %parallel_loop3A_285 : i32 to index
      %parallel_loop3A_333 = arith.constant 48 : index
      %parallel_loop3A_334 = tpu.vector_load %arg7[%parallel_loop3A_332, %parallel_loop3A_333] {strides = array<i32>} : memref<200x64xf32, #tpu.memory_space<vmem>>, vector<1x16xf32>,
      %parallel_loop3A_335 = vector.shape_cast %parallel_loop3A_334 : vector<1x16xf32> to vector<16xf32>
      %parallel_loop3A_336 = arith.addf %parallel_loop3A_331, %parallel_loop3A_335 : vector<16xf32>
      %parallel_loop3A_337 = arith.index_cast %parallel_loop3A_285 : i32 to index
      %parallel_loop3A_338 = arith.constant 48 : index
      %parallel_loop3A_339 = tpu.vector_load %arg11[%parallel_loop3A_337, %parallel_loop3A_338] {strides = array<i32>} : memref<200x64xf32, #tpu.memory_space<vmem>>, vector<1x16xf32>,
      %parallel_loop3A_340 = vector.shape_cast %parallel_loop3A_339 : vector<1x16xf32> to vector<16xf32>
      %parallel_loop3A_341 = vector.shape_cast %parallel_loop3A_336 : vector<16xf32> to vector<1x16xf32>
      tpu.vector_store %arg11[%parallel_loop3A_337, %parallel_loop3A_338], %parallel_loop3A_341 {strides = array<i32>} : memref<200x64xf32, #tpu.memory_space<vmem>>, vector<1x16xf32>,
    } {sc.loop_unroll_factor = 4 : i64, sc.parallel_access}
    %add3A_113 = arith.constant 3 : i32
    %add3A_114 = arith.addi %mul3A_2, %add3A_113 : i32
    %dma_start3A_115 = arith.constant 0 : i32
    %dma_start3A_116 = arith.constant 0 : i32
    %dma_start3A_117 = tpu.memref_slice %arg5[%add3A_114, %dma_start3A_115, %dma_start3A_116] : memref<4096x200x128xf32, #tpu.memory_space<hbm>> -> memref<1x200x64xf32, #tpu.memory_space<hbm>>
    %dma_start3A_118 = tpu.memref_squeeze %dma_start3A_117 : memref<1x200x64xf32, #tpu.memory_space<hbm>> -> memref<200x64xf32, #tpu.memory_space<hbm>>
    %dma_start3A_119 = arith.constant 0 : i32
    %dma_start3A_120 = arith.constant 0 : i32
    %dma_start3A_121 = tpu.memref_slice %arg5[%add3A_114, %dma_start3A_119, %dma_start3A_120] : memref<4096x200x128xf32, #tpu.memory_space<hbm>> -> memref<1x200x64xf32, #tpu.memory_space<hbm>>
    %dma_start3A_122 = tpu.memref_squeeze %dma_start3A_121 : memref<1x200x64xf32, #tpu.memory_space<hbm>> -> memref<200x64xf32, #tpu.memory_space<hbm>>
    tpu.enqueue_dma source(%arg11 : memref<200x64xf32, #tpu.memory_space<vmem>>) target(%dma_start3A_122 : memref<200x64xf32, #tpu.memory_space<hbm>>) target_semaphore(%arg19 : memref<!tpu.dma_semaphore, #tpu.memory_space<semaphore_mem>>)
    %dma_wait3A_123 = arith.constant 0 : i32
    %dma_wait3A_124 = arith.constant 0 : i32
    %dma_wait3A_125 = tpu.memref_slice %arg5[%mul3A_2, %dma_wait3A_123, %dma_wait3A_124] : memref<4096x200x128xf32, #tpu.memory_space<hbm>> -> memref<1x200x64xf32, #tpu.memory_space<hbm>>
    %dma_wait3A_126 = tpu.memref_squeeze %dma_wait3A_125 : memref<1x200x64xf32, #tpu.memory_space<hbm>> -> memref<200x64xf32, #tpu.memory_space<hbm>>
    %dma_wait3A_127 = arith.constant 0 : i32
    %dma_wait3A_128 = arith.constant 0 : i32
    %dma_wait3A_129 = tpu.memref_slice %arg5[%mul3A_2, %dma_wait3A_127, %dma_wait3A_128] : memref<4096x200x128xf32, #tpu.memory_space<hbm>> -> memref<1x200x64xf32, #tpu.memory_space<hbm>>
    %dma_wait3A_130 = tpu.memref_squeeze %dma_wait3A_129 : memref<1x200x64xf32, #tpu.memory_space<hbm>> -> memref<200x64xf32, #tpu.memory_space<hbm>>
    tpu.wait_dma2 semaphore(%arg17 : memref<!tpu.dma_semaphore, #tpu.memory_space<semaphore_mem>>) src(%arg9 : memref<200x64xf32, #tpu.memory_space<vmem>>) dst(%dma_wait3A_130 : memref<200x64xf32, #tpu.memory_space<hbm>>)
    %dma_start3A_131 = arith.constant 5 : i32
    %dma_start3A_132 = arith.constant 0 : i32
    %dma_start3A_133 = tpu.memref_slice %arg6[%dma_start3A_131, %dma_start3A_132] : memref<128x200xi32, #tpu.memory_space<vmem>> -> memref<1x200xi32, #tpu.memory_space<vmem>>
    %dma_start3A_134 = tpu.memref_squeeze %dma_start3A_133 : memref<1x200xi32, #tpu.memory_space<vmem>> -> memref<200xi32, #tpu.memory_space<vmem>>
    %dma_start3A_135 = arith.constant 0 : i32
    %dma_start3A_136 = arith.constant 0 : i32
    %dma_start3A_137 = tpu.memref_slice %arg3[%dma_start3A_135, %dma_start3A_136] : memref<1000000x64xf32, #tpu.memory_space<hbm>> -> memref<1000000x64xf32, #tpu.memory_space<hbm>>
    tpu.enqueue_indirect_dma source(%dma_start3A_137 : memref<1000000x64xf32, #tpu.memory_space<hbm>>) target(%arg9 : memref<200x64xf32, #tpu.memory_space<vmem>>) offsets(%dma_start3A_134 : memref<200xi32, #tpu.memory_space<vmem>>) semaphore(%arg13 : memref<!tpu.dma_semaphore, #tpu.memory_space<semaphore_mem>>)
    %scan3A = arith.constant 0 : i32
    %scan3A_138 = arith.constant 1 : i32
    %scan3A_139 = arith.constant 30 : i32
    %scan3A_140 = arith.addi %scan3A_138, %scan3A_139 : i32
    %scan3A_141 = arith.constant 1 : i32
    scf.for %scan3A_285 = %scan3A_138 to %scan3A_140 step %scan3A_141  : i32 {
      %mul3A_286 = arith.constant 4 : i32
      %mul3A_287 = arith.muli %mul3A_286, %scan3A_285 : i32
      %add3A_288 = arith.constant 0 : i32
      %add3A_289 = arith.addi %mul3A_287, %add3A_288 : i32
      %dma_wait3A_290 = arith.constant 0 : i32
      %dma_wait3A_291 = arith.constant 0 : i32
      %dma_wait3A_292 = tpu.memref_slice %arg6[%dma_wait3A_290, %dma_wait3A_291] : memref<128x200xi32, #tpu.memory_space<vmem>> -> memref<1x200xi32, #tpu.memory_space<vmem>>
      %dma_wait3A_293 = tpu.memref_squeeze %dma_wait3A_292 : memref<1x200xi32, #tpu.memory_space<vmem>> -> memref<200xi32, #tpu.memory_space<vmem>>
      %dma_wait3A_294 = arith.constant 0 : i32
      %dma_wait3A_295 = arith.constant 0 : i32
      %dma_wait3A_296 = tpu.memref_slice %arg3[%dma_wait3A_294, %dma_wait3A_295] : memref<1000000x64xf32, #tpu.memory_space<hbm>> -> memref<1000000x64xf32, #tpu.memory_space<hbm>>
      tpu.wait_indirect_dma semaphore(%arg12 : memref<!tpu.dma_semaphore, #tpu.memory_space<semaphore_mem>>) src(%dma_wait3A_296 : memref<1000000x64xf32, #tpu.memory_space<hbm>>) dst(%arg8 : memref<200x64xf32, #tpu.memory_space<vmem>>)
      %parallel_loop3A_297 = arith.constant 0 : i32
      %parallel_loop3A_298 = arith.constant 200 : i32
      %parallel_loop3A_299 = arith.constant 1 : i32
      scf.for %parallel_loop3A_442 = %parallel_loop3A_297 to %parallel_loop3A_298 step %parallel_loop3A_299  : i32 {
        %parallel_loop3A_443 = arith.index_cast %parallel_loop3A_442 : i32 to index
        %parallel_loop3A_444 = arith.constant 0 : index
        %parallel_loop3A_445 = tpu.vector_load %arg8[%parallel_loop3A_443, %parallel_loop3A_444] {strides = array<i32>} : memref<200x64xf32, #tpu.memory_space<vmem>>, vector<1x16xf32>,
        %parallel_loop3A_446 = vector.shape_cast %parallel_loop3A_445 : vector<1x16xf32> to vector<16xf32>
        %parallel_loop3A_447 = arith.index_cast %parallel_loop3A_442 : i32 to index
        %parallel_loop3A_448 = arith.constant 0 : index
        %parallel_loop3A_449 = tpu.vector_load %arg7[%parallel_loop3A_447, %parallel_loop3A_448] {strides = array<i32>} : memref<200x64xf32, #tpu.memory_space<vmem>>, vector<1x16xf32>,
        %parallel_loop3A_450 = vector.shape_cast %parallel_loop3A_449 : vector<1x16xf32> to vector<16xf32>
        %parallel_loop3A_451 = arith.addf %parallel_loop3A_446, %parallel_loop3A_450 : vector<16xf32>
        %parallel_loop3A_452 = arith.index_cast %parallel_loop3A_442 : i32 to index
        %parallel_loop3A_453 = arith.constant 0 : index
        %parallel_loop3A_454 = tpu.vector_load %arg8[%parallel_loop3A_452, %parallel_loop3A_453] {strides = array<i32>} : memref<200x64xf32, #tpu.memory_space<vmem>>, vector<1x16xf32>,
        %parallel_loop3A_455 = vector.shape_cast %parallel_loop3A_454 : vector<1x16xf32> to vector<16xf32>
        %parallel_loop3A_456 = vector.shape_cast %parallel_loop3A_451 : vector<16xf32> to vector<1x16xf32>
        tpu.vector_store %arg8[%parallel_loop3A_452, %parallel_loop3A_453], %parallel_loop3A_456 {strides = array<i32>} : memref<200x64xf32, #tpu.memory_space<vmem>>, vector<1x16xf32>,
        %parallel_loop3A_457 = arith.index_cast %parallel_loop3A_442 : i32 to index
        %parallel_loop3A_458 = arith.constant 16 : index
        %parallel_loop3A_459 = tpu.vector_load %arg8[%parallel_loop3A_457, %parallel_loop3A_458] {strides = array<i32>} : memref<200x64xf32, #tpu.memory_space<vmem>>, vector<1x16xf32>,
        %parallel_loop3A_460 = vector.shape_cast %parallel_loop3A_459 : vector<1x16xf32> to vector<16xf32>
        %parallel_loop3A_461 = arith.index_cast %parallel_loop3A_442 : i32 to index
        %parallel_loop3A_462 = arith.constant 16 : index
        %parallel_loop3A_463 = tpu.vector_load %arg7[%parallel_loop3A_461, %parallel_loop3A_462] {strides = array<i32>} : memref<200x64xf32, #tpu.memory_space<vmem>>, vector<1x16xf32>,
        %parallel_loop3A_464 = vector.shape_cast %parallel_loop3A_463 : vector<1x16xf32> to vector<16xf32>
        %parallel_loop3A_465 = arith.addf %parallel_loop3A_460, %parallel_loop3A_464 : vector<16xf32>
        %parallel_loop3A_466 = arith.index_cast %parallel_loop3A_442 : i32 to index
        %parallel_loop3A_467 = arith.constant 16 : index
        %parallel_loop3A_468 = tpu.vector_load %arg8[%parallel_loop3A_466, %parallel_loop3A_467] {strides = array<i32>} : memref<200x64xf32, #tpu.memory_space<vmem>>, vector<1x16xf32>,
        %parallel_loop3A_469 = vector.shape_cast %parallel_loop3A_468 : vector<1x16xf32> to vector<16xf32>
        %parallel_loop3A_470 = vector.shape_cast %parallel_loop3A_465 : vector<16xf32> to vector<1x16xf32>
        tpu.vector_store %arg8[%parallel_loop3A_466, %parallel_loop3A_467], %parallel_loop3A_470 {strides = array<i32>} : memref<200x64xf32, #tpu.memory_space<vmem>>, vector<1x16xf32>,
        %parallel_loop3A_471 = arith.index_cast %parallel_loop3A_442 : i32 to index
        %parallel_loop3A_472 = arith.constant 32 : index
        %parallel_loop3A_473 = tpu.vector_load %arg8[%parallel_loop3A_471, %parallel_loop3A_472] {strides = array<i32>} : memref<200x64xf32, #tpu.memory_space<vmem>>, vector<1x16xf32>,
        %parallel_loop3A_474 = vector.shape_cast %parallel_loop3A_473 : vector<1x16xf32> to vector<16xf32>
        %parallel_loop3A_475 = arith.index_cast %parallel_loop3A_442 : i32 to index
        %parallel_loop3A_476 = arith.constant 32 : index
        %parallel_loop3A_477 = tpu.vector_load %arg7[%parallel_loop3A_475, %parallel_loop3A_476] {strides = array<i32>} : memref<200x64xf32, #tpu.memory_space<vmem>>, vector<1x16xf32>,
        %parallel_loop3A_478 = vector.shape_cast %parallel_loop3A_477 : vector<1x16xf32> to vector<16xf32>
        %parallel_loop3A_479 = arith.addf %parallel_loop3A_474, %parallel_loop3A_478 : vector<16xf32>
        %parallel_loop3A_480 = arith.index_cast %parallel_loop3A_442 : i32 to index
        %parallel_loop3A_481 = arith.constant 32 : index
        %parallel_loop3A_482 = tpu.vector_load %arg8[%parallel_loop3A_480, %parallel_loop3A_481] {strides = array<i32>} : memref<200x64xf32, #tpu.memory_space<vmem>>, vector<1x16xf32>,
        %parallel_loop3A_483 = vector.shape_cast %parallel_loop3A_482 : vector<1x16xf32> to vector<16xf32>
        %parallel_loop3A_484 = vector.shape_cast %parallel_loop3A_479 : vector<16xf32> to vector<1x16xf32>
        tpu.vector_store %arg8[%parallel_loop3A_480, %parallel_loop3A_481], %parallel_loop3A_484 {strides = array<i32>} : memref<200x64xf32, #tpu.memory_space<vmem>>, vector<1x16xf32>,
        %parallel_loop3A_485 = arith.index_cast %parallel_loop3A_442 : i32 to index
        %parallel_loop3A_486 = arith.constant 48 : index
        %parallel_loop3A_487 = tpu.vector_load %arg8[%parallel_loop3A_485, %parallel_loop3A_486] {strides = array<i32>} : memref<200x64xf32, #tpu.memory_space<vmem>>, vector<1x16xf32>,
        %parallel_loop3A_488 = vector.shape_cast %parallel_loop3A_487 : vector<1x16xf32> to vector<16xf32>
        %parallel_loop3A_489 = arith.index_cast %parallel_loop3A_442 : i32 to index
        %parallel_loop3A_490 = arith.constant 48 : index
        %parallel_loop3A_491 = tpu.vector_load %arg7[%parallel_loop3A_489, %parallel_loop3A_490] {strides = array<i32>} : memref<200x64xf32, #tpu.memory_space<vmem>>, vector<1x16xf32>,
        %parallel_loop3A_492 = vector.shape_cast %parallel_loop3A_491 : vector<1x16xf32> to vector<16xf32>
        %parallel_loop3A_493 = arith.addf %parallel_loop3A_488, %parallel_loop3A_492 : vector<16xf32>
        %parallel_loop3A_494 = arith.index_cast %parallel_loop3A_442 : i32 to index
        %parallel_loop3A_495 = arith.constant 48 : index
        %parallel_loop3A_496 = tpu.vector_load %arg8[%parallel_loop3A_494, %parallel_loop3A_495] {strides = array<i32>} : memref<200x64xf32, #tpu.memory_space<vmem>>, vector<1x16xf32>,
        %parallel_loop3A_497 = vector.shape_cast %parallel_loop3A_496 : vector<1x16xf32> to vector<16xf32>
        %parallel_loop3A_498 = vector.shape_cast %parallel_loop3A_493 : vector<16xf32> to vector<1x16xf32>
        tpu.vector_store %arg8[%parallel_loop3A_494, %parallel_loop3A_495], %parallel_loop3A_498 {strides = array<i32>} : memref<200x64xf32, #tpu.memory_space<vmem>>, vector<1x16xf32>,
      } {sc.loop_unroll_factor = 4 : i64, sc.parallel_access}
      %add3A_300 = arith.addi %mul3A_2, %add3A_289 : i32
      %dma_start3A_301 = arith.constant 0 : i32
      %dma_start3A_302 = arith.constant 0 : i32
      %dma_start3A_303 = tpu.memref_slice %arg5[%add3A_300, %dma_start3A_301, %dma_start3A_302] : memref<4096x200x128xf32, #tpu.memory_space<hbm>> -> memref<1x200x64xf32, #tpu.memory_space<hbm>>
      %dma_start3A_304 = tpu.memref_squeeze %dma_start3A_303 : memref<1x200x64xf32, #tpu.memory_space<hbm>> -> memref<200x64xf32, #tpu.memory_space<hbm>>
      %dma_start3A_305 = arith.constant 0 : i32
      %dma_start3A_306 = arith.constant 0 : i32
      %dma_start3A_307 = tpu.memref_slice %arg5[%add3A_300, %dma_start3A_305, %dma_start3A_306] : memref<4096x200x128xf32, #tpu.memory_space<hbm>> -> memref<1x200x64xf32, #tpu.memory_space<hbm>>
      %dma_start3A_308 = tpu.memref_squeeze %dma_start3A_307 : memref<1x200x64xf32, #tpu.memory_space<hbm>> -> memref<200x64xf32, #tpu.memory_space<hbm>>
      tpu.enqueue_dma source(%arg8 : memref<200x64xf32, #tpu.memory_space<vmem>>) target(%dma_start3A_308 : memref<200x64xf32, #tpu.memory_space<hbm>>) target_semaphore(%arg16 : memref<!tpu.dma_semaphore, #tpu.memory_space<semaphore_mem>>)
      %dma_wait3A_309 = arith.constant 0 : i32
      %dma_wait3A_310 = arith.constant 0 : i32
      %dma_wait3A_311 = tpu.memref_slice %arg5[%mul3A_2, %dma_wait3A_309, %dma_wait3A_310] : memref<4096x200x128xf32, #tpu.memory_space<hbm>> -> memref<1x200x64xf32, #tpu.memory_space<hbm>>
      %dma_wait3A_312 = tpu.memref_squeeze %dma_wait3A_311 : memref<1x200x64xf32, #tpu.memory_space<hbm>> -> memref<200x64xf32, #tpu.memory_space<hbm>>
      %dma_wait3A_313 = arith.constant 0 : i32
      %dma_wait3A_314 = arith.constant 0 : i32
      %dma_wait3A_315 = tpu.memref_slice %arg5[%mul3A_2, %dma_wait3A_313, %dma_wait3A_314] : memref<4096x200x128xf32, #tpu.memory_space<hbm>> -> memref<1x200x64xf32, #tpu.memory_space<hbm>>
      %dma_wait3A_316 = tpu.memref_squeeze %dma_wait3A_315 : memref<1x200x64xf32, #tpu.memory_space<hbm>> -> memref<200x64xf32, #tpu.memory_space<hbm>>
      tpu.wait_dma2 semaphore(%arg18 : memref<!tpu.dma_semaphore, #tpu.memory_space<semaphore_mem>>) src(%arg10 : memref<200x64xf32, #tpu.memory_space<vmem>>) dst(%dma_wait3A_316 : memref<200x64xf32, #tpu.memory_space<hbm>>)
      %add3A_317 = arith.constant 2 : i32
      %add3A_318 = arith.addi %add3A_289, %add3A_317 : i32
      %dma_start3A_319 = arith.constant 0 : i32
      %dma_start3A_320 = tpu.memref_slice %arg6[%add3A_318, %dma_start3A_319] : memref<128x200xi32, #tpu.memory_space<vmem>> -> memref<1x200xi32, #tpu.memory_space<vmem>>
      %dma_start3A_321 = tpu.memref_squeeze %dma_start3A_320 : memref<1x200xi32, #tpu.memory_space<vmem>> -> memref<200xi32, #tpu.memory_space<vmem>>
      %dma_start3A_322 = arith.constant 0 : i32
      %dma_start3A_323 = arith.constant 0 : i32
      %dma_start3A_324 = tpu.memref_slice %arg3[%dma_start3A_322, %dma_start3A_323] : memref<1000000x64xf32, #tpu.memory_space<hbm>> -> memref<1000000x64xf32, #tpu.memory_space<hbm>>
      tpu.enqueue_indirect_dma source(%dma_start3A_324 : memref<1000000x64xf32, #tpu.memory_space<hbm>>) target(%arg10 : memref<200x64xf32, #tpu.memory_space<vmem>>) offsets(%dma_start3A_321 : memref<200xi32, #tpu.memory_space<vmem>>) semaphore(%arg14 : memref<!tpu.dma_semaphore, #tpu.memory_space<semaphore_mem>>)
      %mul3A_325 = arith.constant 4 : i32
      %mul3A_326 = arith.muli %mul3A_325, %scan3A_285 : i32
      %add3A_327 = arith.constant 1 : i32
      %add3A_328 = arith.addi %mul3A_326, %add3A_327 : i32
      %dma_wait3A_329 = arith.constant 0 : i32
      %dma_wait3A_330 = arith.constant 0 : i32
      %dma_wait3A_331 = tpu.memref_slice %arg6[%dma_wait3A_329, %dma_wait3A_330] : memref<128x200xi32, #tpu.memory_space<vmem>> -> memref<1x200xi32, #tpu.memory_space<vmem>>
      %dma_wait3A_332 = tpu.memref_squeeze %dma_wait3A_331 : memref<1x200xi32, #tpu.memory_space<vmem>> -> memref<200xi32, #tpu.memory_space<vmem>>
      %dma_wait3A_333 = arith.constant 0 : i32
      %dma_wait3A_334 = arith.constant 0 : i32
      %dma_wait3A_335 = tpu.memref_slice %arg3[%dma_wait3A_333, %dma_wait3A_334] : memref<1000000x64xf32, #tpu.memory_space<hbm>> -> memref<1000000x64xf32, #tpu.memory_space<hbm>>
      tpu.wait_indirect_dma semaphore(%arg13 : memref<!tpu.dma_semaphore, #tpu.memory_space<semaphore_mem>>) src(%dma_wait3A_335 : memref<1000000x64xf32, #tpu.memory_space<hbm>>) dst(%arg9 : memref<200x64xf32, #tpu.memory_space<vmem>>)
      %parallel_loop3A_336 = arith.constant 0 : i32
      %parallel_loop3A_337 = arith.constant 200 : i32
      %parallel_loop3A_338 = arith.constant 1 : i32
      scf.for %parallel_loop3A_442 = %parallel_loop3A_336 to %parallel_loop3A_337 step %parallel_loop3A_338  : i32 {
        %parallel_loop3A_443 = arith.index_cast %parallel_loop3A_442 : i32 to index
        %parallel_loop3A_444 = arith.constant 0 : index
        %parallel_loop3A_445 = tpu.vector_load %arg9[%parallel_loop3A_443, %parallel_loop3A_444] {strides = array<i32>} : memref<200x64xf32, #tpu.memory_space<vmem>>, vector<1x16xf32>,
        %parallel_loop3A_446 = vector.shape_cast %parallel_loop3A_445 : vector<1x16xf32> to vector<16xf32>
        %parallel_loop3A_447 = arith.index_cast %parallel_loop3A_442 : i32 to index
        %parallel_loop3A_448 = arith.constant 0 : index
        %parallel_loop3A_449 = tpu.vector_load %arg7[%parallel_loop3A_447, %parallel_loop3A_448] {strides = array<i32>} : memref<200x64xf32, #tpu.memory_space<vmem>>, vector<1x16xf32>,
        %parallel_loop3A_450 = vector.shape_cast %parallel_loop3A_449 : vector<1x16xf32> to vector<16xf32>
        %parallel_loop3A_451 = arith.addf %parallel_loop3A_446, %parallel_loop3A_450 : vector<16xf32>
        %parallel_loop3A_452 = arith.index_cast %parallel_loop3A_442 : i32 to index
        %parallel_loop3A_453 = arith.constant 0 : index
        %parallel_loop3A_454 = tpu.vector_load %arg9[%parallel_loop3A_452, %parallel_loop3A_453] {strides = array<i32>} : memref<200x64xf32, #tpu.memory_space<vmem>>, vector<1x16xf32>,
        %parallel_loop3A_455 = vector.shape_cast %parallel_loop3A_454 : vector<1x16xf32> to vector<16xf32>
        %parallel_loop3A_456 = vector.shape_cast %parallel_loop3A_451 : vector<16xf32> to vector<1x16xf32>
        tpu.vector_store %arg9[%parallel_loop3A_452, %parallel_loop3A_453], %parallel_loop3A_456 {strides = array<i32>} : memref<200x64xf32, #tpu.memory_space<vmem>>, vector<1x16xf32>,
        %parallel_loop3A_457 = arith.index_cast %parallel_loop3A_442 : i32 to index
        %parallel_loop3A_458 = arith.constant 16 : index
        %parallel_loop3A_459 = tpu.vector_load %arg9[%parallel_loop3A_457, %parallel_loop3A_458] {strides = array<i32>} : memref<200x64xf32, #tpu.memory_space<vmem>>, vector<1x16xf32>,
        %parallel_loop3A_460 = vector.shape_cast %parallel_loop3A_459 : vector<1x16xf32> to vector<16xf32>
        %parallel_loop3A_461 = arith.index_cast %parallel_loop3A_442 : i32 to index
        %parallel_loop3A_462 = arith.constant 16 : index
        %parallel_loop3A_463 = tpu.vector_load %arg7[%parallel_loop3A_461, %parallel_loop3A_462] {strides = array<i32>} : memref<200x64xf32, #tpu.memory_space<vmem>>, vector<1x16xf32>,
        %parallel_loop3A_464 = vector.shape_cast %parallel_loop3A_463 : vector<1x16xf32> to vector<16xf32>
        %parallel_loop3A_465 = arith.addf %parallel_loop3A_460, %parallel_loop3A_464 : vector<16xf32>
        %parallel_loop3A_466 = arith.index_cast %parallel_loop3A_442 : i32 to index
        %parallel_loop3A_467 = arith.constant 16 : index
        %parallel_loop3A_468 = tpu.vector_load %arg9[%parallel_loop3A_466, %parallel_loop3A_467] {strides = array<i32>} : memref<200x64xf32, #tpu.memory_space<vmem>>, vector<1x16xf32>,
        %parallel_loop3A_469 = vector.shape_cast %parallel_loop3A_468 : vector<1x16xf32> to vector<16xf32>
        %parallel_loop3A_470 = vector.shape_cast %parallel_loop3A_465 : vector<16xf32> to vector<1x16xf32>
        tpu.vector_store %arg9[%parallel_loop3A_466, %parallel_loop3A_467], %parallel_loop3A_470 {strides = array<i32>} : memref<200x64xf32, #tpu.memory_space<vmem>>, vector<1x16xf32>,
        %parallel_loop3A_471 = arith.index_cast %parallel_loop3A_442 : i32 to index
        %parallel_loop3A_472 = arith.constant 32 : index
        %parallel_loop3A_473 = tpu.vector_load %arg9[%parallel_loop3A_471, %parallel_loop3A_472] {strides = array<i32>} : memref<200x64xf32, #tpu.memory_space<vmem>>, vector<1x16xf32>,
        %parallel_loop3A_474 = vector.shape_cast %parallel_loop3A_473 : vector<1x16xf32> to vector<16xf32>
        %parallel_loop3A_475 = arith.index_cast %parallel_loop3A_442 : i32 to index
        %parallel_loop3A_476 = arith.constant 32 : index
        %parallel_loop3A_477 = tpu.vector_load %arg7[%parallel_loop3A_475, %parallel_loop3A_476] {strides = array<i32>} : memref<200x64xf32, #tpu.memory_space<vmem>>, vector<1x16xf32>,
        %parallel_loop3A_478 = vector.shape_cast %parallel_loop3A_477 : vector<1x16xf32> to vector<16xf32>
        %parallel_loop3A_479 = arith.addf %parallel_loop3A_474, %parallel_loop3A_478 : vector<16xf32>
        %parallel_loop3A_480 = arith.index_cast %parallel_loop3A_442 : i32 to index
        %parallel_loop3A_481 = arith.constant 32 : index
        %parallel_loop3A_482 = tpu.vector_load %arg9[%parallel_loop3A_480, %parallel_loop3A_481] {strides = array<i32>} : memref<200x64xf32, #tpu.memory_space<vmem>>, vector<1x16xf32>,
        %parallel_loop3A_483 = vector.shape_cast %parallel_loop3A_482 : vector<1x16xf32> to vector<16xf32>
        %parallel_loop3A_484 = vector.shape_cast %parallel_loop3A_479 : vector<16xf32> to vector<1x16xf32>
        tpu.vector_store %arg9[%parallel_loop3A_480, %parallel_loop3A_481], %parallel_loop3A_484 {strides = array<i32>} : memref<200x64xf32, #tpu.memory_space<vmem>>, vector<1x16xf32>,
        %parallel_loop3A_485 = arith.index_cast %parallel_loop3A_442 : i32 to index
        %parallel_loop3A_486 = arith.constant 48 : index
        %parallel_loop3A_487 = tpu.vector_load %arg9[%parallel_loop3A_485, %parallel_loop3A_486] {strides = array<i32>} : memref<200x64xf32, #tpu.memory_space<vmem>>, vector<1x16xf32>,
        %parallel_loop3A_488 = vector.shape_cast %parallel_loop3A_487 : vector<1x16xf32> to vector<16xf32>
        %parallel_loop3A_489 = arith.index_cast %parallel_loop3A_442 : i32 to index
        %parallel_loop3A_490 = arith.constant 48 : index
        %parallel_loop3A_491 = tpu.vector_load %arg7[%parallel_loop3A_489, %parallel_loop3A_490] {strides = array<i32>} : memref<200x64xf32, #tpu.memory_space<vmem>>, vector<1x16xf32>,
        %parallel_loop3A_492 = vector.shape_cast %parallel_loop3A_491 : vector<1x16xf32> to vector<16xf32>
        %parallel_loop3A_493 = arith.addf %parallel_loop3A_488, %parallel_loop3A_492 : vector<16xf32>
        %parallel_loop3A_494 = arith.index_cast %parallel_loop3A_442 : i32 to index
        %parallel_loop3A_495 = arith.constant 48 : index
        %parallel_loop3A_496 = tpu.vector_load %arg9[%parallel_loop3A_494, %parallel_loop3A_495] {strides = array<i32>} : memref<200x64xf32, #tpu.memory_space<vmem>>, vector<1x16xf32>,
        %parallel_loop3A_497 = vector.shape_cast %parallel_loop3A_496 : vector<1x16xf32> to vector<16xf32>
        %parallel_loop3A_498 = vector.shape_cast %parallel_loop3A_493 : vector<16xf32> to vector<1x16xf32>
        tpu.vector_store %arg9[%parallel_loop3A_494, %parallel_loop3A_495], %parallel_loop3A_498 {strides = array<i32>} : memref<200x64xf32, #tpu.memory_space<vmem>>, vector<1x16xf32>,
      } {sc.loop_unroll_factor = 4 : i64, sc.parallel_access}
      %add3A_339 = arith.addi %mul3A_2, %add3A_328 : i32
      %dma_start3A_340 = arith.constant 0 : i32
      %dma_start3A_341 = arith.constant 0 : i32
      %dma_start3A_342 = tpu.memref_slice %arg5[%add3A_339, %dma_start3A_340, %dma_start3A_341] : memref<4096x200x128xf32, #tpu.memory_space<hbm>> -> memref<1x200x64xf32, #tpu.memory_space<hbm>>
      %dma_start3A_343 = tpu.memref_squeeze %dma_start3A_342 : memref<1x200x64xf32, #tpu.memory_space<hbm>> -> memref<200x64xf32, #tpu.memory_space<hbm>>
      %dma_start3A_344 = arith.constant 0 : i32
      %dma_start3A_345 = arith.constant 0 : i32
      %dma_start3A_346 = tpu.memref_slice %arg5[%add3A_339, %dma_start3A_344, %dma_start3A_345] : memref<4096x200x128xf32, #tpu.memory_space<hbm>> -> memref<1x200x64xf32, #tpu.memory_space<hbm>>
      %dma_start3A_347 = tpu.memref_squeeze %dma_start3A_346 : memref<1x200x64xf32, #tpu.memory_space<hbm>> -> memref<200x64xf32, #tpu.memory_space<hbm>>
      tpu.enqueue_dma source(%arg9 : memref<200x64xf32, #tpu.memory_space<vmem>>) target(%dma_start3A_347 : memref<200x64xf32, #tpu.memory_space<hbm>>) target_semaphore(%arg17 : memref<!tpu.dma_semaphore, #tpu.memory_space<semaphore_mem>>)
      %dma_wait3A_348 = arith.constant 0 : i32
      %dma_wait3A_349 = arith.constant 0 : i32
      %dma_wait3A_350 = tpu.memref_slice %arg5[%mul3A_2, %dma_wait3A_348, %dma_wait3A_349] : memref<4096x200x128xf32, #tpu.memory_space<hbm>> -> memref<1x200x64xf32, #tpu.memory_space<hbm>>
      %dma_wait3A_351 = tpu.memref_squeeze %dma_wait3A_350 : memref<1x200x64xf32, #tpu.memory_space<hbm>> -> memref<200x64xf32, #tpu.memory_space<hbm>>
      %dma_wait3A_352 = arith.constant 0 : i32
      %dma_wait3A_353 = arith.constant 0 : i32
      %dma_wait3A_354 = tpu.memref_slice %arg5[%mul3A_2, %dma_wait3A_352, %dma_wait3A_353] : memref<4096x200x128xf32, #tpu.memory_space<hbm>> -> memref<1x200x64xf32, #tpu.memory_space<hbm>>
      %dma_wait3A_355 = tpu.memref_squeeze %dma_wait3A_354 : memref<1x200x64xf32, #tpu.memory_space<hbm>> -> memref<200x64xf32, #tpu.memory_space<hbm>>
      tpu.wait_dma2 semaphore(%arg19 : memref<!tpu.dma_semaphore, #tpu.memory_space<semaphore_mem>>) src(%arg11 : memref<200x64xf32, #tpu.memory_space<vmem>>) dst(%dma_wait3A_355 : memref<200x64xf32, #tpu.memory_space<hbm>>)
      %add3A_356 = arith.constant 2 : i32
      %add3A_357 = arith.addi %add3A_328, %add3A_356 : i32
      %dma_start3A_358 = arith.constant 0 : i32
      %dma_start3A_359 = tpu.memref_slice %arg6[%add3A_357, %dma_start3A_358] : memref<128x200xi32, #tpu.memory_space<vmem>> -> memref<1x200xi32, #tpu.memory_space<vmem>>
      %dma_start3A_360 = tpu.memref_squeeze %dma_start3A_359 : memref<1x200xi32, #tpu.memory_space<vmem>> -> memref<200xi32, #tpu.memory_space<vmem>>
      %dma_start3A_361 = arith.constant 0 : i32
      %dma_start3A_362 = arith.constant 0 : i32
      %dma_start3A_363 = tpu.memref_slice %arg3[%dma_start3A_361, %dma_start3A_362] : memref<1000000x64xf32, #tpu.memory_space<hbm>> -> memref<1000000x64xf32, #tpu.memory_space<hbm>>
      tpu.enqueue_indirect_dma source(%dma_start3A_363 : memref<1000000x64xf32, #tpu.memory_space<hbm>>) target(%arg11 : memref<200x64xf32, #tpu.memory_space<vmem>>) offsets(%dma_start3A_360 : memref<200xi32, #tpu.memory_space<vmem>>) semaphore(%arg15 : memref<!tpu.dma_semaphore, #tpu.memory_space<semaphore_mem>>)
      %mul3A_364 = arith.constant 4 : i32
      %mul3A_365 = arith.muli %mul3A_364, %scan3A_285 : i32
      %add3A_366 = arith.constant 2 : i32
      %add3A_367 = arith.addi %mul3A_365, %add3A_366 : i32
      %dma_wait3A_368 = arith.constant 0 : i32
      %dma_wait3A_369 = arith.constant 0 : i32
      %dma_wait3A_370 = tpu.memref_slice %arg6[%dma_wait3A_368, %dma_wait3A_369] : memref<128x200xi32, #tpu.memory_space<vmem>> -> memref<1x200xi32, #tpu.memory_space<vmem>>
      %dma_wait3A_371 = tpu.memref_squeeze %dma_wait3A_370 : memref<1x200xi32, #tpu.memory_space<vmem>> -> memref<200xi32, #tpu.memory_space<vmem>>
      %dma_wait3A_372 = arith.constant 0 : i32
      %dma_wait3A_373 = arith.constant 0 : i32
      %dma_wait3A_374 = tpu.memref_slice %arg3[%dma_wait3A_372, %dma_wait3A_373] : memref<1000000x64xf32, #tpu.memory_space<hbm>> -> memref<1000000x64xf32, #tpu.memory_space<hbm>>
      tpu.wait_indirect_dma semaphore(%arg14 : memref<!tpu.dma_semaphore, #tpu.memory_space<semaphore_mem>>) src(%dma_wait3A_374 : memref<1000000x64xf32, #tpu.memory_space<hbm>>) dst(%arg10 : memref<200x64xf32, #tpu.memory_space<vmem>>)
      %parallel_loop3A_375 = arith.constant 0 : i32
      %parallel_loop3A_376 = arith.constant 200 : i32
      %parallel_loop3A_377 = arith.constant 1 : i32
      scf.for %parallel_loop3A_442 = %parallel_loop3A_375 to %parallel_loop3A_376 step %parallel_loop3A_377  : i32 {
        %parallel_loop3A_443 = arith.index_cast %parallel_loop3A_442 : i32 to index
        %parallel_loop3A_444 = arith.constant 0 : index
        %parallel_loop3A_445 = tpu.vector_load %arg10[%parallel_loop3A_443, %parallel_loop3A_444] {strides = array<i32>} : memref<200x64xf32, #tpu.memory_space<vmem>>, vector<1x16xf32>,
        %parallel_loop3A_446 = vector.shape_cast %parallel_loop3A_445 : vector<1x16xf32> to vector<16xf32>
        %parallel_loop3A_447 = arith.index_cast %parallel_loop3A_442 : i32 to index
        %parallel_loop3A_448 = arith.constant 0 : index
        %parallel_loop3A_449 = tpu.vector_load %arg7[%parallel_loop3A_447, %parallel_loop3A_448] {strides = array<i32>} : memref<200x64xf32, #tpu.memory_space<vmem>>, vector<1x16xf32>,
        %parallel_loop3A_450 = vector.shape_cast %parallel_loop3A_449 : vector<1x16xf32> to vector<16xf32>
        %parallel_loop3A_451 = arith.addf %parallel_loop3A_446, %parallel_loop3A_450 : vector<16xf32>
        %parallel_loop3A_452 = arith.index_cast %parallel_loop3A_442 : i32 to index
        %parallel_loop3A_453 = arith.constant 0 : index
        %parallel_loop3A_454 = tpu.vector_load %arg10[%parallel_loop3A_452, %parallel_loop3A_453] {strides = array<i32>} : memref<200x64xf32, #tpu.memory_space<vmem>>, vector<1x16xf32>,
        %parallel_loop3A_455 = vector.shape_cast %parallel_loop3A_454 : vector<1x16xf32> to vector<16xf32>
        %parallel_loop3A_456 = vector.shape_cast %parallel_loop3A_451 : vector<16xf32> to vector<1x16xf32>
        tpu.vector_store %arg10[%parallel_loop3A_452, %parallel_loop3A_453], %parallel_loop3A_456 {strides = array<i32>} : memref<200x64xf32, #tpu.memory_space<vmem>>, vector<1x16xf32>,
        %parallel_loop3A_457 = arith.index_cast %parallel_loop3A_442 : i32 to index
        %parallel_loop3A_458 = arith.constant 16 : index
        %parallel_loop3A_459 = tpu.vector_load %arg10[%parallel_loop3A_457, %parallel_loop3A_458] {strides = array<i32>} : memref<200x64xf32, #tpu.memory_space<vmem>>, vector<1x16xf32>,
        %parallel_loop3A_460 = vector.shape_cast %parallel_loop3A_459 : vector<1x16xf32> to vector<16xf32>
        %parallel_loop3A_461 = arith.index_cast %parallel_loop3A_442 : i32 to index
        %parallel_loop3A_462 = arith.constant 16 : index
        %parallel_loop3A_463 = tpu.vector_load %arg7[%parallel_loop3A_461, %parallel_loop3A_462] {strides = array<i32>} : memref<200x64xf32, #tpu.memory_space<vmem>>, vector<1x16xf32>,
        %parallel_loop3A_464 = vector.shape_cast %parallel_loop3A_463 : vector<1x16xf32> to vector<16xf32>
        %parallel_loop3A_465 = arith.addf %parallel_loop3A_460, %parallel_loop3A_464 : vector<16xf32>
        %parallel_loop3A_466 = arith.index_cast %parallel_loop3A_442 : i32 to index
        %parallel_loop3A_467 = arith.constant 16 : index
        %parallel_loop3A_468 = tpu.vector_load %arg10[%parallel_loop3A_466, %parallel_loop3A_467] {strides = array<i32>} : memref<200x64xf32, #tpu.memory_space<vmem>>, vector<1x16xf32>,
        %parallel_loop3A_469 = vector.shape_cast %parallel_loop3A_468 : vector<1x16xf32> to vector<16xf32>
        %parallel_loop3A_470 = vector.shape_cast %parallel_loop3A_465 : vector<16xf32> to vector<1x16xf32>
        tpu.vector_store %arg10[%parallel_loop3A_466, %parallel_loop3A_467], %parallel_loop3A_470 {strides = array<i32>} : memref<200x64xf32, #tpu.memory_space<vmem>>, vector<1x16xf32>,
        %parallel_loop3A_471 = arith.index_cast %parallel_loop3A_442 : i32 to index
        %parallel_loop3A_472 = arith.constant 32 : index
        %parallel_loop3A_473 = tpu.vector_load %arg10[%parallel_loop3A_471, %parallel_loop3A_472] {strides = array<i32>} : memref<200x64xf32, #tpu.memory_space<vmem>>, vector<1x16xf32>,
        %parallel_loop3A_474 = vector.shape_cast %parallel_loop3A_473 : vector<1x16xf32> to vector<16xf32>
        %parallel_loop3A_475 = arith.index_cast %parallel_loop3A_442 : i32 to index
        %parallel_loop3A_476 = arith.constant 32 : index
        %parallel_loop3A_477 = tpu.vector_load %arg7[%parallel_loop3A_475, %parallel_loop3A_476] {strides = array<i32>} : memref<200x64xf32, #tpu.memory_space<vmem>>, vector<1x16xf32>,
        %parallel_loop3A_478 = vector.shape_cast %parallel_loop3A_477 : vector<1x16xf32> to vector<16xf32>
        %parallel_loop3A_479 = arith.addf %parallel_loop3A_474, %parallel_loop3A_478 : vector<16xf32>
        %parallel_loop3A_480 = arith.index_cast %parallel_loop3A_442 : i32 to index
        %parallel_loop3A_481 = arith.constant 32 : index
        %parallel_loop3A_482 = tpu.vector_load %arg10[%parallel_loop3A_480, %parallel_loop3A_481] {strides = array<i32>} : memref<200x64xf32, #tpu.memory_space<vmem>>, vector<1x16xf32>,
        %parallel_loop3A_483 = vector.shape_cast %parallel_loop3A_482 : vector<1x16xf32> to vector<16xf32>
        %parallel_loop3A_484 = vector.shape_cast %parallel_loop3A_479 : vector<16xf32> to vector<1x16xf32>
        tpu.vector_store %arg10[%parallel_loop3A_480, %parallel_loop3A_481], %parallel_loop3A_484 {strides = array<i32>} : memref<200x64xf32, #tpu.memory_space<vmem>>, vector<1x16xf32>,
        %parallel_loop3A_485 = arith.index_cast %parallel_loop3A_442 : i32 to index
        %parallel_loop3A_486 = arith.constant 48 : index
        %parallel_loop3A_487 = tpu.vector_load %arg10[%parallel_loop3A_485, %parallel_loop3A_486] {strides = array<i32>} : memref<200x64xf32, #tpu.memory_space<vmem>>, vector<1x16xf32>,
        %parallel_loop3A_488 = vector.shape_cast %parallel_loop3A_487 : vector<1x16xf32> to vector<16xf32>
        %parallel_loop3A_489 = arith.index_cast %parallel_loop3A_442 : i32 to index
        %parallel_loop3A_490 = arith.constant 48 : index
        %parallel_loop3A_491 = tpu.vector_load %arg7[%parallel_loop3A_489, %parallel_loop3A_490] {strides = array<i32>} : memref<200x64xf32, #tpu.memory_space<vmem>>, vector<1x16xf32>,
        %parallel_loop3A_492 = vector.shape_cast %parallel_loop3A_491 : vector<1x16xf32> to vector<16xf32>
        %parallel_loop3A_493 = arith.addf %parallel_loop3A_488, %parallel_loop3A_492 : vector<16xf32>
        %parallel_loop3A_494 = arith.index_cast %parallel_loop3A_442 : i32 to index
        %parallel_loop3A_495 = arith.constant 48 : index
        %parallel_loop3A_496 = tpu.vector_load %arg10[%parallel_loop3A_494, %parallel_loop3A_495] {strides = array<i32>} : memref<200x64xf32, #tpu.memory_space<vmem>>, vector<1x16xf32>,
        %parallel_loop3A_497 = vector.shape_cast %parallel_loop3A_496 : vector<1x16xf32> to vector<16xf32>
        %parallel_loop3A_498 = vector.shape_cast %parallel_loop3A_493 : vector<16xf32> to vector<1x16xf32>
        tpu.vector_store %arg10[%parallel_loop3A_494, %parallel_loop3A_495], %parallel_loop3A_498 {strides = array<i32>} : memref<200x64xf32, #tpu.memory_space<vmem>>, vector<1x16xf32>,
      } {sc.loop_unroll_factor = 4 : i64, sc.parallel_access}
      %add3A_378 = arith.addi %mul3A_2, %add3A_367 : i32
      %dma_start3A_379 = arith.constant 0 : i32
      %dma_start3A_380 = arith.constant 0 : i32
      %dma_start3A_381 = tpu.memref_slice %arg5[%add3A_378, %dma_start3A_379, %dma_start3A_380] : memref<4096x200x128xf32, #tpu.memory_space<hbm>> -> memref<1x200x64xf32, #tpu.memory_space<hbm>>
      %dma_start3A_382 = tpu.memref_squeeze %dma_start3A_381 : memref<1x200x64xf32, #tpu.memory_space<hbm>> -> memref<200x64xf32, #tpu.memory_space<hbm>>
      %dma_start3A_383 = arith.constant 0 : i32
      %dma_start3A_384 = arith.constant 0 : i32
      %dma_start3A_385 = tpu.memref_slice %arg5[%add3A_378, %dma_start3A_383, %dma_start3A_384] : memref<4096x200x128xf32, #tpu.memory_space<hbm>> -> memref<1x200x64xf32, #tpu.memory_space<hbm>>
      %dma_start3A_386 = tpu.memref_squeeze %dma_start3A_385 : memref<1x200x64xf32, #tpu.memory_space<hbm>> -> memref<200x64xf32, #tpu.memory_space<hbm>>
      tpu.enqueue_dma source(%arg10 : memref<200x64xf32, #tpu.memory_space<vmem>>) target(%dma_start3A_386 : memref<200x64xf32, #tpu.memory_space<hbm>>) target_semaphore(%arg18 : memref<!tpu.dma_semaphore, #tpu.memory_space<semaphore_mem>>)
      %dma_wait3A_387 = arith.constant 0 : i32
      %dma_wait3A_388 = arith.constant 0 : i32
      %dma_wait3A_389 = tpu.memref_slice %arg5[%mul3A_2, %dma_wait3A_387, %dma_wait3A_388] : memref<4096x200x128xf32, #tpu.memory_space<hbm>> -> memref<1x200x64xf32, #tpu.memory_space<hbm>>
      %dma_wait3A_390 = tpu.memref_squeeze %dma_wait3A_389 : memref<1x200x64xf32, #tpu.memory_space<hbm>> -> memref<200x64xf32, #tpu.memory_space<hbm>>
      %dma_wait3A_391 = arith.constant 0 : i32
      %dma_wait3A_392 = arith.constant 0 : i32
      %dma_wait3A_393 = tpu.memref_slice %arg5[%mul3A_2, %dma_wait3A_391, %dma_wait3A_392] : memref<4096x200x128xf32, #tpu.memory_space<hbm>> -> memref<1x200x64xf32, #tpu.memory_space<hbm>>
      %dma_wait3A_394 = tpu.memref_squeeze %dma_wait3A_393 : memref<1x200x64xf32, #tpu.memory_space<hbm>> -> memref<200x64xf32, #tpu.memory_space<hbm>>
      tpu.wait_dma2 semaphore(%arg16 : memref<!tpu.dma_semaphore, #tpu.memory_space<semaphore_mem>>) src(%arg8 : memref<200x64xf32, #tpu.memory_space<vmem>>) dst(%dma_wait3A_394 : memref<200x64xf32, #tpu.memory_space<hbm>>)
      %add3A_395 = arith.constant 2 : i32
      %add3A_396 = arith.addi %add3A_367, %add3A_395 : i32
      %dma_start3A_397 = arith.constant 0 : i32
      %dma_start3A_398 = tpu.memref_slice %arg6[%add3A_396, %dma_start3A_397] : memref<128x200xi32, #tpu.memory_space<vmem>> -> memref<1x200xi32, #tpu.memory_space<vmem>>
      %dma_start3A_399 = tpu.memref_squeeze %dma_start3A_398 : memref<1x200xi32, #tpu.memory_space<vmem>> -> memref<200xi32, #tpu.memory_space<vmem>>
      %dma_start3A_400 = arith.constant 0 : i32
      %dma_start3A_401 = arith.constant 0 : i32
      %dma_start3A_402 = tpu.memref_slice %arg3[%dma_start3A_400, %dma_start3A_401] : memref<1000000x64xf32, #tpu.memory_space<hbm>> -> memref<1000000x64xf32, #tpu.memory_space<hbm>>
      tpu.enqueue_indirect_dma source(%dma_start3A_402 : memref<1000000x64xf32, #tpu.memory_space<hbm>>) target(%arg8 : memref<200x64xf32, #tpu.memory_space<vmem>>) offsets(%dma_start3A_399 : memref<200xi32, #tpu.memory_space<vmem>>) semaphore(%arg12 : memref<!tpu.dma_semaphore, #tpu.memory_space<semaphore_mem>>)
      %mul3A_403 = arith.constant 4 : i32
      %mul3A_404 = arith.muli %mul3A_403, %scan3A_285 : i32
      %add3A_405 = arith.constant 3 : i32
      %add3A_406 = arith.addi %mul3A_404, %add3A_405 : i32
      %dma_wait3A_407 = arith.constant 0 : i32
      %dma_wait3A_408 = arith.constant 0 : i32
      %dma_wait3A_409 = tpu.memref_slice %arg6[%dma_wait3A_407, %dma_wait3A_408] : memref<128x200xi32, #tpu.memory_space<vmem>> -> memref<1x200xi32, #tpu.memory_space<vmem>>
      %dma_wait3A_410 = tpu.memref_squeeze %dma_wait3A_409 : memref<1x200xi32, #tpu.memory_space<vmem>> -> memref<200xi32, #tpu.memory_space<vmem>>
      %dma_wait3A_411 = arith.constant 0 : i32
      %dma_wait3A_412 = arith.constant 0 : i32
      %dma_wait3A_413 = tpu.memref_slice %arg3[%dma_wait3A_411, %dma_wait3A_412] : memref<1000000x64xf32, #tpu.memory_space<hbm>> -> memref<1000000x64xf32, #tpu.memory_space<hbm>>
      tpu.wait_indirect_dma semaphore(%arg15 : memref<!tpu.dma_semaphore, #tpu.memory_space<semaphore_mem>>) src(%dma_wait3A_413 : memref<1000000x64xf32, #tpu.memory_space<hbm>>) dst(%arg11 : memref<200x64xf32, #tpu.memory_space<vmem>>)
      %parallel_loop3A_414 = arith.constant 0 : i32
      %parallel_loop3A_415 = arith.constant 200 : i32
      %parallel_loop3A_416 = arith.constant 1 : i32
      scf.for %parallel_loop3A_442 = %parallel_loop3A_414 to %parallel_loop3A_415 step %parallel_loop3A_416  : i32 {
        %parallel_loop3A_443 = arith.index_cast %parallel_loop3A_442 : i32 to index
        %parallel_loop3A_444 = arith.constant 0 : index
        %parallel_loop3A_445 = tpu.vector_load %arg11[%parallel_loop3A_443, %parallel_loop3A_444] {strides = array<i32>} : memref<200x64xf32, #tpu.memory_space<vmem>>, vector<1x16xf32>,
        %parallel_loop3A_446 = vector.shape_cast %parallel_loop3A_445 : vector<1x16xf32> to vector<16xf32>
        %parallel_loop3A_447 = arith.index_cast %parallel_loop3A_442 : i32 to index
        %parallel_loop3A_448 = arith.constant 0 : index
        %parallel_loop3A_449 = tpu.vector_load %arg7[%parallel_loop3A_447, %parallel_loop3A_448] {strides = array<i32>} : memref<200x64xf32, #tpu.memory_space<vmem>>, vector<1x16xf32>,
        %parallel_loop3A_450 = vector.shape_cast %parallel_loop3A_449 : vector<1x16xf32> to vector<16xf32>
        %parallel_loop3A_451 = arith.addf %parallel_loop3A_446, %parallel_loop3A_450 : vector<16xf32>
        %parallel_loop3A_452 = arith.index_cast %parallel_loop3A_442 : i32 to index
        %parallel_loop3A_453 = arith.constant 0 : index
        %parallel_loop3A_454 = tpu.vector_load %arg11[%parallel_loop3A_452, %parallel_loop3A_453] {strides = array<i32>} : memref<200x64xf32, #tpu.memory_space<vmem>>, vector<1x16xf32>,
        %parallel_loop3A_455 = vector.shape_cast %parallel_loop3A_454 : vector<1x16xf32> to vector<16xf32>
        %parallel_loop3A_456 = vector.shape_cast %parallel_loop3A_451 : vector<16xf32> to vector<1x16xf32>
        tpu.vector_store %arg11[%parallel_loop3A_452, %parallel_loop3A_453], %parallel_loop3A_456 {strides = array<i32>} : memref<200x64xf32, #tpu.memory_space<vmem>>, vector<1x16xf32>,
        %parallel_loop3A_457 = arith.index_cast %parallel_loop3A_442 : i32 to index
        %parallel_loop3A_458 = arith.constant 16 : index
        %parallel_loop3A_459 = tpu.vector_load %arg11[%parallel_loop3A_457, %parallel_loop3A_458] {strides = array<i32>} : memref<200x64xf32, #tpu.memory_space<vmem>>, vector<1x16xf32>,
        %parallel_loop3A_460 = vector.shape_cast %parallel_loop3A_459 : vector<1x16xf32> to vector<16xf32>
        %parallel_loop3A_461 = arith.index_cast %parallel_loop3A_442 : i32 to index
        %parallel_loop3A_462 = arith.constant 16 : index
        %parallel_loop3A_463 = tpu.vector_load %arg7[%parallel_loop3A_461, %parallel_loop3A_462] {strides = array<i32>} : memref<200x64xf32, #tpu.memory_space<vmem>>, vector<1x16xf32>,
        %parallel_loop3A_464 = vector.shape_cast %parallel_loop3A_463 : vector<1x16xf32> to vector<16xf32>
        %parallel_loop3A_465 = arith.addf %parallel_loop3A_460, %parallel_loop3A_464 : vector<16xf32>
        %parallel_loop3A_466 = arith.index_cast %parallel_loop3A_442 : i32 to index
        %parallel_loop3A_467 = arith.constant 16 : index
        %parallel_loop3A_468 = tpu.vector_load %arg11[%parallel_loop3A_466, %parallel_loop3A_467] {strides = array<i32>} : memref<200x64xf32, #tpu.memory_space<vmem>>, vector<1x16xf32>,
        %parallel_loop3A_469 = vector.shape_cast %parallel_loop3A_468 : vector<1x16xf32> to vector<16xf32>
        %parallel_loop3A_470 = vector.shape_cast %parallel_loop3A_465 : vector<16xf32> to vector<1x16xf32>
        tpu.vector_store %arg11[%parallel_loop3A_466, %parallel_loop3A_467], %parallel_loop3A_470 {strides = array<i32>} : memref<200x64xf32, #tpu.memory_space<vmem>>, vector<1x16xf32>,
        %parallel_loop3A_471 = arith.index_cast %parallel_loop3A_442 : i32 to index
        %parallel_loop3A_472 = arith.constant 32 : index
        %parallel_loop3A_473 = tpu.vector_load %arg11[%parallel_loop3A_471, %parallel_loop3A_472] {strides = array<i32>} : memref<200x64xf32, #tpu.memory_space<vmem>>, vector<1x16xf32>,
        %parallel_loop3A_474 = vector.shape_cast %parallel_loop3A_473 : vector<1x16xf32> to vector<16xf32>
        %parallel_loop3A_475 = arith.index_cast %parallel_loop3A_442 : i32 to index
        %parallel_loop3A_476 = arith.constant 32 : index
        %parallel_loop3A_477 = tpu.vector_load %arg7[%parallel_loop3A_475, %parallel_loop3A_476] {strides = array<i32>} : memref<200x64xf32, #tpu.memory_space<vmem>>, vector<1x16xf32>,
        %parallel_loop3A_478 = vector.shape_cast %parallel_loop3A_477 : vector<1x16xf32> to vector<16xf32>
        %parallel_loop3A_479 = arith.addf %parallel_loop3A_474, %parallel_loop3A_478 : vector<16xf32>
        %parallel_loop3A_480 = arith.index_cast %parallel_loop3A_442 : i32 to index
        %parallel_loop3A_481 = arith.constant 32 : index
        %parallel_loop3A_482 = tpu.vector_load %arg11[%parallel_loop3A_480, %parallel_loop3A_481] {strides = array<i32>} : memref<200x64xf32, #tpu.memory_space<vmem>>, vector<1x16xf32>,
        %parallel_loop3A_483 = vector.shape_cast %parallel_loop3A_482 : vector<1x16xf32> to vector<16xf32>
        %parallel_loop3A_484 = vector.shape_cast %parallel_loop3A_479 : vector<16xf32> to vector<1x16xf32>
        tpu.vector_store %arg11[%parallel_loop3A_480, %parallel_loop3A_481], %parallel_loop3A_484 {strides = array<i32>} : memref<200x64xf32, #tpu.memory_space<vmem>>, vector<1x16xf32>,
        %parallel_loop3A_485 = arith.index_cast %parallel_loop3A_442 : i32 to index
        %parallel_loop3A_486 = arith.constant 48 : index
        %parallel_loop3A_487 = tpu.vector_load %arg11[%parallel_loop3A_485, %parallel_loop3A_486] {strides = array<i32>} : memref<200x64xf32, #tpu.memory_space<vmem>>, vector<1x16xf32>,
        %parallel_loop3A_488 = vector.shape_cast %parallel_loop3A_487 : vector<1x16xf32> to vector<16xf32>
        %parallel_loop3A_489 = arith.index_cast %parallel_loop3A_442 : i32 to index
        %parallel_loop3A_490 = arith.constant 48 : index
        %parallel_loop3A_491 = tpu.vector_load %arg7[%parallel_loop3A_489, %parallel_loop3A_490] {strides = array<i32>} : memref<200x64xf32, #tpu.memory_space<vmem>>, vector<1x16xf32>,
        %parallel_loop3A_492 = vector.shape_cast %parallel_loop3A_491 : vector<1x16xf32> to vector<16xf32>
        %parallel_loop3A_493 = arith.addf %parallel_loop3A_488, %parallel_loop3A_492 : vector<16xf32>
        %parallel_loop3A_494 = arith.index_cast %parallel_loop3A_442 : i32 to index
        %parallel_loop3A_495 = arith.constant 48 : index
        %parallel_loop3A_496 = tpu.vector_load %arg11[%parallel_loop3A_494, %parallel_loop3A_495] {strides = array<i32>} : memref<200x64xf32, #tpu.memory_space<vmem>>, vector<1x16xf32>,
        %parallel_loop3A_497 = vector.shape_cast %parallel_loop3A_496 : vector<1x16xf32> to vector<16xf32>
        %parallel_loop3A_498 = vector.shape_cast %parallel_loop3A_493 : vector<16xf32> to vector<1x16xf32>
        tpu.vector_store %arg11[%parallel_loop3A_494, %parallel_loop3A_495], %parallel_loop3A_498 {strides = array<i32>} : memref<200x64xf32, #tpu.memory_space<vmem>>, vector<1x16xf32>,
      } {sc.loop_unroll_factor = 4 : i64, sc.parallel_access}
      %add3A_417 = arith.addi %mul3A_2, %add3A_406 : i32
      %dma_start3A_418 = arith.constant 0 : i32
      %dma_start3A_419 = arith.constant 0 : i32
      %dma_start3A_420 = tpu.memref_slice %arg5[%add3A_417, %dma_start3A_418, %dma_start3A_419] : memref<4096x200x128xf32, #tpu.memory_space<hbm>> -> memref<1x200x64xf32, #tpu.memory_space<hbm>>
      %dma_start3A_421 = tpu.memref_squeeze %dma_start3A_420 : memref<1x200x64xf32, #tpu.memory_space<hbm>> -> memref<200x64xf32, #tpu.memory_space<hbm>>
      %dma_start3A_422 = arith.constant 0 : i32
      %dma_start3A_423 = arith.constant 0 : i32
      %dma_start3A_424 = tpu.memref_slice %arg5[%add3A_417, %dma_start3A_422, %dma_start3A_423] : memref<4096x200x128xf32, #tpu.memory_space<hbm>> -> memref<1x200x64xf32, #tpu.memory_space<hbm>>
      %dma_start3A_425 = tpu.memref_squeeze %dma_start3A_424 : memref<1x200x64xf32, #tpu.memory_space<hbm>> -> memref<200x64xf32, #tpu.memory_space<hbm>>
      tpu.enqueue_dma source(%arg11 : memref<200x64xf32, #tpu.memory_space<vmem>>) target(%dma_start3A_425 : memref<200x64xf32, #tpu.memory_space<hbm>>) target_semaphore(%arg19 : memref<!tpu.dma_semaphore, #tpu.memory_space<semaphore_mem>>)
      %dma_wait3A_426 = arith.constant 0 : i32
      %dma_wait3A_427 = arith.constant 0 : i32
      %dma_wait3A_428 = tpu.memref_slice %arg5[%mul3A_2, %dma_wait3A_426, %dma_wait3A_427] : memref<4096x200x128xf32, #tpu.memory_space<hbm>> -> memref<1x200x64xf32, #tpu.memory_space<hbm>>
      %dma_wait3A_429 = tpu.memref_squeeze %dma_wait3A_428 : memref<1x200x64xf32, #tpu.memory_space<hbm>> -> memref<200x64xf32, #tpu.memory_space<hbm>>
      %dma_wait3A_430 = arith.constant 0 : i32
      %dma_wait3A_431 = arith.constant 0 : i32
      %dma_wait3A_432 = tpu.memref_slice %arg5[%mul3A_2, %dma_wait3A_430, %dma_wait3A_431] : memref<4096x200x128xf32, #tpu.memory_space<hbm>> -> memref<1x200x64xf32, #tpu.memory_space<hbm>>
      %dma_wait3A_433 = tpu.memref_squeeze %dma_wait3A_432 : memref<1x200x64xf32, #tpu.memory_space<hbm>> -> memref<200x64xf32, #tpu.memory_space<hbm>>
      tpu.wait_dma2 semaphore(%arg17 : memref<!tpu.dma_semaphore, #tpu.memory_space<semaphore_mem>>) src(%arg9 : memref<200x64xf32, #tpu.memory_space<vmem>>) dst(%dma_wait3A_433 : memref<200x64xf32, #tpu.memory_space<hbm>>)
      %add3A_434 = arith.constant 2 : i32
      %add3A_435 = arith.addi %add3A_406, %add3A_434 : i32
      %dma_start3A_436 = arith.constant 0 : i32
      %dma_start3A_437 = tpu.memref_slice %arg6[%add3A_435, %dma_start3A_436] : memref<128x200xi32, #tpu.memory_space<vmem>> -> memref<1x200xi32, #tpu.memory_space<vmem>>
      %dma_start3A_438 = tpu.memref_squeeze %dma_start3A_437 : memref<1x200xi32, #tpu.memory_space<vmem>> -> memref<200xi32, #tpu.memory_space<vmem>>
      %dma_start3A_439 = arith.constant 0 : i32
      %dma_start3A_440 = arith.constant 0 : i32
      %dma_start3A_441 = tpu.memref_slice %arg3[%dma_start3A_439, %dma_start3A_440] : memref<1000000x64xf32, #tpu.memory_space<hbm>> -> memref<1000000x64xf32, #tpu.memory_space<hbm>>
      tpu.enqueue_indirect_dma source(%dma_start3A_441 : memref<1000000x64xf32, #tpu.memory_space<hbm>>) target(%arg9 : memref<200x64xf32, #tpu.memory_space<vmem>>) offsets(%dma_start3A_438 : memref<200xi32, #tpu.memory_space<vmem>>) semaphore(%arg13 : memref<!tpu.dma_semaphore, #tpu.memory_space<semaphore_mem>>)
    }
    %scan3A_142 = arith.constant 30 : i32
    %dma_wait3A_143 = arith.constant 0 : i32
    %dma_wait3A_144 = arith.constant 0 : i32
    %dma_wait3A_145 = tpu.memref_slice %arg6[%dma_wait3A_143, %dma_wait3A_144] : memref<128x200xi32, #tpu.memory_space<vmem>> -> memref<1x200xi32, #tpu.memory_space<vmem>>
    %dma_wait3A_146 = tpu.memref_squeeze %dma_wait3A_145 : memref<1x200xi32, #tpu.memory_space<vmem>> -> memref<200xi32, #tpu.memory_space<vmem>>
    %dma_wait3A_147 = arith.constant 0 : i32
    %dma_wait3A_148 = arith.constant 0 : i32
    %dma_wait3A_149 = tpu.memref_slice %arg3[%dma_wait3A_147, %dma_wait3A_148] : memref<1000000x64xf32, #tpu.memory_space<hbm>> -> memref<1000000x64xf32, #tpu.memory_space<hbm>>
    tpu.wait_indirect_dma semaphore(%arg12 : memref<!tpu.dma_semaphore, #tpu.memory_space<semaphore_mem>>) src(%dma_wait3A_149 : memref<1000000x64xf32, #tpu.memory_space<hbm>>) dst(%arg8 : memref<200x64xf32, #tpu.memory_space<vmem>>)
    %parallel_loop3A_150 = arith.constant 0 : i32
    %parallel_loop3A_151 = arith.constant 200 : i32
    %parallel_loop3A_152 = arith.constant 1 : i32
    scf.for %parallel_loop3A_285 = %parallel_loop3A_150 to %parallel_loop3A_151 step %parallel_loop3A_152  : i32 {
      %parallel_loop3A_286 = arith.index_cast %parallel_loop3A_285 : i32 to index
      %parallel_loop3A_287 = arith.constant 0 : index
      %parallel_loop3A_288 = tpu.vector_load %arg8[%parallel_loop3A_286, %parallel_loop3A_287] {strides = array<i32>} : memref<200x64xf32, #tpu.memory_space<vmem>>, vector<1x16xf32>,
      %parallel_loop3A_289 = vector.shape_cast %parallel_loop3A_288 : vector<1x16xf32> to vector<16xf32>
      %parallel_loop3A_290 = arith.index_cast %parallel_loop3A_285 : i32 to index
      %parallel_loop3A_291 = arith.constant 0 : index
      %parallel_loop3A_292 = tpu.vector_load %arg7[%parallel_loop3A_290, %parallel_loop3A_291] {strides = array<i32>} : memref<200x64xf32, #tpu.memory_space<vmem>>, vector<1x16xf32>,
      %parallel_loop3A_293 = vector.shape_cast %parallel_loop3A_292 : vector<1x16xf32> to vector<16xf32>
      %parallel_loop3A_294 = arith.addf %parallel_loop3A_289, %parallel_loop3A_293 : vector<16xf32>
      %parallel_loop3A_295 = arith.index_cast %parallel_loop3A_285 : i32 to index
      %parallel_loop3A_296 = arith.constant 0 : index
      %parallel_loop3A_297 = tpu.vector_load %arg8[%parallel_loop3A_295, %parallel_loop3A_296] {strides = array<i32>} : memref<200x64xf32, #tpu.memory_space<vmem>>, vector<1x16xf32>,
      %parallel_loop3A_298 = vector.shape_cast %parallel_loop3A_297 : vector<1x16xf32> to vector<16xf32>
      %parallel_loop3A_299 = vector.shape_cast %parallel_loop3A_294 : vector<16xf32> to vector<1x16xf32>
      tpu.vector_store %arg8[%parallel_loop3A_295, %parallel_loop3A_296], %parallel_loop3A_299 {strides = array<i32>} : memref<200x64xf32, #tpu.memory_space<vmem>>, vector<1x16xf32>,
      %parallel_loop3A_300 = arith.index_cast %parallel_loop3A_285 : i32 to index
      %parallel_loop3A_301 = arith.constant 16 : index
      %parallel_loop3A_302 = tpu.vector_load %arg8[%parallel_loop3A_300, %parallel_loop3A_301] {strides = array<i32>} : memref<200x64xf32, #tpu.memory_space<vmem>>, vector<1x16xf32>,
      %parallel_loop3A_303 = vector.shape_cast %parallel_loop3A_302 : vector<1x16xf32> to vector<16xf32>
      %parallel_loop3A_304 = arith.index_cast %parallel_loop3A_285 : i32 to index
      %parallel_loop3A_305 = arith.constant 16 : index
      %parallel_loop3A_306 = tpu.vector_load %arg7[%parallel_loop3A_304, %parallel_loop3A_305] {strides = array<i32>} : memref<200x64xf32, #tpu.memory_space<vmem>>, vector<1x16xf32>,
      %parallel_loop3A_307 = vector.shape_cast %parallel_loop3A_306 : vector<1x16xf32> to vector<16xf32>
      %parallel_loop3A_308 = arith.addf %parallel_loop3A_303, %parallel_loop3A_307 : vector<16xf32>
      %parallel_loop3A_309 = arith.index_cast %parallel_loop3A_285 : i32 to index
      %parallel_loop3A_310 = arith.constant 16 : index
      %parallel_loop3A_311 = tpu.vector_load %arg8[%parallel_loop3A_309, %parallel_loop3A_310] {strides = array<i32>} : memref<200x64xf32, #tpu.memory_space<vmem>>, vector<1x16xf32>,
      %parallel_loop3A_312 = vector.shape_cast %parallel_loop3A_311 : vector<1x16xf32> to vector<16xf32>
      %parallel_loop3A_313 = vector.shape_cast %parallel_loop3A_308 : vector<16xf32> to vector<1x16xf32>
      tpu.vector_store %arg8[%parallel_loop3A_309, %parallel_loop3A_310], %parallel_loop3A_313 {strides = array<i32>} : memref<200x64xf32, #tpu.memory_space<vmem>>, vector<1x16xf32>,
      %parallel_loop3A_314 = arith.index_cast %parallel_loop3A_285 : i32 to index
      %parallel_loop3A_315 = arith.constant 32 : index
      %parallel_loop3A_316 = tpu.vector_load %arg8[%parallel_loop3A_314, %parallel_loop3A_315] {strides = array<i32>} : memref<200x64xf32, #tpu.memory_space<vmem>>, vector<1x16xf32>,
      %parallel_loop3A_317 = vector.shape_cast %parallel_loop3A_316 : vector<1x16xf32> to vector<16xf32>
      %parallel_loop3A_318 = arith.index_cast %parallel_loop3A_285 : i32 to index
      %parallel_loop3A_319 = arith.constant 32 : index
      %parallel_loop3A_320 = tpu.vector_load %arg7[%parallel_loop3A_318, %parallel_loop3A_319] {strides = array<i32>} : memref<200x64xf32, #tpu.memory_space<vmem>>, vector<1x16xf32>,
      %parallel_loop3A_321 = vector.shape_cast %parallel_loop3A_320 : vector<1x16xf32> to vector<16xf32>
      %parallel_loop3A_322 = arith.addf %parallel_loop3A_317, %parallel_loop3A_321 : vector<16xf32>
      %parallel_loop3A_323 = arith.index_cast %parallel_loop3A_285 : i32 to index
      %parallel_loop3A_324 = arith.constant 32 : index
      %parallel_loop3A_325 = tpu.vector_load %arg8[%parallel_loop3A_323, %parallel_loop3A_324] {strides = array<i32>} : memref<200x64xf32, #tpu.memory_space<vmem>>, vector<1x16xf32>,
      %parallel_loop3A_326 = vector.shape_cast %parallel_loop3A_325 : vector<1x16xf32> to vector<16xf32>
      %parallel_loop3A_327 = vector.shape_cast %parallel_loop3A_322 : vector<16xf32> to vector<1x16xf32>
      tpu.vector_store %arg8[%parallel_loop3A_323, %parallel_loop3A_324], %parallel_loop3A_327 {strides = array<i32>} : memref<200x64xf32, #tpu.memory_space<vmem>>, vector<1x16xf32>,
      %parallel_loop3A_328 = arith.index_cast %parallel_loop3A_285 : i32 to index
      %parallel_loop3A_329 = arith.constant 48 : index
      %parallel_loop3A_330 = tpu.vector_load %arg8[%parallel_loop3A_328, %parallel_loop3A_329] {strides = array<i32>} : memref<200x64xf32, #tpu.memory_space<vmem>>, vector<1x16xf32>,
      %parallel_loop3A_331 = vector.shape_cast %parallel_loop3A_330 : vector<1x16xf32> to vector<16xf32>
      %parallel_loop3A_332 = arith.index_cast %parallel_loop3A_285 : i32 to index
      %parallel_loop3A_333 = arith.constant 48 : index
      %parallel_loop3A_334 = tpu.vector_load %arg7[%parallel_loop3A_332, %parallel_loop3A_333] {strides = array<i32>} : memref<200x64xf32, #tpu.memory_space<vmem>>, vector<1x16xf32>,
      %parallel_loop3A_335 = vector.shape_cast %parallel_loop3A_334 : vector<1x16xf32> to vector<16xf32>
      %parallel_loop3A_336 = arith.addf %parallel_loop3A_331, %parallel_loop3A_335 : vector<16xf32>
      %parallel_loop3A_337 = arith.index_cast %parallel_loop3A_285 : i32 to index
      %parallel_loop3A_338 = arith.constant 48 : index
      %parallel_loop3A_339 = tpu.vector_load %arg8[%parallel_loop3A_337, %parallel_loop3A_338] {strides = array<i32>} : memref<200x64xf32, #tpu.memory_space<vmem>>, vector<1x16xf32>,
      %parallel_loop3A_340 = vector.shape_cast %parallel_loop3A_339 : vector<1x16xf32> to vector<16xf32>
      %parallel_loop3A_341 = vector.shape_cast %parallel_loop3A_336 : vector<16xf32> to vector<1x16xf32>
      tpu.vector_store %arg8[%parallel_loop3A_337, %parallel_loop3A_338], %parallel_loop3A_341 {strides = array<i32>} : memref<200x64xf32, #tpu.memory_space<vmem>>, vector<1x16xf32>,
    } {sc.loop_unroll_factor = 4 : i64, sc.parallel_access}
    %add3A_153 = arith.constant 124 : i32
    %add3A_154 = arith.addi %mul3A_2, %add3A_153 : i32
    %dma_start3A_155 = arith.constant 0 : i32
    %dma_start3A_156 = arith.constant 0 : i32
    %dma_start3A_157 = tpu.memref_slice %arg5[%add3A_154, %dma_start3A_155, %dma_start3A_156] : memref<4096x200x128xf32, #tpu.memory_space<hbm>> -> memref<1x200x64xf32, #tpu.memory_space<hbm>>
    %dma_start3A_158 = tpu.memref_squeeze %dma_start3A_157 : memref<1x200x64xf32, #tpu.memory_space<hbm>> -> memref<200x64xf32, #tpu.memory_space<hbm>>
    %dma_start3A_159 = arith.constant 0 : i32
    %dma_start3A_160 = arith.constant 0 : i32
    %dma_start3A_161 = tpu.memref_slice %arg5[%add3A_154, %dma_start3A_159, %dma_start3A_160] : memref<4096x200x128xf32, #tpu.memory_space<hbm>> -> memref<1x200x64xf32, #tpu.memory_space<hbm>>
    %dma_start3A_162 = tpu.memref_squeeze %dma_start3A_161 : memref<1x200x64xf32, #tpu.memory_space<hbm>> -> memref<200x64xf32, #tpu.memory_space<hbm>>
    tpu.enqueue_dma source(%arg8 : memref<200x64xf32, #tpu.memory_space<vmem>>) target(%dma_start3A_162 : memref<200x64xf32, #tpu.memory_space<hbm>>) target_semaphore(%arg16 : memref<!tpu.dma_semaphore, #tpu.memory_space<semaphore_mem>>)
    %dma_wait3A_163 = arith.constant 0 : i32
    %dma_wait3A_164 = arith.constant 0 : i32
    %dma_wait3A_165 = tpu.memref_slice %arg5[%mul3A_2, %dma_wait3A_163, %dma_wait3A_164] : memref<4096x200x128xf32, #tpu.memory_space<hbm>> -> memref<1x200x64xf32, #tpu.memory_space<hbm>>
    %dma_wait3A_166 = tpu.memref_squeeze %dma_wait3A_165 : memref<1x200x64xf32, #tpu.memory_space<hbm>> -> memref<200x64xf32, #tpu.memory_space<hbm>>
    %dma_wait3A_167 = arith.constant 0 : i32
    %dma_wait3A_168 = arith.constant 0 : i32
    %dma_wait3A_169 = tpu.memref_slice %arg5[%mul3A_2, %dma_wait3A_167, %dma_wait3A_168] : memref<4096x200x128xf32, #tpu.memory_space<hbm>> -> memref<1x200x64xf32, #tpu.memory_space<hbm>>
    %dma_wait3A_170 = tpu.memref_squeeze %dma_wait3A_169 : memref<1x200x64xf32, #tpu.memory_space<hbm>> -> memref<200x64xf32, #tpu.memory_space<hbm>>
    tpu.wait_dma2 semaphore(%arg18 : memref<!tpu.dma_semaphore, #tpu.memory_space<semaphore_mem>>) src(%arg10 : memref<200x64xf32, #tpu.memory_space<vmem>>) dst(%dma_wait3A_170 : memref<200x64xf32, #tpu.memory_space<hbm>>)
    %dma_start3A_171 = arith.constant 126 : i32
    %dma_start3A_172 = arith.constant 0 : i32
    %dma_start3A_173 = tpu.memref_slice %arg6[%dma_start3A_171, %dma_start3A_172] : memref<128x200xi32, #tpu.memory_space<vmem>> -> memref<1x200xi32, #tpu.memory_space<vmem>>
    %dma_start3A_174 = tpu.memref_squeeze %dma_start3A_173 : memref<1x200xi32, #tpu.memory_space<vmem>> -> memref<200xi32, #tpu.memory_space<vmem>>
    %dma_start3A_175 = arith.constant 0 : i32
    %dma_start3A_176 = arith.constant 0 : i32
    %dma_start3A_177 = tpu.memref_slice %arg3[%dma_start3A_175, %dma_start3A_176] : memref<1000000x64xf32, #tpu.memory_space<hbm>> -> memref<1000000x64xf32, #tpu.memory_space<hbm>>
    tpu.enqueue_indirect_dma source(%dma_start3A_177 : memref<1000000x64xf32, #tpu.memory_space<hbm>>) target(%arg10 : memref<200x64xf32, #tpu.memory_space<vmem>>) offsets(%dma_start3A_174 : memref<200xi32, #tpu.memory_space<vmem>>) semaphore(%arg14 : memref<!tpu.dma_semaphore, #tpu.memory_space<semaphore_mem>>)
    %dma_wait3A_178 = arith.constant 0 : i32
    %dma_wait3A_179 = arith.constant 0 : i32
    %dma_wait3A_180 = tpu.memref_slice %arg6[%dma_wait3A_178, %dma_wait3A_179] : memref<128x200xi32, #tpu.memory_space<vmem>> -> memref<1x200xi32, #tpu.memory_space<vmem>>
    %dma_wait3A_181 = tpu.memref_squeeze %dma_wait3A_180 : memref<1x200xi32, #tpu.memory_space<vmem>> -> memref<200xi32, #tpu.memory_space<vmem>>
    %dma_wait3A_182 = arith.constant 0 : i32
    %dma_wait3A_183 = arith.constant 0 : i32
    %dma_wait3A_184 = tpu.memref_slice %arg3[%dma_wait3A_182, %dma_wait3A_183] : memref<1000000x64xf32, #tpu.memory_space<hbm>> -> memref<1000000x64xf32, #tpu.memory_space<hbm>>
    tpu.wait_indirect_dma semaphore(%arg13 : memref<!tpu.dma_semaphore, #tpu.memory_space<semaphore_mem>>) src(%dma_wait3A_184 : memref<1000000x64xf32, #tpu.memory_space<hbm>>) dst(%arg9 : memref<200x64xf32, #tpu.memory_space<vmem>>)
    %parallel_loop3A_185 = arith.constant 0 : i32
    %parallel_loop3A_186 = arith.constant 200 : i32
    %parallel_loop3A_187 = arith.constant 1 : i32
    scf.for %parallel_loop3A_285 = %parallel_loop3A_185 to %parallel_loop3A_186 step %parallel_loop3A_187  : i32 {
      %parallel_loop3A_286 = arith.index_cast %parallel_loop3A_285 : i32 to index
      %parallel_loop3A_287 = arith.constant 0 : index
      %parallel_loop3A_288 = tpu.vector_load %arg9[%parallel_loop3A_286, %parallel_loop3A_287] {strides = array<i32>} : memref<200x64xf32, #tpu.memory_space<vmem>>, vector<1x16xf32>,
      %parallel_loop3A_289 = vector.shape_cast %parallel_loop3A_288 : vector<1x16xf32> to vector<16xf32>
      %parallel_loop3A_290 = arith.index_cast %parallel_loop3A_285 : i32 to index
      %parallel_loop3A_291 = arith.constant 0 : index
      %parallel_loop3A_292 = tpu.vector_load %arg7[%parallel_loop3A_290, %parallel_loop3A_291] {strides = array<i32>} : memref<200x64xf32, #tpu.memory_space<vmem>>, vector<1x16xf32>,
      %parallel_loop3A_293 = vector.shape_cast %parallel_loop3A_292 : vector<1x16xf32> to vector<16xf32>
      %parallel_loop3A_294 = arith.addf %parallel_loop3A_289, %parallel_loop3A_293 : vector<16xf32>
      %parallel_loop3A_295 = arith.index_cast %parallel_loop3A_285 : i32 to index
      %parallel_loop3A_296 = arith.constant 0 : index
      %parallel_loop3A_297 = tpu.vector_load %arg9[%parallel_loop3A_295, %parallel_loop3A_296] {strides = array<i32>} : memref<200x64xf32, #tpu.memory_space<vmem>>, vector<1x16xf32>,
      %parallel_loop3A_298 = vector.shape_cast %parallel_loop3A_297 : vector<1x16xf32> to vector<16xf32>
      %parallel_loop3A_299 = vector.shape_cast %parallel_loop3A_294 : vector<16xf32> to vector<1x16xf32>
      tpu.vector_store %arg9[%parallel_loop3A_295, %parallel_loop3A_296], %parallel_loop3A_299 {strides = array<i32>} : memref<200x64xf32, #tpu.memory_space<vmem>>, vector<1x16xf32>,
      %parallel_loop3A_300 = arith.index_cast %parallel_loop3A_285 : i32 to index
      %parallel_loop3A_301 = arith.constant 16 : index
      %parallel_loop3A_302 = tpu.vector_load %arg9[%parallel_loop3A_300, %parallel_loop3A_301] {strides = array<i32>} : memref<200x64xf32, #tpu.memory_space<vmem>>, vector<1x16xf32>,
      %parallel_loop3A_303 = vector.shape_cast %parallel_loop3A_302 : vector<1x16xf32> to vector<16xf32>
      %parallel_loop3A_304 = arith.index_cast %parallel_loop3A_285 : i32 to index
      %parallel_loop3A_305 = arith.constant 16 : index
      %parallel_loop3A_306 = tpu.vector_load %arg7[%parallel_loop3A_304, %parallel_loop3A_305] {strides = array<i32>} : memref<200x64xf32, #tpu.memory_space<vmem>>, vector<1x16xf32>,
      %parallel_loop3A_307 = vector.shape_cast %parallel_loop3A_306 : vector<1x16xf32> to vector<16xf32>
      %parallel_loop3A_308 = arith.addf %parallel_loop3A_303, %parallel_loop3A_307 : vector<16xf32>
      %parallel_loop3A_309 = arith.index_cast %parallel_loop3A_285 : i32 to index
      %parallel_loop3A_310 = arith.constant 16 : index
      %parallel_loop3A_311 = tpu.vector_load %arg9[%parallel_loop3A_309, %parallel_loop3A_310] {strides = array<i32>} : memref<200x64xf32, #tpu.memory_space<vmem>>, vector<1x16xf32>,
      %parallel_loop3A_312 = vector.shape_cast %parallel_loop3A_311 : vector<1x16xf32> to vector<16xf32>
      %parallel_loop3A_313 = vector.shape_cast %parallel_loop3A_308 : vector<16xf32> to vector<1x16xf32>
      tpu.vector_store %arg9[%parallel_loop3A_309, %parallel_loop3A_310], %parallel_loop3A_313 {strides = array<i32>} : memref<200x64xf32, #tpu.memory_space<vmem>>, vector<1x16xf32>,
      %parallel_loop3A_314 = arith.index_cast %parallel_loop3A_285 : i32 to index
      %parallel_loop3A_315 = arith.constant 32 : index
      %parallel_loop3A_316 = tpu.vector_load %arg9[%parallel_loop3A_314, %parallel_loop3A_315] {strides = array<i32>} : memref<200x64xf32, #tpu.memory_space<vmem>>, vector<1x16xf32>,
      %parallel_loop3A_317 = vector.shape_cast %parallel_loop3A_316 : vector<1x16xf32> to vector<16xf32>
      %parallel_loop3A_318 = arith.index_cast %parallel_loop3A_285 : i32 to index
      %parallel_loop3A_319 = arith.constant 32 : index
      %parallel_loop3A_320 = tpu.vector_load %arg7[%parallel_loop3A_318, %parallel_loop3A_319] {strides = array<i32>} : memref<200x64xf32, #tpu.memory_space<vmem>>, vector<1x16xf32>,
      %parallel_loop3A_321 = vector.shape_cast %parallel_loop3A_320 : vector<1x16xf32> to vector<16xf32>
      %parallel_loop3A_322 = arith.addf %parallel_loop3A_317, %parallel_loop3A_321 : vector<16xf32>
      %parallel_loop3A_323 = arith.index_cast %parallel_loop3A_285 : i32 to index
      %parallel_loop3A_324 = arith.constant 32 : index
      %parallel_loop3A_325 = tpu.vector_load %arg9[%parallel_loop3A_323, %parallel_loop3A_324] {strides = array<i32>} : memref<200x64xf32, #tpu.memory_space<vmem>>, vector<1x16xf32>,
      %parallel_loop3A_326 = vector.shape_cast %parallel_loop3A_325 : vector<1x16xf32> to vector<16xf32>
      %parallel_loop3A_327 = vector.shape_cast %parallel_loop3A_322 : vector<16xf32> to vector<1x16xf32>
      tpu.vector_store %arg9[%parallel_loop3A_323, %parallel_loop3A_324], %parallel_loop3A_327 {strides = array<i32>} : memref<200x64xf32, #tpu.memory_space<vmem>>, vector<1x16xf32>,
      %parallel_loop3A_328 = arith.index_cast %parallel_loop3A_285 : i32 to index
      %parallel_loop3A_329 = arith.constant 48 : index
      %parallel_loop3A_330 = tpu.vector_load %arg9[%parallel_loop3A_328, %parallel_loop3A_329] {strides = array<i32>} : memref<200x64xf32, #tpu.memory_space<vmem>>, vector<1x16xf32>,
      %parallel_loop3A_331 = vector.shape_cast %parallel_loop3A_330 : vector<1x16xf32> to vector<16xf32>
      %parallel_loop3A_332 = arith.index_cast %parallel_loop3A_285 : i32 to index
      %parallel_loop3A_333 = arith.constant 48 : index
      %parallel_loop3A_334 = tpu.vector_load %arg7[%parallel_loop3A_332, %parallel_loop3A_333] {strides = array<i32>} : memref<200x64xf32, #tpu.memory_space<vmem>>, vector<1x16xf32>,
      %parallel_loop3A_335 = vector.shape_cast %parallel_loop3A_334 : vector<1x16xf32> to vector<16xf32>
      %parallel_loop3A_336 = arith.addf %parallel_loop3A_331, %parallel_loop3A_335 : vector<16xf32>
      %parallel_loop3A_337 = arith.index_cast %parallel_loop3A_285 : i32 to index
      %parallel_loop3A_338 = arith.constant 48 : index
      %parallel_loop3A_339 = tpu.vector_load %arg9[%parallel_loop3A_337, %parallel_loop3A_338] {strides = array<i32>} : memref<200x64xf32, #tpu.memory_space<vmem>>, vector<1x16xf32>,
      %parallel_loop3A_340 = vector.shape_cast %parallel_loop3A_339 : vector<1x16xf32> to vector<16xf32>
      %parallel_loop3A_341 = vector.shape_cast %parallel_loop3A_336 : vector<16xf32> to vector<1x16xf32>
      tpu.vector_store %arg9[%parallel_loop3A_337, %parallel_loop3A_338], %parallel_loop3A_341 {strides = array<i32>} : memref<200x64xf32, #tpu.memory_space<vmem>>, vector<1x16xf32>,
    } {sc.loop_unroll_factor = 4 : i64, sc.parallel_access}
    %add3A_188 = arith.constant 125 : i32
    %add3A_189 = arith.addi %mul3A_2, %add3A_188 : i32
    %dma_start3A_190 = arith.constant 0 : i32
    %dma_start3A_191 = arith.constant 0 : i32
    %dma_start3A_192 = tpu.memref_slice %arg5[%add3A_189, %dma_start3A_190, %dma_start3A_191] : memref<4096x200x128xf32, #tpu.memory_space<hbm>> -> memref<1x200x64xf32, #tpu.memory_space<hbm>>
    %dma_start3A_193 = tpu.memref_squeeze %dma_start3A_192 : memref<1x200x64xf32, #tpu.memory_space<hbm>> -> memref<200x64xf32, #tpu.memory_space<hbm>>
    %dma_start3A_194 = arith.constant 0 : i32
    %dma_start3A_195 = arith.constant 0 : i32
    %dma_start3A_196 = tpu.memref_slice %arg5[%add3A_189, %dma_start3A_194, %dma_start3A_195] : memref<4096x200x128xf32, #tpu.memory_space<hbm>> -> memref<1x200x64xf32, #tpu.memory_space<hbm>>
    %dma_start3A_197 = tpu.memref_squeeze %dma_start3A_196 : memref<1x200x64xf32, #tpu.memory_space<hbm>> -> memref<200x64xf32, #tpu.memory_space<hbm>>
    tpu.enqueue_dma source(%arg9 : memref<200x64xf32, #tpu.memory_space<vmem>>) target(%dma_start3A_197 : memref<200x64xf32, #tpu.memory_space<hbm>>) target_semaphore(%arg17 : memref<!tpu.dma_semaphore, #tpu.memory_space<semaphore_mem>>)
    %dma_wait3A_198 = arith.constant 0 : i32
    %dma_wait3A_199 = arith.constant 0 : i32
    %dma_wait3A_200 = tpu.memref_slice %arg5[%mul3A_2, %dma_wait3A_198, %dma_wait3A_199] : memref<4096x200x128xf32, #tpu.memory_space<hbm>> -> memref<1x200x64xf32, #tpu.memory_space<hbm>>
    %dma_wait3A_201 = tpu.memref_squeeze %dma_wait3A_200 : memref<1x200x64xf32, #tpu.memory_space<hbm>> -> memref<200x64xf32, #tpu.memory_space<hbm>>
    %dma_wait3A_202 = arith.constant 0 : i32
    %dma_wait3A_203 = arith.constant 0 : i32
    %dma_wait3A_204 = tpu.memref_slice %arg5[%mul3A_2, %dma_wait3A_202, %dma_wait3A_203] : memref<4096x200x128xf32, #tpu.memory_space<hbm>> -> memref<1x200x64xf32, #tpu.memory_space<hbm>>
    %dma_wait3A_205 = tpu.memref_squeeze %dma_wait3A_204 : memref<1x200x64xf32, #tpu.memory_space<hbm>> -> memref<200x64xf32, #tpu.memory_space<hbm>>
    tpu.wait_dma2 semaphore(%arg19 : memref<!tpu.dma_semaphore, #tpu.memory_space<semaphore_mem>>) src(%arg11 : memref<200x64xf32, #tpu.memory_space<vmem>>) dst(%dma_wait3A_205 : memref<200x64xf32, #tpu.memory_space<hbm>>)
    %dma_start3A_206 = arith.constant 127 : i32
    %dma_start3A_207 = arith.constant 0 : i32
    %dma_start3A_208 = tpu.memref_slice %arg6[%dma_start3A_206, %dma_start3A_207] : memref<128x200xi32, #tpu.memory_space<vmem>> -> memref<1x200xi32, #tpu.memory_space<vmem>>
    %dma_start3A_209 = tpu.memref_squeeze %dma_start3A_208 : memref<1x200xi32, #tpu.memory_space<vmem>> -> memref<200xi32, #tpu.memory_space<vmem>>
    %dma_start3A_210 = arith.constant 0 : i32
    %dma_start3A_211 = arith.constant 0 : i32
    %dma_start3A_212 = tpu.memref_slice %arg3[%dma_start3A_210, %dma_start3A_211] : memref<1000000x64xf32, #tpu.memory_space<hbm>> -> memref<1000000x64xf32, #tpu.memory_space<hbm>>
    tpu.enqueue_indirect_dma source(%dma_start3A_212 : memref<1000000x64xf32, #tpu.memory_space<hbm>>) target(%arg11 : memref<200x64xf32, #tpu.memory_space<vmem>>) offsets(%dma_start3A_209 : memref<200xi32, #tpu.memory_space<vmem>>) semaphore(%arg15 : memref<!tpu.dma_semaphore, #tpu.memory_space<semaphore_mem>>)
    %dma_wait3A_213 = arith.constant 0 : i32
    %dma_wait3A_214 = arith.constant 0 : i32
    %dma_wait3A_215 = tpu.memref_slice %arg6[%dma_wait3A_213, %dma_wait3A_214] : memref<128x200xi32, #tpu.memory_space<vmem>> -> memref<1x200xi32, #tpu.memory_space<vmem>>
    %dma_wait3A_216 = tpu.memref_squeeze %dma_wait3A_215 : memref<1x200xi32, #tpu.memory_space<vmem>> -> memref<200xi32, #tpu.memory_space<vmem>>
    %dma_wait3A_217 = arith.constant 0 : i32
    %dma_wait3A_218 = arith.constant 0 : i32
    %dma_wait3A_219 = tpu.memref_slice %arg3[%dma_wait3A_217, %dma_wait3A_218] : memref<1000000x64xf32, #tpu.memory_space<hbm>> -> memref<1000000x64xf32, #tpu.memory_space<hbm>>
    tpu.wait_indirect_dma semaphore(%arg14 : memref<!tpu.dma_semaphore, #tpu.memory_space<semaphore_mem>>) src(%dma_wait3A_219 : memref<1000000x64xf32, #tpu.memory_space<hbm>>) dst(%arg10 : memref<200x64xf32, #tpu.memory_space<vmem>>)
    %parallel_loop3A_220 = arith.constant 0 : i32
    %parallel_loop3A_221 = arith.constant 200 : i32
    %parallel_loop3A_222 = arith.constant 1 : i32
    scf.for %parallel_loop3A_285 = %parallel_loop3A_220 to %parallel_loop3A_221 step %parallel_loop3A_222  : i32 {
      %parallel_loop3A_286 = arith.index_cast %parallel_loop3A_285 : i32 to index
      %parallel_loop3A_287 = arith.constant 0 : index
      %parallel_loop3A_288 = tpu.vector_load %arg10[%parallel_loop3A_286, %parallel_loop3A_287] {strides = array<i32>} : memref<200x64xf32, #tpu.memory_space<vmem>>, vector<1x16xf32>,
      %parallel_loop3A_289 = vector.shape_cast %parallel_loop3A_288 : vector<1x16xf32> to vector<16xf32>
      %parallel_loop3A_290 = arith.index_cast %parallel_loop3A_285 : i32 to index
      %parallel_loop3A_291 = arith.constant 0 : index
      %parallel_loop3A_292 = tpu.vector_load %arg7[%parallel_loop3A_290, %parallel_loop3A_291] {strides = array<i32>} : memref<200x64xf32, #tpu.memory_space<vmem>>, vector<1x16xf32>,
      %parallel_loop3A_293 = vector.shape_cast %parallel_loop3A_292 : vector<1x16xf32> to vector<16xf32>
      %parallel_loop3A_294 = arith.addf %parallel_loop3A_289, %parallel_loop3A_293 : vector<16xf32>
      %parallel_loop3A_295 = arith.index_cast %parallel_loop3A_285 : i32 to index
      %parallel_loop3A_296 = arith.constant 0 : index
      %parallel_loop3A_297 = tpu.vector_load %arg10[%parallel_loop3A_295, %parallel_loop3A_296] {strides = array<i32>} : memref<200x64xf32, #tpu.memory_space<vmem>>, vector<1x16xf32>,
      %parallel_loop3A_298 = vector.shape_cast %parallel_loop3A_297 : vector<1x16xf32> to vector<16xf32>
      %parallel_loop3A_299 = vector.shape_cast %parallel_loop3A_294 : vector<16xf32> to vector<1x16xf32>
      tpu.vector_store %arg10[%parallel_loop3A_295, %parallel_loop3A_296], %parallel_loop3A_299 {strides = array<i32>} : memref<200x64xf32, #tpu.memory_space<vmem>>, vector<1x16xf32>,
      %parallel_loop3A_300 = arith.index_cast %parallel_loop3A_285 : i32 to index
      %parallel_loop3A_301 = arith.constant 16 : index
      %parallel_loop3A_302 = tpu.vector_load %arg10[%parallel_loop3A_300, %parallel_loop3A_301] {strides = array<i32>} : memref<200x64xf32, #tpu.memory_space<vmem>>, vector<1x16xf32>,
      %parallel_loop3A_303 = vector.shape_cast %parallel_loop3A_302 : vector<1x16xf32> to vector<16xf32>
      %parallel_loop3A_304 = arith.index_cast %parallel_loop3A_285 : i32 to index
      %parallel_loop3A_305 = arith.constant 16 : index
      %parallel_loop3A_306 = tpu.vector_load %arg7[%parallel_loop3A_304, %parallel_loop3A_305] {strides = array<i32>} : memref<200x64xf32, #tpu.memory_space<vmem>>, vector<1x16xf32>,
      %parallel_loop3A_307 = vector.shape_cast %parallel_loop3A_306 : vector<1x16xf32> to vector<16xf32>
      %parallel_loop3A_308 = arith.addf %parallel_loop3A_303, %parallel_loop3A_307 : vector<16xf32>
      %parallel_loop3A_309 = arith.index_cast %parallel_loop3A_285 : i32 to index
      %parallel_loop3A_310 = arith.constant 16 : index
      %parallel_loop3A_311 = tpu.vector_load %arg10[%parallel_loop3A_309, %parallel_loop3A_310] {strides = array<i32>} : memref<200x64xf32, #tpu.memory_space<vmem>>, vector<1x16xf32>,
      %parallel_loop3A_312 = vector.shape_cast %parallel_loop3A_311 : vector<1x16xf32> to vector<16xf32>
      %parallel_loop3A_313 = vector.shape_cast %parallel_loop3A_308 : vector<16xf32> to vector<1x16xf32>
      tpu.vector_store %arg10[%parallel_loop3A_309, %parallel_loop3A_310], %parallel_loop3A_313 {strides = array<i32>} : memref<200x64xf32, #tpu.memory_space<vmem>>, vector<1x16xf32>,
      %parallel_loop3A_314 = arith.index_cast %parallel_loop3A_285 : i32 to index
      %parallel_loop3A_315 = arith.constant 32 : index
      %parallel_loop3A_316 = tpu.vector_load %arg10[%parallel_loop3A_314, %parallel_loop3A_315] {strides = array<i32>} : memref<200x64xf32, #tpu.memory_space<vmem>>, vector<1x16xf32>,
      %parallel_loop3A_317 = vector.shape_cast %parallel_loop3A_316 : vector<1x16xf32> to vector<16xf32>
      %parallel_loop3A_318 = arith.index_cast %parallel_loop3A_285 : i32 to index
      %parallel_loop3A_319 = arith.constant 32 : index
      %parallel_loop3A_320 = tpu.vector_load %arg7[%parallel_loop3A_318, %parallel_loop3A_319] {strides = array<i32>} : memref<200x64xf32, #tpu.memory_space<vmem>>, vector<1x16xf32>,
      %parallel_loop3A_321 = vector.shape_cast %parallel_loop3A_320 : vector<1x16xf32> to vector<16xf32>
      %parallel_loop3A_322 = arith.addf %parallel_loop3A_317, %parallel_loop3A_321 : vector<16xf32>
      %parallel_loop3A_323 = arith.index_cast %parallel_loop3A_285 : i32 to index
      %parallel_loop3A_324 = arith.constant 32 : index
      %parallel_loop3A_325 = tpu.vector_load %arg10[%parallel_loop3A_323, %parallel_loop3A_324] {strides = array<i32>} : memref<200x64xf32, #tpu.memory_space<vmem>>, vector<1x16xf32>,
      %parallel_loop3A_326 = vector.shape_cast %parallel_loop3A_325 : vector<1x16xf32> to vector<16xf32>
      %parallel_loop3A_327 = vector.shape_cast %parallel_loop3A_322 : vector<16xf32> to vector<1x16xf32>
      tpu.vector_store %arg10[%parallel_loop3A_323, %parallel_loop3A_324], %parallel_loop3A_327 {strides = array<i32>} : memref<200x64xf32, #tpu.memory_space<vmem>>, vector<1x16xf32>,
      %parallel_loop3A_328 = arith.index_cast %parallel_loop3A_285 : i32 to index
      %parallel_loop3A_329 = arith.constant 48 : index
      %parallel_loop3A_330 = tpu.vector_load %arg10[%parallel_loop3A_328, %parallel_loop3A_329] {strides = array<i32>} : memref<200x64xf32, #tpu.memory_space<vmem>>, vector<1x16xf32>,
      %parallel_loop3A_331 = vector.shape_cast %parallel_loop3A_330 : vector<1x16xf32> to vector<16xf32>
      %parallel_loop3A_332 = arith.index_cast %parallel_loop3A_285 : i32 to index
      %parallel_loop3A_333 = arith.constant 48 : index
      %parallel_loop3A_334 = tpu.vector_load %arg7[%parallel_loop3A_332, %parallel_loop3A_333] {strides = array<i32>} : memref<200x64xf32, #tpu.memory_space<vmem>>, vector<1x16xf32>,
      %parallel_loop3A_335 = vector.shape_cast %parallel_loop3A_334 : vector<1x16xf32> to vector<16xf32>
      %parallel_loop3A_336 = arith.addf %parallel_loop3A_331, %parallel_loop3A_335 : vector<16xf32>
      %parallel_loop3A_337 = arith.index_cast %parallel_loop3A_285 : i32 to index
      %parallel_loop3A_338 = arith.constant 48 : index
      %parallel_loop3A_339 = tpu.vector_load %arg10[%parallel_loop3A_337, %parallel_loop3A_338] {strides = array<i32>} : memref<200x64xf32, #tpu.memory_space<vmem>>, vector<1x16xf32>,
      %parallel_loop3A_340 = vector.shape_cast %parallel_loop3A_339 : vector<1x16xf32> to vector<16xf32>
      %parallel_loop3A_341 = vector.shape_cast %parallel_loop3A_336 : vector<16xf32> to vector<1x16xf32>
      tpu.vector_store %arg10[%parallel_loop3A_337, %parallel_loop3A_338], %parallel_loop3A_341 {strides = array<i32>} : memref<200x64xf32, #tpu.memory_space<vmem>>, vector<1x16xf32>,
    } {sc.loop_unroll_factor = 4 : i64, sc.parallel_access}
    %add3A_223 = arith.constant 126 : i32
    %add3A_224 = arith.addi %mul3A_2, %add3A_223 : i32
    %dma_start3A_225 = arith.constant 0 : i32
    %dma_start3A_226 = arith.constant 0 : i32
    %dma_start3A_227 = tpu.memref_slice %arg5[%add3A_224, %dma_start3A_225, %dma_start3A_226] : memref<4096x200x128xf32, #tpu.memory_space<hbm>> -> memref<1x200x64xf32, #tpu.memory_space<hbm>>
    %dma_start3A_228 = tpu.memref_squeeze %dma_start3A_227 : memref<1x200x64xf32, #tpu.memory_space<hbm>> -> memref<200x64xf32, #tpu.memory_space<hbm>>
    %dma_start3A_229 = arith.constant 0 : i32
    %dma_start3A_230 = arith.constant 0 : i32
    %dma_start3A_231 = tpu.memref_slice %arg5[%add3A_224, %dma_start3A_229, %dma_start3A_230] : memref<4096x200x128xf32, #tpu.memory_space<hbm>> -> memref<1x200x64xf32, #tpu.memory_space<hbm>>
    %dma_start3A_232 = tpu.memref_squeeze %dma_start3A_231 : memref<1x200x64xf32, #tpu.memory_space<hbm>> -> memref<200x64xf32, #tpu.memory_space<hbm>>
    tpu.enqueue_dma source(%arg10 : memref<200x64xf32, #tpu.memory_space<vmem>>) target(%dma_start3A_232 : memref<200x64xf32, #tpu.memory_space<hbm>>) target_semaphore(%arg18 : memref<!tpu.dma_semaphore, #tpu.memory_space<semaphore_mem>>)
    %dma_wait3A_233 = arith.constant 0 : i32
    %dma_wait3A_234 = arith.constant 0 : i32
    %dma_wait3A_235 = tpu.memref_slice %arg6[%dma_wait3A_233, %dma_wait3A_234] : memref<128x200xi32, #tpu.memory_space<vmem>> -> memref<1x200xi32, #tpu.memory_space<vmem>>
    %dma_wait3A_236 = tpu.memref_squeeze %dma_wait3A_235 : memref<1x200xi32, #tpu.memory_space<vmem>> -> memref<200xi32, #tpu.memory_space<vmem>>
    %dma_wait3A_237 = arith.constant 0 : i32
    %dma_wait3A_238 = arith.constant 0 : i32
    %dma_wait3A_239 = tpu.memref_slice %arg3[%dma_wait3A_237, %dma_wait3A_238] : memref<1000000x64xf32, #tpu.memory_space<hbm>> -> memref<1000000x64xf32, #tpu.memory_space<hbm>>
    tpu.wait_indirect_dma semaphore(%arg15 : memref<!tpu.dma_semaphore, #tpu.memory_space<semaphore_mem>>) src(%dma_wait3A_239 : memref<1000000x64xf32, #tpu.memory_space<hbm>>) dst(%arg11 : memref<200x64xf32, #tpu.memory_space<vmem>>)
    %parallel_loop3A_240 = arith.constant 0 : i32
    %parallel_loop3A_241 = arith.constant 200 : i32
    %parallel_loop3A_242 = arith.constant 1 : i32
    scf.for %parallel_loop3A_285 = %parallel_loop3A_240 to %parallel_loop3A_241 step %parallel_loop3A_242  : i32 {
      %parallel_loop3A_286 = arith.index_cast %parallel_loop3A_285 : i32 to index
      %parallel_loop3A_287 = arith.constant 0 : index
      %parallel_loop3A_288 = tpu.vector_load %arg11[%parallel_loop3A_286, %parallel_loop3A_287] {strides = array<i32>} : memref<200x64xf32, #tpu.memory_space<vmem>>, vector<1x16xf32>,
      %parallel_loop3A_289 = vector.shape_cast %parallel_loop3A_288 : vector<1x16xf32> to vector<16xf32>
      %parallel_loop3A_290 = arith.index_cast %parallel_loop3A_285 : i32 to index
      %parallel_loop3A_291 = arith.constant 0 : index
      %parallel_loop3A_292 = tpu.vector_load %arg7[%parallel_loop3A_290, %parallel_loop3A_291] {strides = array<i32>} : memref<200x64xf32, #tpu.memory_space<vmem>>, vector<1x16xf32>,
      %parallel_loop3A_293 = vector.shape_cast %parallel_loop3A_292 : vector<1x16xf32> to vector<16xf32>
      %parallel_loop3A_294 = arith.addf %parallel_loop3A_289, %parallel_loop3A_293 : vector<16xf32>
      %parallel_loop3A_295 = arith.index_cast %parallel_loop3A_285 : i32 to index
      %parallel_loop3A_296 = arith.constant 0 : index
      %parallel_loop3A_297 = tpu.vector_load %arg11[%parallel_loop3A_295, %parallel_loop3A_296] {strides = array<i32>} : memref<200x64xf32, #tpu.memory_space<vmem>>, vector<1x16xf32>,
      %parallel_loop3A_298 = vector.shape_cast %parallel_loop3A_297 : vector<1x16xf32> to vector<16xf32>
      %parallel_loop3A_299 = vector.shape_cast %parallel_loop3A_294 : vector<16xf32> to vector<1x16xf32>
      tpu.vector_store %arg11[%parallel_loop3A_295, %parallel_loop3A_296], %parallel_loop3A_299 {strides = array<i32>} : memref<200x64xf32, #tpu.memory_space<vmem>>, vector<1x16xf32>,
      %parallel_loop3A_300 = arith.index_cast %parallel_loop3A_285 : i32 to index
      %parallel_loop3A_301 = arith.constant 16 : index
      %parallel_loop3A_302 = tpu.vector_load %arg11[%parallel_loop3A_300, %parallel_loop3A_301] {strides = array<i32>} : memref<200x64xf32, #tpu.memory_space<vmem>>, vector<1x16xf32>,
      %parallel_loop3A_303 = vector.shape_cast %parallel_loop3A_302 : vector<1x16xf32> to vector<16xf32>
      %parallel_loop3A_304 = arith.index_cast %parallel_loop3A_285 : i32 to index
      %parallel_loop3A_305 = arith.constant 16 : index
      %parallel_loop3A_306 = tpu.vector_load %arg7[%parallel_loop3A_304, %parallel_loop3A_305] {strides = array<i32>} : memref<200x64xf32, #tpu.memory_space<vmem>>, vector<1x16xf32>,
      %parallel_loop3A_307 = vector.shape_cast %parallel_loop3A_306 : vector<1x16xf32> to vector<16xf32>
      %parallel_loop3A_308 = arith.addf %parallel_loop3A_303, %parallel_loop3A_307 : vector<16xf32>
      %parallel_loop3A_309 = arith.index_cast %parallel_loop3A_285 : i32 to index
      %parallel_loop3A_310 = arith.constant 16 : index
      %parallel_loop3A_311 = tpu.vector_load %arg11[%parallel_loop3A_309, %parallel_loop3A_310] {strides = array<i32>} : memref<200x64xf32, #tpu.memory_space<vmem>>, vector<1x16xf32>,
      %parallel_loop3A_312 = vector.shape_cast %parallel_loop3A_311 : vector<1x16xf32> to vector<16xf32>
      %parallel_loop3A_313 = vector.shape_cast %parallel_loop3A_308 : vector<16xf32> to vector<1x16xf32>
      tpu.vector_store %arg11[%parallel_loop3A_309, %parallel_loop3A_310], %parallel_loop3A_313 {strides = array<i32>} : memref<200x64xf32, #tpu.memory_space<vmem>>, vector<1x16xf32>,
      %parallel_loop3A_314 = arith.index_cast %parallel_loop3A_285 : i32 to index
      %parallel_loop3A_315 = arith.constant 32 : index
      %parallel_loop3A_316 = tpu.vector_load %arg11[%parallel_loop3A_314, %parallel_loop3A_315] {strides = array<i32>} : memref<200x64xf32, #tpu.memory_space<vmem>>, vector<1x16xf32>,
      %parallel_loop3A_317 = vector.shape_cast %parallel_loop3A_316 : vector<1x16xf32> to vector<16xf32>
      %parallel_loop3A_318 = arith.index_cast %parallel_loop3A_285 : i32 to index
      %parallel_loop3A_319 = arith.constant 32 : index
      %parallel_loop3A_320 = tpu.vector_load %arg7[%parallel_loop3A_318, %parallel_loop3A_319] {strides = array<i32>} : memref<200x64xf32, #tpu.memory_space<vmem>>, vector<1x16xf32>,
      %parallel_loop3A_321 = vector.shape_cast %parallel_loop3A_320 : vector<1x16xf32> to vector<16xf32>
      %parallel_loop3A_322 = arith.addf %parallel_loop3A_317, %parallel_loop3A_321 : vector<16xf32>
      %parallel_loop3A_323 = arith.index_cast %parallel_loop3A_285 : i32 to index
      %parallel_loop3A_324 = arith.constant 32 : index
      %parallel_loop3A_325 = tpu.vector_load %arg11[%parallel_loop3A_323, %parallel_loop3A_324] {strides = array<i32>} : memref<200x64xf32, #tpu.memory_space<vmem>>, vector<1x16xf32>,
      %parallel_loop3A_326 = vector.shape_cast %parallel_loop3A_325 : vector<1x16xf32> to vector<16xf32>
      %parallel_loop3A_327 = vector.shape_cast %parallel_loop3A_322 : vector<16xf32> to vector<1x16xf32>
      tpu.vector_store %arg11[%parallel_loop3A_323, %parallel_loop3A_324], %parallel_loop3A_327 {strides = array<i32>} : memref<200x64xf32, #tpu.memory_space<vmem>>, vector<1x16xf32>,
      %parallel_loop3A_328 = arith.index_cast %parallel_loop3A_285 : i32 to index
      %parallel_loop3A_329 = arith.constant 48 : index
      %parallel_loop3A_330 = tpu.vector_load %arg11[%parallel_loop3A_328, %parallel_loop3A_329] {strides = array<i32>} : memref<200x64xf32, #tpu.memory_space<vmem>>, vector<1x16xf32>,
      %parallel_loop3A_331 = vector.shape_cast %parallel_loop3A_330 : vector<1x16xf32> to vector<16xf32>
      %parallel_loop3A_332 = arith.index_cast %parallel_loop3A_285 : i32 to index
      %parallel_loop3A_333 = arith.constant 48 : index
      %parallel_loop3A_334 = tpu.vector_load %arg7[%parallel_loop3A_332, %parallel_loop3A_333] {strides = array<i32>} : memref<200x64xf32, #tpu.memory_space<vmem>>, vector<1x16xf32>,
      %parallel_loop3A_335 = vector.shape_cast %parallel_loop3A_334 : vector<1x16xf32> to vector<16xf32>
      %parallel_loop3A_336 = arith.addf %parallel_loop3A_331, %parallel_loop3A_335 : vector<16xf32>
      %parallel_loop3A_337 = arith.index_cast %parallel_loop3A_285 : i32 to index
      %parallel_loop3A_338 = arith.constant 48 : index
      %parallel_loop3A_339 = tpu.vector_load %arg11[%parallel_loop3A_337, %parallel_loop3A_338] {strides = array<i32>} : memref<200x64xf32, #tpu.memory_space<vmem>>, vector<1x16xf32>,
      %parallel_loop3A_340 = vector.shape_cast %parallel_loop3A_339 : vector<1x16xf32> to vector<16xf32>
      %parallel_loop3A_341 = vector.shape_cast %parallel_loop3A_336 : vector<16xf32> to vector<1x16xf32>
      tpu.vector_store %arg11[%parallel_loop3A_337, %parallel_loop3A_338], %parallel_loop3A_341 {strides = array<i32>} : memref<200x64xf32, #tpu.memory_space<vmem>>, vector<1x16xf32>,
    } {sc.loop_unroll_factor = 4 : i64, sc.parallel_access}
    %add3A_243 = arith.constant 127 : i32
    %add3A_244 = arith.addi %mul3A_2, %add3A_243 : i32
    %dma_start3A_245 = arith.constant 0 : i32
    %dma_start3A_246 = arith.constant 0 : i32
    %dma_start3A_247 = tpu.memref_slice %arg5[%add3A_244, %dma_start3A_245, %dma_start3A_246] : memref<4096x200x128xf32, #tpu.memory_space<hbm>> -> memref<1x200x64xf32, #tpu.memory_space<hbm>>
    %dma_start3A_248 = tpu.memref_squeeze %dma_start3A_247 : memref<1x200x64xf32, #tpu.memory_space<hbm>> -> memref<200x64xf32, #tpu.memory_space<hbm>>
    %dma_start3A_249 = arith.constant 0 : i32
    %dma_start3A_250 = arith.constant 0 : i32
    %dma_start3A_251 = tpu.memref_slice %arg5[%add3A_244, %dma_start3A_249, %dma_start3A_250] : memref<4096x200x128xf32, #tpu.memory_space<hbm>> -> memref<1x200x64xf32, #tpu.memory_space<hbm>>
    %dma_start3A_252 = tpu.memref_squeeze %dma_start3A_251 : memref<1x200x64xf32, #tpu.memory_space<hbm>> -> memref<200x64xf32, #tpu.memory_space<hbm>>
    tpu.enqueue_dma source(%arg11 : memref<200x64xf32, #tpu.memory_space<vmem>>) target(%dma_start3A_252 : memref<200x64xf32, #tpu.memory_space<hbm>>) target_semaphore(%arg19 : memref<!tpu.dma_semaphore, #tpu.memory_space<semaphore_mem>>)
    %dma_wait3A_253 = arith.constant 0 : i32
    %dma_wait3A_254 = arith.constant 0 : i32
    %dma_wait3A_255 = tpu.memref_slice %arg5[%mul3A_2, %dma_wait3A_253, %dma_wait3A_254] : memref<4096x200x128xf32, #tpu.memory_space<hbm>> -> memref<1x200x64xf32, #tpu.memory_space<hbm>>
    %dma_wait3A_256 = tpu.memref_squeeze %dma_wait3A_255 : memref<1x200x64xf32, #tpu.memory_space<hbm>> -> memref<200x64xf32, #tpu.memory_space<hbm>>
    %dma_wait3A_257 = arith.constant 0 : i32
    %dma_wait3A_258 = arith.constant 0 : i32
    %dma_wait3A_259 = tpu.memref_slice %arg5[%mul3A_2, %dma_wait3A_257, %dma_wait3A_258] : memref<4096x200x128xf32, #tpu.memory_space<hbm>> -> memref<1x200x64xf32, #tpu.memory_space<hbm>>
    %dma_wait3A_260 = tpu.memref_squeeze %dma_wait3A_259 : memref<1x200x64xf32, #tpu.memory_space<hbm>> -> memref<200x64xf32, #tpu.memory_space<hbm>>
    tpu.wait_dma2 semaphore(%arg16 : memref<!tpu.dma_semaphore, #tpu.memory_space<semaphore_mem>>) src(%arg8 : memref<200x64xf32, #tpu.memory_space<vmem>>) dst(%dma_wait3A_260 : memref<200x64xf32, #tpu.memory_space<hbm>>)
    %dma_wait3A_261 = arith.constant 0 : i32
    %dma_wait3A_262 = arith.constant 0 : i32
    %dma_wait3A_263 = tpu.memref_slice %arg5[%mul3A_2, %dma_wait3A_261, %dma_wait3A_262] : memref<4096x200x128xf32, #tpu.memory_space<hbm>> -> memref<1x200x64xf32, #tpu.memory_space<hbm>>
    %dma_wait3A_264 = tpu.memref_squeeze %dma_wait3A_263 : memref<1x200x64xf32, #tpu.memory_space<hbm>> -> memref<200x64xf32, #tpu.memory_space<hbm>>
    %dma_wait3A_265 = arith.constant 0 : i32
    %dma_wait3A_266 = arith.constant 0 : i32
    %dma_wait3A_267 = tpu.memref_slice %arg5[%mul3A_2, %dma_wait3A_265, %dma_wait3A_266] : memref<4096x200x128xf32, #tpu.memory_space<hbm>> -> memref<1x200x64xf32, #tpu.memory_space<hbm>>
    %dma_wait3A_268 = tpu.memref_squeeze %dma_wait3A_267 : memref<1x200x64xf32, #tpu.memory_space<hbm>> -> memref<200x64xf32, #tpu.memory_space<hbm>>
    tpu.wait_dma2 semaphore(%arg17 : memref<!tpu.dma_semaphore, #tpu.memory_space<semaphore_mem>>) src(%arg9 : memref<200x64xf32, #tpu.memory_space<vmem>>) dst(%dma_wait3A_268 : memref<200x64xf32, #tpu.memory_space<hbm>>)
    %dma_wait3A_269 = arith.constant 0 : i32
    %dma_wait3A_270 = arith.constant 0 : i32
    %dma_wait3A_271 = tpu.memref_slice %arg5[%mul3A_2, %dma_wait3A_269, %dma_wait3A_270] : memref<4096x200x128xf32, #tpu.memory_space<hbm>> -> memref<1x200x64xf32, #tpu.memory_space<hbm>>
    %dma_wait3A_272 = tpu.memref_squeeze %dma_wait3A_271 : memref<1x200x64xf32, #tpu.memory_space<hbm>> -> memref<200x64xf32, #tpu.memory_space<hbm>>
    %dma_wait3A_273 = arith.constant 0 : i32
    %dma_wait3A_274 = arith.constant 0 : i32
    %dma_wait3A_275 = tpu.memref_slice %arg5[%mul3A_2, %dma_wait3A_273, %dma_wait3A_274] : memref<4096x200x128xf32, #tpu.memory_space<hbm>> -> memref<1x200x64xf32, #tpu.memory_space<hbm>>
    %dma_wait3A_276 = tpu.memref_squeeze %dma_wait3A_275 : memref<1x200x64xf32, #tpu.memory_space<hbm>> -> memref<200x64xf32, #tpu.memory_space<hbm>>
    tpu.wait_dma2 semaphore(%arg18 : memref<!tpu.dma_semaphore, #tpu.memory_space<semaphore_mem>>) src(%arg10 : memref<200x64xf32, #tpu.memory_space<vmem>>) dst(%dma_wait3A_276 : memref<200x64xf32, #tpu.memory_space<hbm>>)
    %dma_wait3A_277 = arith.constant 0 : i32
    %dma_wait3A_278 = arith.constant 0 : i32
    %dma_wait3A_279 = tpu.memref_slice %arg5[%mul3A_2, %dma_wait3A_277, %dma_wait3A_278] : memref<4096x200x128xf32, #tpu.memory_space<hbm>> -> memref<1x200x64xf32, #tpu.memory_space<hbm>>
    %dma_wait3A_280 = tpu.memref_squeeze %dma_wait3A_279 : memref<1x200x64xf32, #tpu.memory_space<hbm>> -> memref<200x64xf32, #tpu.memory_space<hbm>>
    %dma_wait3A_281 = arith.constant 0 : i32
    %dma_wait3A_282 = arith.constant 0 : i32
    %dma_wait3A_283 = tpu.memref_slice %arg5[%mul3A_2, %dma_wait3A_281, %dma_wait3A_282] : memref<4096x200x128xf32, #tpu.memory_space<hbm>> -> memref<1x200x64xf32, #tpu.memory_space<hbm>>
    %dma_wait3A_284 = tpu.memref_squeeze %dma_wait3A_283 : memref<1x200x64xf32, #tpu.memory_space<hbm>> -> memref<200x64xf32, #tpu.memory_space<hbm>>
    tpu.wait_dma2 semaphore(%arg19 : memref<!tpu.dma_semaphore, #tpu.memory_space<semaphore_mem>>) src(%arg11 : memref<200x64xf32, #tpu.memory_space<vmem>>) dst(%dma_wait3A_284 : memref<200x64xf32, #tpu.memory_space<hbm>>)
    return
  }
}

</mosaic_0001>

<sc_bundles>
// kernel: kernel.3.cloned.1.call-start
scs
__scs_entry_jumppad:
0x0: {  	(pc) =	sbr.rel $0x88, $3  }
0x1: {  	(tag) =	ssettag $0x0;
	lr =	simm.s32 $0x1  }
0x2: {  	[smem:$0x3F9F] =	sst lr;
	_ =	strace $0xD0000000  }
0x3: {  	_ = 	snop  }
0x4: {  	_ = 	snop  }
0x5: {  	_ = 	snop  }
0x6: {  	_ = 	snop  }
0x7: {  	_ = 	snop  }
__scs_overlays_trampoline_lowered:
0x8: {  	[smem:$0x3FAE] =	sst s0  }
0x9: {  	[smem:$0x3FAF] =	sst s1  }
0xa: {  	[smem:$0x3FB0] =	sst s2  }
0xb: {  	[smem:$0x3FB1] =	sst s3  }
0xc: {  	[smem:$0x3FB2] =	sst s4  }
0xd: {  	[smem:$0x3FB3] =	sst s5  }
0xe: {  	[smem:$0x3FB4] =	sst s6  }
0xf: {  	[smem:$0x3FB5] =	sst s7  }
0x10: {  	[smem:$0x3FB6] =	sst s8  }
0x11: {  	[smem:$0x3FB7] =	sst s9;
	s0 =	simm.s32 @!p0 $0x0  }
0x12: {  	s1 =	sld [smem:$0x3F9D];
	s0 =	simm.s32 @p0 $0x1  }
0x13: {  	[smem:$0x3FB8] =	sst s0;
	s0 =	simm.s32 @!p1 $0x0  }
0x14: {  	s2 =	sld [smem:$0x3F9C];
	s0 =	simm.s32 @p1 $0x1  }
0x15: {  	[smem:$0x3FB9] =	sst s0;
	s0 =	simm.s32 @!p2 $0x0  }
0x16: {  	s3 =	sld [smem:$0x3FDB];
	s0 =	simm.s32 @p2 $0x1  }
0x17: {  	s4 =	simm.s32 $0x1BF5;
	[smem:$0x3FBB] =	sst s0  }
0x18: {  	s0 =	sld [smem:$0x3F9E];
	_ =	swait.ge [sflag:s4], $0x0  }
0x19: {  	s7 =	sld [smem:$0x3F9F]  }
0x1a: {  	s8 =	sadd.s32 $0xFFFFE003, lr  }
0x1b: {  	s9 =	sadd.s32 $0xFFFFFEF7, lr;
	s5 =	simm.s32 $0xFFFFFFFF;
	p2 =	slt.u32 s8, $0xFFFFF086  }
0x1c: {  	p1 =	slt.u32 s9, $0xF7A;
	s5 =	simm.s32 @!p2 $0x0  }
0x1d: {  	s5 =	simm.s32 @p1 $0x1;
	p0 =	seq.s32 s7, s2  }
0x1e: {  	s7 =	smul.u32 @!p0 $0xF7A, s2;
	p2 =	seq.s32 @!p0 s5, $0x0  }
0x1f: {  	s9 =	smul.u32 $0xF7A, s1;
	s8 =	simm.s32 @!p0 $0x1BF5;
	p2 =	por !p2, p0  }
0x20: {  	[sflag:s8] =	ssyncset.s32 @!p0 $0xFFFFF086;
	s6 =	sadd.s32 @!p0 s3, s7;
	s7 =	simm.s32 @!p0 $0x108  }
0x21: {  	s3 =	sadd.s32 s3, s9;
	s6 =	sadd.s32 @!p0 $0x88, s6;
	s7 =	simm.s32 @p2 $0x1082  }
0x22: {  	[simem:s7], [sflag:s8] =	dma.local @!p0 [hbm:s6], $0xF7A  }
0x23: {  	s9 =	sor.u32 $0xD0000000, s2;
	s6 =	simm.s32 $0x108;
	_ =	swait.ge @!p0 [sflag:s8], $0x0  }
0x24: {  	s3 =	sadd.s32 $0x88, s3;
	s6 =	simm.s32 @!p1 $0x1082;
	[sflag:s4] =	ssyncset.s32 $0xFFFFF086  }
0x25: {  	[simem:s6], [sflag:s4] =	dma.local [hbm:s3], $0xF7A  }
0x26: {  	[smem:$0x3F9F] =	sst s1;
	(tag) =	ssettag s2;
	_ =	strace s9  }
0x27: {  	s1 =	sld [smem:$0x3FAF]  }
0x28: {  	s2 =	sld [smem:$0x3FB0]  }
0x29: {  	s4 =	sld [smem:$0x3FB2]  }
0x2a: {  	p0 =	seq.s32 s5, $0x0;
	s5 =	sld [smem:$0x3FB3]  }
0x2b: {  	s6 =	sld [smem:$0x3FB4]  }
0x2c: {  	s7 =	sld [smem:$0x3FB5]  }
0x2d: {  	s3 =	simm.s32 $0x108;
	s8 =	sld [smem:$0x3FB6]  }
0x2e: {  	s3 =	simm.s32 @!p0 $0x1082;
	s9 =	sld [smem:$0x3FB7]  }
0x2f: {  	lr =	sadd.s32 s0, s3;
	s0 =	sld [smem:$0x3FAE]  }
0x30: {  	s3 =	sld [smem:$0x3FB1]  }
0x31: {  	[smem:$0x3FBA] =	sst s10  }
0x32: {  	s10 =	sld [smem:$0x3FB8];
	_ =	sdelay $0x3  }
0x33: {  	p0 =	seq.s32 s10, $0x1;
	s10 =	sld [smem:$0x3FBA];
	_ =	sdelay $0x3  }
0x34: {  	[smem:$0x3FBA] =	sst s10  }
0x35: {  	s10 =	sld [smem:$0x3FB9];
	_ =	sdelay $0x3  }
0x36: {  	p1 =	seq.s32 s10, $0x1;
	s10 =	sld [smem:$0x3FBA];
	_ =	sdelay $0x3  }
0x37: {  	[smem:$0x3FBA] =	sst s10  }
0x38: {  	s10 =	sld [smem:$0x3FBB]  }
0x39: {  	_ = 	snop;
	(pc) =	sbr.ind lr, $3  }
0x3a: {  	_ = 	snop  }
0x3b: {  	_ = 	snop  }
0x3c: {  	p2 =	seq.s32 s10, $0x1;
	s10 =	sld [smem:$0x3FBA]  }
0x3d: {  	_ =	shalt  }
0x3e: {  	_ =	shalt  }
0x3f: {  	_ =	shalt  }
0x40: {  	_ =	shalt  }
0x41: {  	_ =	shalt  }
0x42: {  	_ =	shalt  }
0x43: {  	_ =	shalt  }
0x44: {  	_ =	shalt  }
0x45: {  	_ =	shalt  }
0x46: {  	_ =	shalt  }
0x47: {  	_ =	shalt  }
0x48: {  	_ =	shalt  }
0x49: {  	_ =	shalt  }
0x4a: {  	_ =	shalt  }
0x4b: {  	_ =	shalt  }
0x4c: {  	_ =	shalt  }
0x4d: {  	_ =	shalt  }
0x4e: {  	_ =	shalt  }
0x4f: {  	_ =	shalt  }
0x50: {  	_ =	shalt  }
0x51: {  	_ =	shalt  }
0x52: {  	_ =	shalt  }
0x53: {  	_ =	shalt  }
0x54: {  	_ =	shalt  }
0x55: {  	_ =	shalt  }
0x56: {  	_ =	shalt  }
0x57: {  	_ =	shalt  }
0x58: {  	_ =	shalt  }
0x59: {  	_ =	shalt  }
0x5a: {  	_ =	shalt  }
0x5b: {  	_ =	shalt  }
0x5c: {  	_ =	shalt  }
0x5d: {  	_ =	shalt  }
0x5e: {  	_ =	shalt  }
0x5f: {  	_ =	shalt  }
0x60: {  	_ =	shalt  }
0x61: {  	_ =	shalt  }
0x62: {  	_ =	shalt  }
0x63: {  	_ =	shalt  }
0x64: {  	_ =	shalt  }
0x65: {  	_ =	shalt  }
0x66: {  	_ =	shalt  }
0x67: {  	_ =	shalt  }
0x68: {  	_ =	shalt  }
0x69: {  	_ =	shalt  }
0x6a: {  	_ =	shalt  }
0x6b: {  	_ =	shalt  }
0x6c: {  	_ =	shalt  }
0x6d: {  	_ =	shalt  }
0x6e: {  	_ =	shalt  }
0x6f: {  	_ =	shalt  }
0x70: {  	_ =	shalt  }
0x71: {  	_ =	shalt  }
0x72: {  	_ =	shalt  }
0x73: {  	_ =	shalt  }
0x74: {  	_ =	shalt  }
0x75: {  	_ =	shalt  }
0x76: {  	_ =	shalt  }
0x77: {  	_ =	shalt  }
0x78: {  	_ =	shalt  }
0x79: {  	_ =	shalt  }
0x7a: {  	_ =	shalt  }
0x7b: {  	_ =	shalt  }
0x7c: {  	_ =	shalt  }
0x7d: {  	_ =	shalt  }
0x7e: {  	_ =	shalt  }
0x7f: {  	_ =	shalt  }
0x80: {  	_ =	shalt  }
0x81: {  	_ =	shalt  }
0x82: {  	_ =	shalt  }
0x83: {  	_ =	shalt  }
0x84: {  	_ =	shalt  }
0x85: {  	_ =	shalt  }
0x86: {  	_ =	shalt  }
0x87: {  	_ =	shalt  }
.Lfunc_end0:
.L_simem_size_0:
called_computation.1_lowered:
.L_overlay_start_0:
0x88: {  	s2 =	sld [smem:$0x3FD9]  }
0x89: {  	s3 =	sld [smem:$0x3FFE];
	_ =	sdelay $0x1  }
0x8a: {  	s1 =	srdreg.scid  }
0x8b: {  	s0 =	sand.u32 $0x1, s1  }
0x8c: {  	s17 =	sshll.u32 s0, $0xA;
	s2 =	sadd.s32 s3, s2  }
0x8d: {  	s2 =	sadd.s32 s2, s17  }
0x8e: {  	[smem:$0x3FC6] =	sst s2  }
0x8f: {  	_ = 	snop  }
0x90: {  	s2 =	sld [smem:$0x3FD0];
	(tm) =	ssettm $0x1  }
0x91: {  	s18 =	sld [smem:$0x3FFB];
	_ =	sdelay $0x3  }
0x92: {  	_ =	strace s18  }
0x93: {  	s3 =	sld [smem:$0x3FFC];
	_ =	sdelay $0x3  }
0x94: {  	_ =	strace s3  }
0x95: {  	s3 =	sld [smem:$0x3FFD];
	_ =	sdelay $0x3  }
0x96: {  	_ =	strace s3  }
0x97: {  	_ =	strace $0x8FFFFFFF  }
0x98: {  	s19 =	sld [smem:$0x3FDB];
	_ =	sdelay $0x1  }
0x99: {  	s4 =	simm.s32 $_scs_section_size  }
0x9a: {  	s5 =	simm.s32 $_size__tile_overlayer_lowered;
	s6 =	simm.s32 $_tile_overlayer_lowered  }
0x9b: {  	s22 =	simm.s32 $0x1BFF;
	s21 =	sshll.u32 s6, $0x1;
	s3 =	sadd.s32 s4, s19  }
0x9c: {  	s7 =	simm.s32 $0x0;
	s20 =	sshll.u32 s5, $0x1;
	s5 =	sadd.s32 s21, s3  }
0x9d: {  	[timem:s7], [sflag:s22] =	dma.local [hbm:s5], s20  }
0x9e: {  	_ =	swait.ge [sflag:s22], s20  }
0x9f: {  	s4 =	ssub.s32 $0x0, s20;
	[sflag:s22] =	ssyncset.done $0x0  }
0xa0: {  	[sflag:s22] =	ssyncadd.s32 s4;
	_ =	sdelay $0x1  }
0xa1: {  	s23 =	simm.s32 $0x1B8B  }
0xa2: {  	_ =	swait.ge [sflag:s23], $0x1  }
0xa3: {  	[sflag:s23] =	ssyncset.done $0x0  }
0xa4: {  	s25 =	simm.s32 $0x1B8E;
	s24 =	sld [smem:$0x3FFE];
	[sflag:s23] =	ssyncadd.s32 $0xFFFFFFFF  }
0xa5: {  	s26 =	simm.s32 $execute0_lowered;
	[smem:$0x3FD2] =	sst s25  }
0xa6: {  	s5 =	sshll.u32 s26, $0x1;
	_ =	strace $0x80000046;
	[dreg:$0x1] =	wrdreg $0xFFFFFFFF  }
0xa7: {  	s28 =	simm.s32 $_size_execute0_lowered;
	s3 =	sadd.s32 s3, s5;
	[dreg:$0x0] =	wrdreg $0x0  }
0xa8: {  	s5 =	sshll.u32 s28, $0x1;
	[dreg:$0x2] =	wrdreg s3  }
0xa9: {  	[dreg:$0x3] =	wrdreg s5  }
0xaa: {  	[dreg:$0x4] =	wrdreg $0xC0  }
0xab: {  	_ =	task [dreg:s7], $0x5FFFF  }
0xac: {  	[dreg:$0x1] =	wrdreg $0xFFFFFFFF  }
0xad: {  	[dreg:$0x0] =	wrdreg $0x60  }
0xae: {  	[dreg:$0x2] =	wrdreg s2  }
0xaf: {  	[dreg:$0x3] =	wrdreg s24  }
0xb0: {  	[dreg:$0x4] =	wrdreg $0x9  }
0xb1: {  	_ =	task.clear_ibuf [dreg:s7], $0x5FFFF;
	_ =	strace $0x90000046  }
0xb2: {  	s29 =	simm.s32 $0x9;
	_ =	strace $0x80000048  }
0xb3: {  	_ =	swait.ge [sflag:s29], $0x1  }
0xb4: {  	[sflag:s29] =	ssyncadd.s32 $0xFFFFFFFF  }
0xb5: {  	_ =	strace $0x90000048  }
0xb6: {  	_ =	sfence  }
0xb7: {  	s30 =	sld [smem:$0x0];
	_ =	sdelay $0x2  }
0xb8: {  	s31 =	sshll.u32 s1, $0xD;
	s1 =	sshrl.u32 s1, $0x2  }
0xb9: {  	s3 =	sand.u32 $0x4000, s31;
	s1 =	sadd.s32 s1, s30  }
0xba: {  	s0 =	sor.u32 s3, s0;
	s1 =	sshll.u32 s1, $0x11  }
0xbb: {  	s0 =	sor.u32 s1, s0  }
0xbc: {  	s0 =	sadd.s32 $0x8F2B, s0  }
0xbd: {  	[sflag:s0] =	ssyncadd.remote.s32 $0x1  }
0xbe: {  	_ =	sfence.sel $0xFFFF  }
0xbf: {  	[dreg:$0x0] =	wrdreg $0xFFFFFFFF;
	(pc) =	sbr.abs _section_cstart, $3  }
0xc0: {  	[dreg:$0x1] =	wrdreg $0xFFFFFFFF  }
0xc1: {  	_ =	task.clear_ibuf [dreg:s7], $0x2FFFF;
	_ =	strace $0x9FFFFFFF  }
0xc2: {  	(tm) =	ssettm $0x7FFFFFFF  }
0xc3: {  	_ =	shalt  }
tec
execute0_lowered:
.L_overlay_start_1:
0x0: {  	(tag) =	ssettag $0x1  }
0x1: {  	s0 =	srdreg.scid  }
0x2: {  	s1 =	rddreg [dreg:$0x0];
	s2 =	stileid.u32  }
0x3: {  	s5 =	rddreg [dreg:$0x1];
	s18 =	simm.s32 $0x9;
	s19 =	simm.s32 $0xC8  }
0x4: {  	s28 =	simm.s32 $0x2;
	s30 =	simm.s32 $0x12C00;
	s31 =	simm.s32 $0x3  }
0x5: {  	s17 =	simm.s32 $0x4;
	s29 =	simm.s32 $0x8;
	s0 =	sand.u32 $0x1, s0  }
0x6: {  	s3 =	sshll.u32 s2, $0x8;
	s2 =	simm.s32 $0x0;
	s6 =	sadd.s32 $0xC00, s5  }
0x7: {  	s4 =	sshll.u32 s0, $0x7;
	[smem:$0x7FF] =	sst s2;
	s0 =	ssub.s32 $0x2, s0  }
0x8: {  	s3 =	sor.u32 s4, s3;
	_ =	strace $0x80000047;
	s4 =	sadd.s32 $0xF43000, s5  }
0x9: {  	s9 =	sshrl.u32 s0, $0x1;
	[dreg:$0x3] =	wrdreg s6;
	s7 =	smul.u32 $0x19, s3  }
0xa: {  	s6 =	sadd.s32 $0x1400, s5;
	s8 =	smul.u32 $0xC80, s3;
	s0 =	ssub.s32 s0, s9  }
0xb: {  	s5 =	simm.s32 $0x0;
	s10 =	smul.u32 $0x6400, s3;
	s16 =	smax.u32 s0, $0x1  }
0xc: {  	s0 =	simm.s32 $0x7;
	s1 =	sadd.s32 s1, s7;
	s8 =	sadd.s32 s6, s8  }
0xd: {  	s20 =	sshrl.u32 s10, $0x3;
	[dreg:$0x4] =	wrdreg s1;
	s21 =	sadd.s32 $0xC80, s8  }
0xe: {  	s22 =	sadd.s32 $0x1900, s8;
	s1 =	sadd.s32 s6, s20;
	[dreg:$0x5] =	wrdreg s21  }
0xf: {  	s23 =	sadd.s32 $0x2580, s8;
	s20 =	simm.s32 $0x9600;
	[dreg:$0x6] =	wrdreg s22  }
0x10: {  	[dreg:$0x7] =	wrdreg s23;
	s24 =	sadd.s32 $0x60E00, s1;
	s25 =	sadd.s32 $0x61A80, s1  }
0x11: {  	s26 =	sadd.s32 $0x62700, s1;
	s15 =	sadd.s32 $0x63380, s1;
	[dreg:$0x8] =	wrdreg s24  }
0x12: {  	s21 =	simm.s32 $0xC800;
	s22 =	simm.s32 $0x1;
	[dreg:$0x9] =	wrdreg s25  }
0x13: {  	s23 =	simm.s32 $0x40;
	s1 =	simm.s32 $0x5;
	[dreg:$0xa] =	wrdreg s26  }
0x14: {  	s24 =	simm.s32 $0x80;
	s26 =	simm.s32 $0xFA00;
	s25 =	simm.s32 $0x6  }
.LBB2_1:
0x15: {  	s7 =	rddreg [dreg:$0x3];
	s9 =	simm.s32 $0x6400  }
0x16: {  	[tilespmem:s9], [sflag:$0x9] =	stream.linear.gather [hbm4b:s7+s2], $0x3200, $0x38;
	[tilespmem:$0x15E00] =	vst v63  }
0x17: {  	_ =	swait.ge [sflag:s18], $0x3200  }
0x18: {  	[sflag:s18] =	ssyncset.done $0x0  }
0x19: {  	s14 =	rddreg [dreg:$0x4];
	[sflag:s18] =	ssyncadd.s32 $0xFFFFCE00  }
0x1a: {  	[tilespmem:s2], [sflag:$0x9] =	stream.linear.gather [hbm4b:s14+s2], $0x6400, $0x38;
	[tilespmem:$0x15E00] =	vst v63  }
0x1b: {  	_ =	swait.ge [sflag:s18], $0x6400  }
0x1c: {  	[sflag:s18] =	ssyncset.done $0x0  }
0x1d: {  	[sflag:s18] =	ssyncadd.s32 $0xFFFF9C00  }
0x1e: {  	[tilespmem:s20], [sflag:$0x1] =	stream.indirect.gather [hbm4b:s4+s19], $0x40, s2, s19, $0xb8;
	[tilespmem:$0x15E00] =	vst v63  }
0x1f: {  	_ = 	snop  }
0x20: {  	[tilespmem:s21], [sflag:$0x2] =	stream.indirect.gather [hbm4b:s4+s19], $0x40, s19, s19, $0xb8;
	[tilespmem:$0x15E00] =	vst v63  }
0x21: {  	_ =	swait.ge [sflag:s22], $0x3200  }
0x22: {  	[sflag:s22] =	ssyncset.done $0x0  }
0x23: {  	s7 =	simm.s32 $0x9680;
	[sflag:s22] =	ssyncadd.s32 $0xFFFFCE00  }
0x24: {  	s9 =	simm.s32 $0x6480;
	v0 =	vld [tilespmem:s7+$0x40]  }
0x25: {  	v1 =	vld [tilespmem:s9+$0x40]  }
0x26: {  	v2 =	vld [tilespmem:s7+$0xFFFFFFC0]  }
0x27: {  	v3 =	vld [tilespmem:s9+$0xFFFFFFC0]  }
0x28: {  	v4 =	vld [tilespmem:s7+$0x0]  }
0x29: {  	v5 =	vld [tilespmem:s9+$0x0]  }
0x2a: {  	v6 =	vld [tilespmem:s7+$0xFFFFFF80];
	v0 =	vadd.f32 v1, v0  }
0x2b: {  	v1 =	vld [tilespmem:s9+$0xFFFFFF80]  }
0x2c: {  	[tilespmem:s7+$0x40] =	vst v0;
	v0 =	vld [tilespmem:s7+$0x50]  }
0x2d: {  	v2 =	vadd.f32 v3, v2;
	v3 =	vld [tilespmem:s9+$0x50]  }
0x2e: {  	v7 =	vld [tilespmem:s7+$0xFFFFFF90]  }
0x2f: {  	[tilespmem:s7+$0xFFFFFFC0] =	vst v2;
	v2 =	vadd.f32 v5, v4;
	v4 =	vld [tilespmem:s7+$0xFFFFFFD0]  }
0x30: {  	v5 =	vld [tilespmem:s9+$0xFFFFFFD0];
	v1 =	vadd.f32 v1, v6  }
0x31: {  	[tilespmem:s7+$0x0] =	vst v2;
	v2 =	vld [tilespmem:s7+$0x10]  }
0x32: {  	v6 =	vld [tilespmem:s9+$0x10];
	[tilespmem:s7+$0xFFFFFF80] =	vst v1;
	v0 =	vadd.f32 v3, v0  }
0x33: {  	v1 =	vld [tilespmem:s9+$0xFFFFFF90]  }
0x34: {  	[tilespmem:s7+$0x50] =	vst v0;
	v0 =	vld [tilespmem:s7+$0x60]  }
0x35: {  	v3 =	vadd.f32 v5, v4;
	v4 =	vld [tilespmem:s9+$0x60]  }
0x36: {  	v5 =	vld [tilespmem:s7+$0xFFFFFFA0]  }
0x37: {  	[tilespmem:s7+$0xFFFFFFD0] =	vst v3;
	v2 =	vadd.f32 v6, v2;
	v3 =	vld [tilespmem:s7+$0xFFFFFFE0]  }
0x38: {  	v6 =	vld [tilespmem:s9+$0xFFFFFFE0];
	v1 =	vadd.f32 v1, v7  }
0x39: {  	[tilespmem:s7+$0x10] =	vst v2;
	v2 =	vld [tilespmem:s7+$0x20]  }
0x3a: {  	v7 =	vld [tilespmem:s9+$0x20];
	[tilespmem:s7+$0xFFFFFF90] =	vst v1;
	v0 =	vadd.f32 v4, v0  }
0x3b: {  	v4 =	vld [tilespmem:s9+$0xFFFFFFA0]  }
0x3c: {  	v8 =	vld [tilespmem:s7+$0x70];
	[tilespmem:s7+$0x60] =	vst v0  }
0x3d: {  	v1 =	vadd.f32 v6, v3;
	v6 =	vld [tilespmem:s9+$0x70]  }
0x3e: {  	v0 =	vld [tilespmem:s7+$0xFFFFFFB0]  }
0x3f: {  	[tilespmem:s7+$0xFFFFFFE0] =	vst v1;
	v2 =	vadd.f32 v7, v2;
	v1 =	vld [tilespmem:s7+$0xFFFFFFF0]  }
0x40: {  	v3 =	vld [tilespmem:s9+$0xFFFFFFF0];
	v4 =	vadd.f32 v4, v5  }
0x41: {  	[tilespmem:s7+$0x20] =	vst v2;
	v2 =	vld [tilespmem:s7+$0x30]  }
0x42: {  	[tilespmem:s7+$0xFFFFFFA0] =	vst v4;
	v4 =	vld [tilespmem:s9+$0x30];
	v6 =	vadd.f32 v6, v8  }
0x43: {  	s10 =	simm.s32 $0x0;
	s11 =	simm.s32 $0x9780;
	v5 =	vld [tilespmem:s9+$0xFFFFFFB0]  }
.LBB2_2:
0x44: {  	v7 =	vld [tilespmem:s11+$0x40];
	[tilespmem:s7+$0x70] =	vst v6;
	s9 =	sadd.s32 $0x100, s9  }
0x45: {  	s10 =	sadd.s32 $0x4, s10;
	v6 =	vld [tilespmem:s9+$0x40];
	v1 =	vadd.f32 v3, v1  }
0x46: {  	p0 =	slt.u32 s10, $0xC4;
	v3 =	vld [tilespmem:s9+$0xFFFFFF80]  }
0x47: {  	v8 =	vld [tilespmem:s11+$0xFFFFFFC0];
	[tilespmem:s7+$0xFFFFFFF0] =	vst v1;
	v1 =	vadd.f32 v4, v2  }
0x48: {  	v2 =	vld [tilespmem:s9+$0xFFFFFFC0];
	v0 =	vadd.f32 v5, v0  }
0x49: {  	v4 =	vld [tilespmem:s11+$0x0];
	[tilespmem:s7+$0x30] =	vst v1  }
0x4a: {  	v1 =	vld [tilespmem:s9+$0x0];
	v5 =	vadd.f32 v6, v7;
	[tilespmem:s7+$0xFFFFFFB0] =	vst v0;
	s7 =	smov.u32 s11  }
0x4b: {  	v0 =	vld [tilespmem:s11+$0xFFFFFF80]  }
0x4c: {  	[tilespmem:s11+$0x40] =	vst v5;
	v5 =	vld [tilespmem:s11+$0x50]  }
0x4d: {  	v2 =	vadd.f32 v2, v8;
	v6 =	vld [tilespmem:s9+$0x50]  }
0x4e: {  	v7 =	vld [tilespmem:s11+$0xFFFFFF90]  }
0x4f: {  	[tilespmem:s11+$0xFFFFFFC0] =	vst v2;
	v2 =	vld [tilespmem:s11+$0xFFFFFFD0];
	v1 =	vadd.f32 v1, v4  }
0x50: {  	v0 =	vadd.f32 v3, v0;
	v3 =	vld [tilespmem:s9+$0xFFFFFFD0]  }
0x51: {  	[tilespmem:s11+$0x0] =	vst v1;
	v1 =	vld [tilespmem:s11+$0x10]  }
0x52: {  	[tilespmem:s11+$0xFFFFFF80] =	vst v0;
	v0 =	vld [tilespmem:s9+$0x10];
	v4 =	vadd.f32 v6, v5  }
0x53: {  	v5 =	vld [tilespmem:s9+$0xFFFFFF90]  }
0x54: {  	[tilespmem:s11+$0x50] =	vst v4;
	v4 =	vld [tilespmem:s11+$0x60]  }
0x55: {  	v2 =	vadd.f32 v3, v2;
	v3 =	vld [tilespmem:s9+$0x60]  }
0x56: {  	v6 =	vld [tilespmem:s11+$0xFFFFFFA0]  }
0x57: {  	[tilespmem:s11+$0xFFFFFFD0] =	vst v2;
	v2 =	vld [tilespmem:s11+$0xFFFFFFE0];
	v0 =	vadd.f32 v0, v1  }
0x58: {  	v1 =	vadd.f32 v5, v7;
	v5 =	vld [tilespmem:s9+$0xFFFFFFE0]  }
0x59: {  	[tilespmem:s11+$0x10] =	vst v0;
	v7 =	vld [tilespmem:s11+$0x20]  }
0x5a: {  	[tilespmem:s11+$0xFFFFFF90] =	vst v1;
	v8 =	vld [tilespmem:s9+$0x20];
	v0 =	vadd.f32 v3, v4  }
0x5b: {  	v3 =	vld [tilespmem:s9+$0xFFFFFFA0]  }
0x5c: {  	[tilespmem:s11+$0x60] =	vst v0;
	v9 =	vld [tilespmem:s11+$0x70]  }
0x5d: {  	v1 =	vadd.f32 v5, v2;
	v5 =	vld [tilespmem:s9+$0x70]  }
0x5e: {  	v0 =	vld [tilespmem:s11+$0xFFFFFFB0]  }
.Ltmp0:
0x5f: {  	[tilespmem:s11+$0xFFFFFFE0] =	vst v1;
	v1 =	vld [tilespmem:s11+$0xFFFFFFF0];
	v2 =	vadd.f32 v8, v7;
	(pc) =	sbr.rel @p0 .LBB2_2-.Ltmp0, $4  }
0x60: {  	v4 =	vadd.f32 v3, v6;
	v3 =	vld [tilespmem:s9+$0xFFFFFFF0]  }
0x61: {  	[tilespmem:s11+$0x20] =	vst v2;
	v2 =	vld [tilespmem:s11+$0x30]  }
0x62: {  	[tilespmem:s11+$0xFFFFFFA0] =	vst v4;
	v4 =	vld [tilespmem:s9+$0x30];
	v6 =	vadd.f32 v5, v9  }
0x63: {  	s11 =	sadd.s32 $0x100, s11;
	v5 =	vld [tilespmem:s9+$0xFFFFFFB0]  }
0x64: {  	_ =	sdelay $0x1  }
0x65: {  	v1 =	vadd.f32 v3, v1  }
0x66: {  	[tilespmem:s7+$0x70] =	vst v6;
	v2 =	vadd.f32 v4, v2  }
0x67: {  	[tilespmem:s7+$0xFFFFFFF0] =	vst v1;
	v0 =	vadd.f32 v5, v0  }
0x68: {  	[tilespmem:s7+$0x30] =	vst v2  }
0x69: {  	[tilespmem:s7+$0xFFFFFFB0] =	vst v0  }
0x6a: {  	[hbm4b:s8+s23] =	stream.strided.scatter [tilespmem:s20], [sflag:$0x5], $0x3200, s24, s23, $0x38;
	[tilespmem:$0x15E00] =	vst v63  }
0x6b: {  	s14 =	simm.s32 $0x190  }
0x6c: {  	[tilespmem:s26], [sflag:$0x3] =	stream.indirect.gather [hbm4b:s4+s19], $0x40, s14, s19, $0xb8;
	[tilespmem:$0x15E00] =	vst v63  }
0x6d: {  	_ =	swait.ge [sflag:s28], $0x3200  }
0x6e: {  	[sflag:s28] =	ssyncset.done $0x0  }
0x6f: {  	s7 =	simm.s32 $0xC880;
	[sflag:s28] =	ssyncadd.s32 $0xFFFFCE00  }
0x70: {  	s9 =	simm.s32 $0x6480;
	v0 =	vld [tilespmem:s7+$0x40]  }
0x71: {  	v1 =	vld [tilespmem:s9+$0x40]  }
0x72: {  	v2 =	vld [tilespmem:s7+$0xFFFFFFC0]  }
0x73: {  	v3 =	vld [tilespmem:s9+$0xFFFFFFC0]  }
0x74: {  	v4 =	vld [tilespmem:s7+$0x0]  }
0x75: {  	v5 =	vld [tilespmem:s9+$0x0]  }
0x76: {  	v6 =	vld [tilespmem:s7+$0xFFFFFF80];
	v0 =	vadd.f32 v1, v0  }
0x77: {  	v1 =	vld [tilespmem:s9+$0xFFFFFF80]  }
0x78: {  	[tilespmem:s7+$0x40] =	vst v0;
	v0 =	vld [tilespmem:s7+$0x50]  }
0x79: {  	v2 =	vadd.f32 v3, v2;
	v3 =	vld [tilespmem:s9+$0x50]  }
0x7a: {  	v7 =	vld [tilespmem:s7+$0xFFFFFF90]  }
0x7b: {  	[tilespmem:s7+$0xFFFFFFC0] =	vst v2;
	v2 =	vadd.f32 v5, v4;
	v4 =	vld [tilespmem:s7+$0xFFFFFFD0]  }
0x7c: {  	v5 =	vld [tilespmem:s9+$0xFFFFFFD0];
	v1 =	vadd.f32 v1, v6  }
0x7d: {  	[tilespmem:s7+$0x0] =	vst v2;
	v2 =	vld [tilespmem:s7+$0x10]  }
0x7e: {  	v6 =	vld [tilespmem:s9+$0x10];
	[tilespmem:s7+$0xFFFFFF80] =	vst v1;
	v0 =	vadd.f32 v3, v0  }
0x7f: {  	v1 =	vld [tilespmem:s9+$0xFFFFFF90]  }
0x80: {  	[tilespmem:s7+$0x50] =	vst v0;
	v0 =	vld [tilespmem:s7+$0x60]  }
0x81: {  	v3 =	vadd.f32 v5, v4;
	v4 =	vld [tilespmem:s9+$0x60]  }
0x82: {  	v5 =	vld [tilespmem:s7+$0xFFFFFFA0]  }
0x83: {  	[tilespmem:s7+$0xFFFFFFD0] =	vst v3;
	v2 =	vadd.f32 v6, v2;
	v3 =	vld [tilespmem:s7+$0xFFFFFFE0]  }
0x84: {  	v6 =	vld [tilespmem:s9+$0xFFFFFFE0];
	v1 =	vadd.f32 v1, v7  }
0x85: {  	[tilespmem:s7+$0x10] =	vst v2;
	v2 =	vld [tilespmem:s7+$0x20]  }
0x86: {  	v7 =	vld [tilespmem:s9+$0x20];
	[tilespmem:s7+$0xFFFFFF90] =	vst v1;
	v0 =	vadd.f32 v4, v0  }
0x87: {  	v4 =	vld [tilespmem:s9+$0xFFFFFFA0]  }
0x88: {  	v8 =	vld [tilespmem:s7+$0x70];
	[tilespmem:s7+$0x60] =	vst v0  }
0x89: {  	v1 =	vadd.f32 v6, v3;
	v6 =	vld [tilespmem:s9+$0x70]  }
0x8a: {  	v0 =	vld [tilespmem:s7+$0xFFFFFFB0]  }
0x8b: {  	[tilespmem:s7+$0xFFFFFFE0] =	vst v1;
	v2 =	vadd.f32 v7, v2;
	v1 =	vld [tilespmem:s7+$0xFFFFFFF0]  }
0x8c: {  	v3 =	vld [tilespmem:s9+$0xFFFFFFF0];
	v4 =	vadd.f32 v4, v5  }
0x8d: {  	[tilespmem:s7+$0x20] =	vst v2;
	v2 =	vld [tilespmem:s7+$0x30]  }
0x8e: {  	[tilespmem:s7+$0xFFFFFFA0] =	vst v4;
	v4 =	vld [tilespmem:s9+$0x30];
	v6 =	vadd.f32 v6, v8  }
0x8f: {  	s10 =	simm.s32 $0x0;
	s11 =	simm.s32 $0xC980;
	v5 =	vld [tilespmem:s9+$0xFFFFFFB0]  }
.LBB2_4:
0x90: {  	v7 =	vld [tilespmem:s11+$0x40];
	[tilespmem:s7+$0x70] =	vst v6;
	s9 =	sadd.s32 $0x100, s9  }
0x91: {  	s10 =	sadd.s32 $0x4, s10;
	v6 =	vld [tilespmem:s9+$0x40];
	v1 =	vadd.f32 v3, v1  }
0x92: {  	p0 =	slt.u32 s10, $0xC4;
	v3 =	vld [tilespmem:s9+$0xFFFFFF80]  }
0x93: {  	v8 =	vld [tilespmem:s11+$0xFFFFFFC0];
	[tilespmem:s7+$0xFFFFFFF0] =	vst v1;
	v1 =	vadd.f32 v4, v2  }
0x94: {  	v2 =	vld [tilespmem:s9+$0xFFFFFFC0];
	v0 =	vadd.f32 v5, v0  }
0x95: {  	v4 =	vld [tilespmem:s11+$0x0];
	[tilespmem:s7+$0x30] =	vst v1  }
0x96: {  	v1 =	vld [tilespmem:s9+$0x0];
	v5 =	vadd.f32 v6, v7;
	[tilespmem:s7+$0xFFFFFFB0] =	vst v0;
	s7 =	smov.u32 s11  }
0x97: {  	v0 =	vld [tilespmem:s11+$0xFFFFFF80]  }
0x98: {  	[tilespmem:s11+$0x40] =	vst v5;
	v5 =	vld [tilespmem:s11+$0x50]  }
0x99: {  	v2 =	vadd.f32 v2, v8;
	v6 =	vld [tilespmem:s9+$0x50]  }
0x9a: {  	v7 =	vld [tilespmem:s11+$0xFFFFFF90]  }
0x9b: {  	[tilespmem:s11+$0xFFFFFFC0] =	vst v2;
	v2 =	vld [tilespmem:s11+$0xFFFFFFD0];
	v1 =	vadd.f32 v1, v4  }
0x9c: {  	v0 =	vadd.f32 v3, v0;
	v3 =	vld [tilespmem:s9+$0xFFFFFFD0]  }
0x9d: {  	[tilespmem:s11+$0x0] =	vst v1;
	v1 =	vld [tilespmem:s11+$0x10]  }
0x9e: {  	[tilespmem:s11+$0xFFFFFF80] =	vst v0;
	v0 =	vld [tilespmem:s9+$0x10];
	v4 =	vadd.f32 v6, v5  }
0x9f: {  	v5 =	vld [tilespmem:s9+$0xFFFFFF90]  }
0xa0: {  	[tilespmem:s11+$0x50] =	vst v4;
	v4 =	vld [tilespmem:s11+$0x60]  }
0xa1: {  	v2 =	vadd.f32 v3, v2;
	v3 =	vld [tilespmem:s9+$0x60]  }
0xa2: {  	v6 =	vld [tilespmem:s11+$0xFFFFFFA0]  }
0xa3: {  	[tilespmem:s11+$0xFFFFFFD0] =	vst v2;
	v2 =	vld [tilespmem:s11+$0xFFFFFFE0];
	v0 =	vadd.f32 v0, v1  }
0xa4: {  	v1 =	vadd.f32 v5, v7;
	v5 =	vld [tilespmem:s9+$0xFFFFFFE0]  }
0xa5: {  	[tilespmem:s11+$0x10] =	vst v0;
	v7 =	vld [tilespmem:s11+$0x20]  }
0xa6: {  	[tilespmem:s11+$0xFFFFFF90] =	vst v1;
	v8 =	vld [tilespmem:s9+$0x20];
	v0 =	vadd.f32 v3, v4  }
0xa7: {  	v3 =	vld [tilespmem:s9+$0xFFFFFFA0]  }
0xa8: {  	[tilespmem:s11+$0x60] =	vst v0;
	v9 =	vld [tilespmem:s11+$0x70]  }
0xa9: {  	v1 =	vadd.f32 v5, v2;
	v5 =	vld [tilespmem:s9+$0x70]  }
0xaa: {  	v0 =	vld [tilespmem:s11+$0xFFFFFFB0]  }
.Ltmp1:
0xab: {  	[tilespmem:s11+$0xFFFFFFE0] =	vst v1;
	v1 =	vld [tilespmem:s11+$0xFFFFFFF0];
	v2 =	vadd.f32 v8, v7;
	(pc) =	sbr.rel @p0 .LBB2_4-.Ltmp1, $4  }
0xac: {  	v4 =	vadd.f32 v3, v6;
	v3 =	vld [tilespmem:s9+$0xFFFFFFF0]  }
0xad: {  	[tilespmem:s11+$0x20] =	vst v2;
	v2 =	vld [tilespmem:s11+$0x30]  }
0xae: {  	[tilespmem:s11+$0xFFFFFFA0] =	vst v4;
	v4 =	vld [tilespmem:s9+$0x30];
	v6 =	vadd.f32 v5, v9  }
0xaf: {  	s11 =	sadd.s32 $0x100, s11;
	v5 =	vld [tilespmem:s9+$0xFFFFFFB0]  }
0xb0: {  	_ =	sdelay $0x1  }
0xb1: {  	v1 =	vadd.f32 v3, v1  }
0xb2: {  	[tilespmem:s7+$0x70] =	vst v6;
	v2 =	vadd.f32 v4, v2  }
0xb3: {  	[tilespmem:s7+$0xFFFFFFF0] =	vst v1;
	v0 =	vadd.f32 v5, v0  }
0xb4: {  	[tilespmem:s7+$0x30] =	vst v2  }
0xb5: {  	[tilespmem:s7+$0xFFFFFFB0] =	vst v0  }
0xb6: {  	s7 =	rddreg [dreg:$0x5]  }
0xb7: {  	[hbm4b:s7+s23] =	stream.strided.scatter [tilespmem:s21], [sflag:$0x6], $0x3200, s24, s23, $0x38;
	[tilespmem:$0x15E00] =	vst v63  }
0xb8: {  	s14 =	simm.s32 $0x258  }
0xb9: {  	[tilespmem:s30], [sflag:$0x4] =	stream.indirect.gather [hbm4b:s4+s19], $0x40, s14, s19, $0xb8;
	[tilespmem:$0x15E00] =	vst v63  }
0xba: {  	_ =	swait.ge [sflag:s31], $0x3200  }
0xbb: {  	[sflag:s31] =	ssyncset.done $0x0  }
0xbc: {  	s7 =	simm.s32 $0xFA80;
	[sflag:s31] =	ssyncadd.s32 $0xFFFFCE00  }
0xbd: {  	s9 =	simm.s32 $0x6480;
	v0 =	vld [tilespmem:s7+$0x40]  }
0xbe: {  	v1 =	vld [tilespmem:s9+$0x40]  }
0xbf: {  	v2 =	vld [tilespmem:s7+$0xFFFFFFC0]  }
0xc0: {  	v3 =	vld [tilespmem:s9+$0xFFFFFFC0]  }
0xc1: {  	v4 =	vld [tilespmem:s7+$0x0]  }
0xc2: {  	v5 =	vld [tilespmem:s9+$0x0]  }
0xc3: {  	v6 =	vld [tilespmem:s7+$0xFFFFFF80];
	v0 =	vadd.f32 v1, v0  }
0xc4: {  	v1 =	vld [tilespmem:s9+$0xFFFFFF80]  }
0xc5: {  	[tilespmem:s7+$0x40] =	vst v0;
	v0 =	vld [tilespmem:s7+$0x50]  }
0xc6: {  	v2 =	vadd.f32 v3, v2;
	v3 =	vld [tilespmem:s9+$0x50]  }
0xc7: {  	v7 =	vld [tilespmem:s7+$0xFFFFFF90]  }
0xc8: {  	[tilespmem:s7+$0xFFFFFFC0] =	vst v2;
	v2 =	vadd.f32 v5, v4;
	v4 =	vld [tilespmem:s7+$0xFFFFFFD0]  }
0xc9: {  	v5 =	vld [tilespmem:s9+$0xFFFFFFD0];
	v1 =	vadd.f32 v1, v6  }
0xca: {  	[tilespmem:s7+$0x0] =	vst v2;
	v2 =	vld [tilespmem:s7+$0x10]  }
0xcb: {  	v6 =	vld [tilespmem:s9+$0x10];
	[tilespmem:s7+$0xFFFFFF80] =	vst v1;
	v0 =	vadd.f32 v3, v0  }
0xcc: {  	v1 =	vld [tilespmem:s9+$0xFFFFFF90]  }
0xcd: {  	[tilespmem:s7+$0x50] =	vst v0;
	v0 =	vld [tilespmem:s7+$0x60]  }
0xce: {  	v3 =	vadd.f32 v5, v4;
	v4 =	vld [tilespmem:s9+$0x60]  }
0xcf: {  	v5 =	vld [tilespmem:s7+$0xFFFFFFA0]  }
0xd0: {  	[tilespmem:s7+$0xFFFFFFD0] =	vst v3;
	v2 =	vadd.f32 v6, v2;
	v3 =	vld [tilespmem:s7+$0xFFFFFFE0]  }
0xd1: {  	v6 =	vld [tilespmem:s9+$0xFFFFFFE0];
	v1 =	vadd.f32 v1, v7  }
0xd2: {  	[tilespmem:s7+$0x10] =	vst v2;
	v2 =	vld [tilespmem:s7+$0x20]  }
0xd3: {  	v7 =	vld [tilespmem:s9+$0x20];
	[tilespmem:s7+$0xFFFFFF90] =	vst v1;
	v0 =	vadd.f32 v4, v0  }
0xd4: {  	v4 =	vld [tilespmem:s9+$0xFFFFFFA0]  }
0xd5: {  	v8 =	vld [tilespmem:s7+$0x70];
	[tilespmem:s7+$0x60] =	vst v0  }
0xd6: {  	v1 =	vadd.f32 v6, v3;
	v6 =	vld [tilespmem:s9+$0x70]  }
0xd7: {  	v0 =	vld [tilespmem:s7+$0xFFFFFFB0]  }
0xd8: {  	[tilespmem:s7+$0xFFFFFFE0] =	vst v1;
	v2 =	vadd.f32 v7, v2;
	v1 =	vld [tilespmem:s7+$0xFFFFFFF0]  }
0xd9: {  	v3 =	vld [tilespmem:s9+$0xFFFFFFF0];
	v4 =	vadd.f32 v4, v5  }
0xda: {  	[tilespmem:s7+$0x20] =	vst v2;
	v2 =	vld [tilespmem:s7+$0x30]  }
0xdb: {  	[tilespmem:s7+$0xFFFFFFA0] =	vst v4;
	v4 =	vld [tilespmem:s9+$0x30];
	v6 =	vadd.f32 v6, v8  }
0xdc: {  	s10 =	simm.s32 $0x0;
	s11 =	simm.s32 $0xFB80;
	v5 =	vld [tilespmem:s9+$0xFFFFFFB0]  }
.LBB2_6:
0xdd: {  	v7 =	vld [tilespmem:s11+$0x40];
	[tilespmem:s7+$0x70] =	vst v6;
	s9 =	sadd.s32 $0x100, s9  }
0xde: {  	s10 =	sadd.s32 $0x4, s10;
	v6 =	vld [tilespmem:s9+$0x40];
	v1 =	vadd.f32 v3, v1  }
0xdf: {  	p0 =	slt.u32 s10, $0xC4;
	v3 =	vld [tilespmem:s9+$0xFFFFFF80]  }
0xe0: {  	v8 =	vld [tilespmem:s11+$0xFFFFFFC0];
	[tilespmem:s7+$0xFFFFFFF0] =	vst v1;
	v1 =	vadd.f32 v4, v2  }
0xe1: {  	v2 =	vld [tilespmem:s9+$0xFFFFFFC0];
	v0 =	vadd.f32 v5, v0  }
0xe2: {  	v4 =	vld [tilespmem:s11+$0x0];
	[tilespmem:s7+$0x30] =	vst v1  }
0xe3: {  	v1 =	vld [tilespmem:s9+$0x0];
	v5 =	vadd.f32 v6, v7;
	[tilespmem:s7+$0xFFFFFFB0] =	vst v0;
	s7 =	smov.u32 s11  }
0xe4: {  	v0 =	vld [tilespmem:s11+$0xFFFFFF80]  }
0xe5: {  	[tilespmem:s11+$0x40] =	vst v5;
	v5 =	vld [tilespmem:s11+$0x50]  }
0xe6: {  	v2 =	vadd.f32 v2, v8;
	v6 =	vld [tilespmem:s9+$0x50]  }
0xe7: {  	v7 =	vld [tilespmem:s11+$0xFFFFFF90]  }
0xe8: {  	[tilespmem:s11+$0xFFFFFFC0] =	vst v2;
	v2 =	vld [tilespmem:s11+$0xFFFFFFD0];
	v1 =	vadd.f32 v1, v4  }
0xe9: {  	v0 =	vadd.f32 v3, v0;
	v3 =	vld [tilespmem:s9+$0xFFFFFFD0]  }
0xea: {  	[tilespmem:s11+$0x0] =	vst v1;
	v1 =	vld [tilespmem:s11+$0x10]  }
0xeb: {  	[tilespmem:s11+$0xFFFFFF80] =	vst v0;
	v0 =	vld [tilespmem:s9+$0x10];
	v4 =	vadd.f32 v6, v5  }
0xec: {  	v5 =	vld [tilespmem:s9+$0xFFFFFF90]  }
0xed: {  	[tilespmem:s11+$0x50] =	vst v4;
	v4 =	vld [tilespmem:s11+$0x60]  }
0xee: {  	v2 =	vadd.f32 v3, v2;
	v3 =	vld [tilespmem:s9+$0x60]  }
0xef: {  	v6 =	vld [tilespmem:s11+$0xFFFFFFA0]  }
0xf0: {  	[tilespmem:s11+$0xFFFFFFD0] =	vst v2;
	v2 =	vld [tilespmem:s11+$0xFFFFFFE0];
	v0 =	vadd.f32 v0, v1  }
0xf1: {  	v1 =	vadd.f32 v5, v7;
	v5 =	vld [tilespmem:s9+$0xFFFFFFE0]  }
0xf2: {  	[tilespmem:s11+$0x10] =	vst v0;
	v7 =	vld [tilespmem:s11+$0x20]  }
0xf3: {  	[tilespmem:s11+$0xFFFFFF90] =	vst v1;
	v8 =	vld [tilespmem:s9+$0x20];
	v0 =	vadd.f32 v3, v4  }
0xf4: {  	v3 =	vld [tilespmem:s9+$0xFFFFFFA0]  }
0xf5: {  	[tilespmem:s11+$0x60] =	vst v0;
	v9 =	vld [tilespmem:s11+$0x70]  }
0xf6: {  	v1 =	vadd.f32 v5, v2;
	v5 =	vld [tilespmem:s9+$0x70]  }
0xf7: {  	v0 =	vld [tilespmem:s11+$0xFFFFFFB0]  }
.Ltmp2:
0xf8: {  	[tilespmem:s11+$0xFFFFFFE0] =	vst v1;
	v1 =	vld [tilespmem:s11+$0xFFFFFFF0];
	v2 =	vadd.f32 v8, v7;
	(pc) =	sbr.rel @p0 .LBB2_6-.Ltmp2, $4  }
0xf9: {  	v4 =	vadd.f32 v3, v6;
	v3 =	vld [tilespmem:s9+$0xFFFFFFF0]  }
0xfa: {  	[tilespmem:s11+$0x20] =	vst v2;
	v2 =	vld [tilespmem:s11+$0x30]  }
0xfb: {  	[tilespmem:s11+$0xFFFFFFA0] =	vst v4;
	v4 =	vld [tilespmem:s9+$0x30];
	v6 =	vadd.f32 v5, v9  }
0xfc: {  	s11 =	sadd.s32 $0x100, s11;
	v5 =	vld [tilespmem:s9+$0xFFFFFFB0]  }
0xfd: {  	_ =	sdelay $0x1  }
0xfe: {  	v1 =	vadd.f32 v3, v1  }
0xff: {  	[tilespmem:s7+$0x70] =	vst v6;
	v2 =	vadd.f32 v4, v2  }
0x100: {  	[tilespmem:s7+$0xFFFFFFF0] =	vst v1;
	v0 =	vadd.f32 v5, v0  }
0x101: {  	[tilespmem:s7+$0x30] =	vst v2  }
0x102: {  	[tilespmem:s7+$0xFFFFFFB0] =	vst v0  }
0x103: {  	s7 =	rddreg [dreg:$0x6]  }
0x104: {  	[hbm4b:s7+s23] =	stream.strided.scatter [tilespmem:s26], [sflag:$0x7], $0x3200, s24, s23, $0x38;
	[tilespmem:$0x15E00] =	vst v63  }
0x105: {  	_ =	swait.ge [sflag:s1], $0x3200  }
0x106: {  	[sflag:s1] =	ssyncset.done $0x0  }
0x107: {  	s14 =	simm.s32 $0x320;
	[sflag:s1] =	ssyncadd.s32 $0xFFFFCE00  }
0x108: {  	[tilespmem:s20], [sflag:$0x1] =	stream.indirect.gather [hbm4b:s4+s19], $0x40, s14, s19, $0xb8;
	[tilespmem:$0x15E00] =	vst v63  }
0x109: {  	_ =	swait.ge [sflag:s17], $0x3200  }
0x10a: {  	[sflag:s17] =	ssyncset.done $0x0  }
0x10b: {  	s7 =	simm.s32 $0x12C80;
	[sflag:s17] =	ssyncadd.s32 $0xFFFFCE00  }
0x10c: {  	s9 =	simm.s32 $0x6480;
	v0 =	vld [tilespmem:s7+$0x40]  }
0x10d: {  	v1 =	vld [tilespmem:s9+$0x40]  }
0x10e: {  	v2 =	vld [tilespmem:s7+$0xFFFFFFC0]  }
0x10f: {  	v3 =	vld [tilespmem:s9+$0xFFFFFFC0]  }
0x110: {  	v4 =	vld [tilespmem:s7+$0x0]  }
0x111: {  	v5 =	vld [tilespmem:s9+$0x0]  }
0x112: {  	v6 =	vld [tilespmem:s7+$0xFFFFFF80];
	v0 =	vadd.f32 v1, v0  }
0x113: {  	v1 =	vld [tilespmem:s9+$0xFFFFFF80]  }
0x114: {  	[tilespmem:s7+$0x40] =	vst v0;
	v0 =	vld [tilespmem:s7+$0x50]  }
0x115: {  	v2 =	vadd.f32 v3, v2;
	v3 =	vld [tilespmem:s9+$0x50]  }
0x116: {  	v7 =	vld [tilespmem:s7+$0xFFFFFF90]  }
0x117: {  	[tilespmem:s7+$0xFFFFFFC0] =	vst v2;
	v2 =	vadd.f32 v5, v4;
	v4 =	vld [tilespmem:s7+$0xFFFFFFD0]  }
0x118: {  	v5 =	vld [tilespmem:s9+$0xFFFFFFD0];
	v1 =	vadd.f32 v1, v6  }
0x119: {  	[tilespmem:s7+$0x0] =	vst v2;
	v2 =	vld [tilespmem:s7+$0x10]  }
0x11a: {  	v6 =	vld [tilespmem:s9+$0x10];
	[tilespmem:s7+$0xFFFFFF80] =	vst v1;
	v0 =	vadd.f32 v3, v0  }
0x11b: {  	v1 =	vld [tilespmem:s9+$0xFFFFFF90]  }
0x11c: {  	[tilespmem:s7+$0x50] =	vst v0;
	v0 =	vld [tilespmem:s7+$0x60]  }
0x11d: {  	v3 =	vadd.f32 v5, v4;
	v4 =	vld [tilespmem:s9+$0x60]  }
0x11e: {  	v5 =	vld [tilespmem:s7+$0xFFFFFFA0]  }
0x11f: {  	[tilespmem:s7+$0xFFFFFFD0] =	vst v3;
	v2 =	vadd.f32 v6, v2;
	v3 =	vld [tilespmem:s7+$0xFFFFFFE0]  }
0x120: {  	v6 =	vld [tilespmem:s9+$0xFFFFFFE0];
	v1 =	vadd.f32 v1, v7  }
0x121: {  	[tilespmem:s7+$0x10] =	vst v2;
	v2 =	vld [tilespmem:s7+$0x20]  }
0x122: {  	v7 =	vld [tilespmem:s9+$0x20];
	[tilespmem:s7+$0xFFFFFF90] =	vst v1;
	v0 =	vadd.f32 v4, v0  }
0x123: {  	v4 =	vld [tilespmem:s9+$0xFFFFFFA0]  }
0x124: {  	v8 =	vld [tilespmem:s7+$0x70];
	[tilespmem:s7+$0x60] =	vst v0  }
0x125: {  	v1 =	vadd.f32 v6, v3;
	v6 =	vld [tilespmem:s9+$0x70]  }
0x126: {  	v0 =	vld [tilespmem:s7+$0xFFFFFFB0]  }
0x127: {  	[tilespmem:s7+$0xFFFFFFE0] =	vst v1;
	v2 =	vadd.f32 v7, v2;
	v1 =	vld [tilespmem:s7+$0xFFFFFFF0]  }
0x128: {  	v3 =	vld [tilespmem:s9+$0xFFFFFFF0];
	v4 =	vadd.f32 v4, v5  }
0x129: {  	[tilespmem:s7+$0x20] =	vst v2;
	v2 =	vld [tilespmem:s7+$0x30]  }
0x12a: {  	[tilespmem:s7+$0xFFFFFFA0] =	vst v4;
	v4 =	vld [tilespmem:s9+$0x30];
	v6 =	vadd.f32 v6, v8  }
0x12b: {  	s10 =	simm.s32 $0x0;
	s11 =	simm.s32 $0x12D80;
	v5 =	vld [tilespmem:s9+$0xFFFFFFB0]  }
.LBB2_8:
0x12c: {  	v7 =	vld [tilespmem:s11+$0x40];
	[tilespmem:s7+$0x70] =	vst v6;
	s9 =	sadd.s32 $0x100, s9  }
0x12d: {  	s10 =	sadd.s32 $0x4, s10;
	v6 =	vld [tilespmem:s9+$0x40];
	v1 =	vadd.f32 v3, v1  }
0x12e: {  	p0 =	slt.u32 s10, $0xC4;
	v3 =	vld [tilespmem:s9+$0xFFFFFF80]  }
0x12f: {  	v8 =	vld [tilespmem:s11+$0xFFFFFFC0];
	[tilespmem:s7+$0xFFFFFFF0] =	vst v1;
	v1 =	vadd.f32 v4, v2  }
0x130: {  	v2 =	vld [tilespmem:s9+$0xFFFFFFC0];
	v0 =	vadd.f32 v5, v0  }
0x131: {  	v4 =	vld [tilespmem:s11+$0x0];
	[tilespmem:s7+$0x30] =	vst v1  }
0x132: {  	v1 =	vld [tilespmem:s9+$0x0];
	v5 =	vadd.f32 v6, v7;
	[tilespmem:s7+$0xFFFFFFB0] =	vst v0;
	s7 =	smov.u32 s11  }
0x133: {  	v0 =	vld [tilespmem:s11+$0xFFFFFF80]  }
0x134: {  	[tilespmem:s11+$0x40] =	vst v5;
	v5 =	vld [tilespmem:s11+$0x50]  }
0x135: {  	v2 =	vadd.f32 v2, v8;
	v6 =	vld [tilespmem:s9+$0x50]  }
0x136: {  	v7 =	vld [tilespmem:s11+$0xFFFFFF90]  }
0x137: {  	[tilespmem:s11+$0xFFFFFFC0] =	vst v2;
	v2 =	vld [tilespmem:s11+$0xFFFFFFD0];
	v1 =	vadd.f32 v1, v4  }
0x138: {  	v0 =	vadd.f32 v3, v0;
	v3 =	vld [tilespmem:s9+$0xFFFFFFD0]  }
0x139: {  	[tilespmem:s11+$0x0] =	vst v1;
	v1 =	vld [tilespmem:s11+$0x10]  }
0x13a: {  	[tilespmem:s11+$0xFFFFFF80] =	vst v0;
	v0 =	vld [tilespmem:s9+$0x10];
	v4 =	vadd.f32 v6, v5  }
0x13b: {  	v5 =	vld [tilespmem:s9+$0xFFFFFF90]  }
0x13c: {  	[tilespmem:s11+$0x50] =	vst v4;
	v4 =	vld [tilespmem:s11+$0x60]  }
0x13d: {  	v2 =	vadd.f32 v3, v2;
	v3 =	vld [tilespmem:s9+$0x60]  }
0x13e: {  	v6 =	vld [tilespmem:s11+$0xFFFFFFA0]  }
0x13f: {  	[tilespmem:s11+$0xFFFFFFD0] =	vst v2;
	v2 =	vld [tilespmem:s11+$0xFFFFFFE0];
	v0 =	vadd.f32 v0, v1  }
0x140: {  	v1 =	vadd.f32 v5, v7;
	v5 =	vld [tilespmem:s9+$0xFFFFFFE0]  }
0x141: {  	[tilespmem:s11+$0x10] =	vst v0;
	v7 =	vld [tilespmem:s11+$0x20]  }
0x142: {  	[tilespmem:s11+$0xFFFFFF90] =	vst v1;
	v8 =	vld [tilespmem:s9+$0x20];
	v0 =	vadd.f32 v3, v4  }
0x143: {  	v3 =	vld [tilespmem:s9+$0xFFFFFFA0]  }
0x144: {  	[tilespmem:s11+$0x60] =	vst v0;
	v9 =	vld [tilespmem:s11+$0x70]  }
0x145: {  	v1 =	vadd.f32 v5, v2;
	v5 =	vld [tilespmem:s9+$0x70]  }
0x146: {  	v0 =	vld [tilespmem:s11+$0xFFFFFFB0]  }
.Ltmp3:
0x147: {  	[tilespmem:s11+$0xFFFFFFE0] =	vst v1;
	v1 =	vld [tilespmem:s11+$0xFFFFFFF0];
	v2 =	vadd.f32 v8, v7;
	(pc) =	sbr.rel @p0 .LBB2_8-.Ltmp3, $4  }
0x148: {  	v4 =	vadd.f32 v3, v6;
	v3 =	vld [tilespmem:s9+$0xFFFFFFF0]  }
0x149: {  	[tilespmem:s11+$0x20] =	vst v2;
	v2 =	vld [tilespmem:s11+$0x30]  }
0x14a: {  	[tilespmem:s11+$0xFFFFFFA0] =	vst v4;
	v4 =	vld [tilespmem:s9+$0x30];
	v6 =	vadd.f32 v5, v9  }
0x14b: {  	s11 =	sadd.s32 $0x100, s11;
	v5 =	vld [tilespmem:s9+$0xFFFFFFB0]  }
0x14c: {  	_ =	sdelay $0x1  }
0x14d: {  	v1 =	vadd.f32 v3, v1  }
0x14e: {  	[tilespmem:s7+$0x70] =	vst v6;
	v2 =	vadd.f32 v4, v2  }
0x14f: {  	[tilespmem:s7+$0xFFFFFFF0] =	vst v1;
	v0 =	vadd.f32 v5, v0  }
0x150: {  	[tilespmem:s7+$0x30] =	vst v2  }
0x151: {  	[tilespmem:s7+$0xFFFFFFB0] =	vst v0  }
0x152: {  	s7 =	rddreg [dreg:$0x7]  }
0x153: {  	[hbm4b:s7+s23] =	stream.strided.scatter [tilespmem:s30], [sflag:$0x8], $0x3200, s24, s23, $0x38;
	[tilespmem:$0x15E00] =	vst v63  }
0x154: {  	_ =	swait.ge [sflag:s25], $0x3200  }
0x155: {  	[sflag:s25] =	ssyncset.done $0x0  }
0x156: {  	s14 =	simm.s32 $0x3E8;
	s7 =	simm.s32 $0x1;
	[sflag:s25] =	ssyncadd.s32 $0xFFFFCE00  }
0x157: {  	[tilespmem:s21], [sflag:$0x2] =	stream.indirect.gather [hbm4b:s4+s19], $0x40, s14, s19, $0xb8;
	[tilespmem:$0x15E00] =	vst v63  }
.LBB2_10:
0x158: {  	_ =	swait.ge [sflag:s22], $0x3200  }
0x159: {  	[sflag:s22] =	ssyncset.done $0x0  }
0x15a: {  	s9 =	simm.s32 $0x9680;
	[sflag:s22] =	ssyncadd.s32 $0xFFFFCE00  }
0x15b: {  	s10 =	simm.s32 $0x6480;
	v0 =	vld [tilespmem:s9+$0x40]  }
0x15c: {  	v1 =	vld [tilespmem:s10+$0x40]  }
0x15d: {  	v2 =	vld [tilespmem:s9+$0xFFFFFFC0]  }
0x15e: {  	v3 =	vld [tilespmem:s10+$0xFFFFFFC0]  }
0x15f: {  	v4 =	vld [tilespmem:s9+$0x0]  }
0x160: {  	v5 =	vld [tilespmem:s10+$0x0]  }
0x161: {  	v6 =	vld [tilespmem:s9+$0xFFFFFF80];
	v0 =	vadd.f32 v1, v0  }
0x162: {  	v1 =	vld [tilespmem:s10+$0xFFFFFF80]  }
0x163: {  	[tilespmem:s9+$0x40] =	vst v0;
	v0 =	vld [tilespmem:s9+$0x50]  }
0x164: {  	v2 =	vadd.f32 v3, v2;
	v3 =	vld [tilespmem:s10+$0x50]  }
0x165: {  	v7 =	vld [tilespmem:s9+$0xFFFFFF90]  }
0x166: {  	[tilespmem:s9+$0xFFFFFFC0] =	vst v2;
	v2 =	vadd.f32 v5, v4;
	v4 =	vld [tilespmem:s9+$0xFFFFFFD0]  }
0x167: {  	v5 =	vld [tilespmem:s10+$0xFFFFFFD0];
	v1 =	vadd.f32 v1, v6  }
0x168: {  	[tilespmem:s9+$0x0] =	vst v2;
	v2 =	vld [tilespmem:s9+$0x10]  }
0x169: {  	v6 =	vld [tilespmem:s10+$0x10];
	[tilespmem:s9+$0xFFFFFF80] =	vst v1;
	v0 =	vadd.f32 v3, v0  }
0x16a: {  	v1 =	vld [tilespmem:s10+$0xFFFFFF90]  }
0x16b: {  	[tilespmem:s9+$0x50] =	vst v0;
	v0 =	vld [tilespmem:s9+$0x60]  }
0x16c: {  	v3 =	vadd.f32 v5, v4;
	v4 =	vld [tilespmem:s10+$0x60]  }
0x16d: {  	v5 =	vld [tilespmem:s9+$0xFFFFFFA0]  }
0x16e: {  	[tilespmem:s9+$0xFFFFFFD0] =	vst v3;
	v2 =	vadd.f32 v6, v2;
	v3 =	vld [tilespmem:s9+$0xFFFFFFE0]  }
0x16f: {  	v6 =	vld [tilespmem:s10+$0xFFFFFFE0];
	v1 =	vadd.f32 v1, v7  }
0x170: {  	[tilespmem:s9+$0x10] =	vst v2;
	v2 =	vld [tilespmem:s9+$0x20]  }
0x171: {  	v7 =	vld [tilespmem:s10+$0x20];
	[tilespmem:s9+$0xFFFFFF90] =	vst v1;
	v0 =	vadd.f32 v4, v0  }
0x172: {  	v4 =	vld [tilespmem:s10+$0xFFFFFFA0]  }
0x173: {  	v8 =	vld [tilespmem:s9+$0x70];
	[tilespmem:s9+$0x60] =	vst v0  }
0x174: {  	v1 =	vadd.f32 v6, v3;
	v6 =	vld [tilespmem:s10+$0x70]  }
0x175: {  	v0 =	vld [tilespmem:s9+$0xFFFFFFB0]  }
0x176: {  	[tilespmem:s9+$0xFFFFFFE0] =	vst v1;
	v2 =	vadd.f32 v7, v2;
	v1 =	vld [tilespmem:s9+$0xFFFFFFF0]  }
0x177: {  	v3 =	vld [tilespmem:s10+$0xFFFFFFF0];
	v4 =	vadd.f32 v4, v5  }
0x178: {  	[tilespmem:s9+$0x20] =	vst v2;
	v2 =	vld [tilespmem:s9+$0x30]  }
0x179: {  	[tilespmem:s9+$0xFFFFFFA0] =	vst v4;
	v4 =	vld [tilespmem:s10+$0x30];
	v6 =	vadd.f32 v6, v8  }
0x17a: {  	s11 =	simm.s32 $0x0;
	s12 =	simm.s32 $0x9780;
	v5 =	vld [tilespmem:s10+$0xFFFFFFB0]  }
.LBB2_11:
0x17b: {  	v7 =	vld [tilespmem:s12+$0x40];
	[tilespmem:s9+$0x70] =	vst v6;
	s10 =	sadd.s32 $0x100, s10  }
0x17c: {  	s11 =	sadd.s32 $0x4, s11;
	v6 =	vld [tilespmem:s10+$0x40];
	v1 =	vadd.f32 v3, v1  }
0x17d: {  	p0 =	slt.u32 s11, $0xC4;
	v3 =	vld [tilespmem:s10+$0xFFFFFF80]  }
0x17e: {  	v8 =	vld [tilespmem:s12+$0xFFFFFFC0];
	[tilespmem:s9+$0xFFFFFFF0] =	vst v1;
	v1 =	vadd.f32 v4, v2  }
0x17f: {  	v2 =	vld [tilespmem:s10+$0xFFFFFFC0];
	v0 =	vadd.f32 v5, v0  }
0x180: {  	v4 =	vld [tilespmem:s12+$0x0];
	[tilespmem:s9+$0x30] =	vst v1  }
0x181: {  	v1 =	vld [tilespmem:s10+$0x0];
	v5 =	vadd.f32 v6, v7;
	[tilespmem:s9+$0xFFFFFFB0] =	vst v0;
	s9 =	smov.u32 s12  }
0x182: {  	v0 =	vld [tilespmem:s12+$0xFFFFFF80]  }
0x183: {  	[tilespmem:s12+$0x40] =	vst v5;
	v5 =	vld [tilespmem:s12+$0x50]  }
0x184: {  	v2 =	vadd.f32 v2, v8;
	v6 =	vld [tilespmem:s10+$0x50]  }
0x185: {  	v7 =	vld [tilespmem:s12+$0xFFFFFF90]  }
0x186: {  	[tilespmem:s12+$0xFFFFFFC0] =	vst v2;
	v2 =	vld [tilespmem:s12+$0xFFFFFFD0];
	v1 =	vadd.f32 v1, v4  }
0x187: {  	v0 =	vadd.f32 v3, v0;
	v3 =	vld [tilespmem:s10+$0xFFFFFFD0]  }
0x188: {  	[tilespmem:s12+$0x0] =	vst v1;
	v1 =	vld [tilespmem:s12+$0x10]  }
0x189: {  	[tilespmem:s12+$0xFFFFFF80] =	vst v0;
	v0 =	vld [tilespmem:s10+$0x10];
	v4 =	vadd.f32 v6, v5  }
0x18a: {  	v5 =	vld [tilespmem:s10+$0xFFFFFF90]  }
0x18b: {  	[tilespmem:s12+$0x50] =	vst v4;
	v4 =	vld [tilespmem:s12+$0x60]  }
0x18c: {  	v2 =	vadd.f32 v3, v2;
	v3 =	vld [tilespmem:s10+$0x60]  }
0x18d: {  	v6 =	vld [tilespmem:s12+$0xFFFFFFA0]  }
0x18e: {  	[tilespmem:s12+$0xFFFFFFD0] =	vst v2;
	v2 =	vld [tilespmem:s12+$0xFFFFFFE0];
	v0 =	vadd.f32 v0, v1  }
0x18f: {  	v1 =	vadd.f32 v5, v7;
	v5 =	vld [tilespmem:s10+$0xFFFFFFE0]  }
0x190: {  	[tilespmem:s12+$0x10] =	vst v0;
	v7 =	vld [tilespmem:s12+$0x20]  }
0x191: {  	[tilespmem:s12+$0xFFFFFF90] =	vst v1;
	v8 =	vld [tilespmem:s10+$0x20];
	v0 =	vadd.f32 v3, v4  }
0x192: {  	v3 =	vld [tilespmem:s10+$0xFFFFFFA0]  }
0x193: {  	[tilespmem:s12+$0x60] =	vst v0;
	v9 =	vld [tilespmem:s12+$0x70]  }
0x194: {  	v1 =	vadd.f32 v5, v2;
	v5 =	vld [tilespmem:s10+$0x70]  }
0x195: {  	v0 =	vld [tilespmem:s12+$0xFFFFFFB0]  }
.Ltmp4:
0x196: {  	[tilespmem:s12+$0xFFFFFFE0] =	vst v1;
	v1 =	vld [tilespmem:s12+$0xFFFFFFF0];
	v2 =	vadd.f32 v8, v7;
	(pc) =	sbr.rel @p0 .LBB2_11-.Ltmp4, $4  }
0x197: {  	v4 =	vadd.f32 v3, v6;
	v3 =	vld [tilespmem:s10+$0xFFFFFFF0]  }
0x198: {  	[tilespmem:s12+$0x20] =	vst v2;
	v2 =	vld [tilespmem:s12+$0x30]  }
0x199: {  	[tilespmem:s12+$0xFFFFFFA0] =	vst v4;
	v4 =	vld [tilespmem:s10+$0x30];
	v6 =	vadd.f32 v5, v9  }
0x19a: {  	s12 =	sadd.s32 $0x100, s12;
	v5 =	vld [tilespmem:s10+$0xFFFFFFB0]  }
0x19b: {  	_ =	sdelay $0x1  }
0x19c: {  	s10 =	sshll.u32 s7, $0x2;
	v1 =	vadd.f32 v3, v1  }
0x19d: {  	[tilespmem:s9+$0x70] =	vst v6;
	s11 =	sadd.s32 s3, s10;
	v2 =	vadd.f32 v4, v2  }
0x19e: {  	s11 =	smul.u32 $0xC80, s11;
	[tilespmem:s9+$0xFFFFFFF0] =	vst v1;
	v0 =	vadd.f32 v5, v0  }
0x19f: {  	[tilespmem:s9+$0x30] =	vst v2  }
0x1a0: {  	s13 =	sadd.s32 s6, s11;
	[tilespmem:s9+$0xFFFFFFB0] =	vst v0;
	s9 =	sor.u32 $0x2, s10  }
0x1a1: {  	[hbm4b:s13+s23] =	stream.strided.scatter [tilespmem:s20], [sflag:$0x5], $0x3200, s24, s23, $0x38;
	[tilespmem:$0x15E00] =	vst v63  }
0x1a2: {  	s14 =	smul.u32 $0x320, s9;
	_ =	swait.ge [sflag:s0], $0x3200  }
0x1a3: {  	[sflag:s0] =	ssyncset.done $0x0  }
0x1a4: {  	s11 =	sshra.s32 s14, $0x2;
	[sflag:s0] =	ssyncadd.s32 $0xFFFFCE00  }
0x1a5: {  	[tilespmem:s26], [sflag:$0x3] =	stream.indirect.gather [hbm4b:s4+s19], $0x40, s11, s19, $0xb8;
	[tilespmem:$0x15E00] =	vst v63  }
0x1a6: {  	_ =	swait.ge [sflag:s28], $0x3200  }
0x1a7: {  	[sflag:s28] =	ssyncset.done $0x0  }
0x1a8: {  	s11 =	simm.s32 $0xC880;
	[sflag:s28] =	ssyncadd.s32 $0xFFFFCE00  }
0x1a9: {  	s12 =	simm.s32 $0x6480;
	v0 =	vld [tilespmem:s11+$0x40]  }
0x1aa: {  	v1 =	vld [tilespmem:s12+$0x40]  }
0x1ab: {  	v2 =	vld [tilespmem:s11+$0xFFFFFFC0]  }
0x1ac: {  	v3 =	vld [tilespmem:s12+$0xFFFFFFC0]  }
0x1ad: {  	v4 =	vld [tilespmem:s11+$0x0]  }
0x1ae: {  	v5 =	vld [tilespmem:s12+$0x0]  }
0x1af: {  	v6 =	vld [tilespmem:s11+$0xFFFFFF80];
	v0 =	vadd.f32 v1, v0  }
0x1b0: {  	v1 =	vld [tilespmem:s12+$0xFFFFFF80]  }
0x1b1: {  	[tilespmem:s11+$0x40] =	vst v0;
	v0 =	vld [tilespmem:s11+$0x50]  }
0x1b2: {  	v2 =	vadd.f32 v3, v2;
	v3 =	vld [tilespmem:s12+$0x50]  }
0x1b3: {  	v7 =	vld [tilespmem:s11+$0xFFFFFF90]  }
0x1b4: {  	[tilespmem:s11+$0xFFFFFFC0] =	vst v2;
	v2 =	vadd.f32 v5, v4;
	v4 =	vld [tilespmem:s11+$0xFFFFFFD0]  }
0x1b5: {  	v5 =	vld [tilespmem:s12+$0xFFFFFFD0];
	v1 =	vadd.f32 v1, v6  }
0x1b6: {  	[tilespmem:s11+$0x0] =	vst v2;
	v2 =	vld [tilespmem:s11+$0x10]  }
0x1b7: {  	v6 =	vld [tilespmem:s12+$0x10];
	[tilespmem:s11+$0xFFFFFF80] =	vst v1;
	v0 =	vadd.f32 v3, v0  }
0x1b8: {  	v1 =	vld [tilespmem:s12+$0xFFFFFF90]  }
0x1b9: {  	[tilespmem:s11+$0x50] =	vst v0;
	v0 =	vld [tilespmem:s11+$0x60]  }
0x1ba: {  	v3 =	vadd.f32 v5, v4;
	v4 =	vld [tilespmem:s12+$0x60]  }
0x1bb: {  	v5 =	vld [tilespmem:s11+$0xFFFFFFA0]  }
0x1bc: {  	[tilespmem:s11+$0xFFFFFFD0] =	vst v3;
	v2 =	vadd.f32 v6, v2;
	v3 =	vld [tilespmem:s11+$0xFFFFFFE0]  }
0x1bd: {  	v6 =	vld [tilespmem:s12+$0xFFFFFFE0];
	v1 =	vadd.f32 v1, v7  }
0x1be: {  	[tilespmem:s11+$0x10] =	vst v2;
	v2 =	vld [tilespmem:s11+$0x20]  }
0x1bf: {  	v7 =	vld [tilespmem:s12+$0x20];
	[tilespmem:s11+$0xFFFFFF90] =	vst v1;
	v0 =	vadd.f32 v4, v0  }
0x1c0: {  	v4 =	vld [tilespmem:s12+$0xFFFFFFA0]  }
0x1c1: {  	v8 =	vld [tilespmem:s11+$0x70];
	[tilespmem:s11+$0x60] =	vst v0  }
0x1c2: {  	v1 =	vadd.f32 v6, v3;
	v6 =	vld [tilespmem:s12+$0x70]  }
0x1c3: {  	v0 =	vld [tilespmem:s11+$0xFFFFFFB0]  }
0x1c4: {  	[tilespmem:s11+$0xFFFFFFE0] =	vst v1;
	v2 =	vadd.f32 v7, v2;
	v1 =	vld [tilespmem:s11+$0xFFFFFFF0]  }
0x1c5: {  	v3 =	vld [tilespmem:s12+$0xFFFFFFF0];
	v4 =	vadd.f32 v4, v5  }
0x1c6: {  	[tilespmem:s11+$0x20] =	vst v2;
	v2 =	vld [tilespmem:s11+$0x30]  }
0x1c7: {  	[tilespmem:s11+$0xFFFFFFA0] =	vst v4;
	v4 =	vld [tilespmem:s12+$0x30];
	v6 =	vadd.f32 v6, v8  }
0x1c8: {  	s13 =	simm.s32 $0x0;
	s14 =	simm.s32 $0xC980;
	v5 =	vld [tilespmem:s12+$0xFFFFFFB0]  }
.LBB2_13:
0x1c9: {  	v7 =	vld [tilespmem:s14+$0x40];
	[tilespmem:s11+$0x70] =	vst v6;
	s12 =	sadd.s32 $0x100, s12  }
0x1ca: {  	s13 =	sadd.s32 $0x4, s13;
	v6 =	vld [tilespmem:s12+$0x40];
	v1 =	vadd.f32 v3, v1  }
0x1cb: {  	p0 =	slt.u32 s13, $0xC4;
	v3 =	vld [tilespmem:s12+$0xFFFFFF80]  }
0x1cc: {  	v8 =	vld [tilespmem:s14+$0xFFFFFFC0];
	[tilespmem:s11+$0xFFFFFFF0] =	vst v1;
	v1 =	vadd.f32 v4, v2  }
0x1cd: {  	v2 =	vld [tilespmem:s12+$0xFFFFFFC0];
	v0 =	vadd.f32 v5, v0  }
0x1ce: {  	v4 =	vld [tilespmem:s14+$0x0];
	[tilespmem:s11+$0x30] =	vst v1  }
0x1cf: {  	v1 =	vld [tilespmem:s12+$0x0];
	v5 =	vadd.f32 v6, v7;
	[tilespmem:s11+$0xFFFFFFB0] =	vst v0;
	s11 =	smov.u32 s14  }
0x1d0: {  	v0 =	vld [tilespmem:s14+$0xFFFFFF80]  }
0x1d1: {  	[tilespmem:s14+$0x40] =	vst v5;
	v5 =	vld [tilespmem:s14+$0x50]  }
0x1d2: {  	v2 =	vadd.f32 v2, v8;
	v6 =	vld [tilespmem:s12+$0x50]  }
0x1d3: {  	v7 =	vld [tilespmem:s14+$0xFFFFFF90]  }
0x1d4: {  	[tilespmem:s14+$0xFFFFFFC0] =	vst v2;
	v2 =	vld [tilespmem:s14+$0xFFFFFFD0];
	v1 =	vadd.f32 v1, v4  }
0x1d5: {  	v0 =	vadd.f32 v3, v0;
	v3 =	vld [tilespmem:s12+$0xFFFFFFD0]  }
0x1d6: {  	[tilespmem:s14+$0x0] =	vst v1;
	v1 =	vld [tilespmem:s14+$0x10]  }
0x1d7: {  	[tilespmem:s14+$0xFFFFFF80] =	vst v0;
	v0 =	vld [tilespmem:s12+$0x10];
	v4 =	vadd.f32 v6, v5  }
0x1d8: {  	v5 =	vld [tilespmem:s12+$0xFFFFFF90]  }
0x1d9: {  	[tilespmem:s14+$0x50] =	vst v4;
	v4 =	vld [tilespmem:s14+$0x60]  }
0x1da: {  	v2 =	vadd.f32 v3, v2;
	v3 =	vld [tilespmem:s12+$0x60]  }
0x1db: {  	v6 =	vld [tilespmem:s14+$0xFFFFFFA0]  }
0x1dc: {  	[tilespmem:s14+$0xFFFFFFD0] =	vst v2;
	v2 =	vld [tilespmem:s14+$0xFFFFFFE0];
	v0 =	vadd.f32 v0, v1  }
0x1dd: {  	v1 =	vadd.f32 v5, v7;
	v5 =	vld [tilespmem:s12+$0xFFFFFFE0]  }
0x1de: {  	[tilespmem:s14+$0x10] =	vst v0;
	v7 =	vld [tilespmem:s14+$0x20]  }
0x1df: {  	[tilespmem:s14+$0xFFFFFF90] =	vst v1;
	v8 =	vld [tilespmem:s12+$0x20];
	v0 =	vadd.f32 v3, v4  }
0x1e0: {  	v3 =	vld [tilespmem:s12+$0xFFFFFFA0]  }
0x1e1: {  	[tilespmem:s14+$0x60] =	vst v0;
	v9 =	vld [tilespmem:s14+$0x70]  }
0x1e2: {  	v1 =	vadd.f32 v5, v2;
	v5 =	vld [tilespmem:s12+$0x70]  }
0x1e3: {  	v0 =	vld [tilespmem:s14+$0xFFFFFFB0]  }
.Ltmp5:
0x1e4: {  	[tilespmem:s14+$0xFFFFFFE0] =	vst v1;
	v1 =	vld [tilespmem:s14+$0xFFFFFFF0];
	v2 =	vadd.f32 v8, v7;
	(pc) =	sbr.rel @p0 .LBB2_13-.Ltmp5, $4  }
0x1e5: {  	v4 =	vadd.f32 v3, v6;
	v3 =	vld [tilespmem:s12+$0xFFFFFFF0]  }
0x1e6: {  	[tilespmem:s14+$0x20] =	vst v2;
	v2 =	vld [tilespmem:s14+$0x30]  }
0x1e7: {  	[tilespmem:s14+$0xFFFFFFA0] =	vst v4;
	v4 =	vld [tilespmem:s12+$0x30];
	v6 =	vadd.f32 v5, v9  }
0x1e8: {  	s14 =	sadd.s32 $0x100, s14;
	v5 =	vld [tilespmem:s12+$0xFFFFFFB0]  }
0x1e9: {  	_ =	sdelay $0x1  }
0x1ea: {  	s12 =	sadd.s32 s10, s3;
	v1 =	vadd.f32 v3, v1  }
0x1eb: {  	[tilespmem:s11+$0x70] =	vst v6;
	s12 =	smul.u32 $0xC80, s12;
	v2 =	vadd.f32 v4, v2  }
0x1ec: {  	[tilespmem:s11+$0xFFFFFFF0] =	vst v1;
	v0 =	vadd.f32 v5, v0  }
0x1ed: {  	s12 =	sadd.s32 s6, s12;
	[tilespmem:s11+$0x30] =	vst v2  }
0x1ee: {  	s10 =	sor.u32 $0x3, s10;
	s13 =	sadd.s32 $0xC80, s12;
	[tilespmem:s11+$0xFFFFFFB0] =	vst v0  }
0x1ef: {  	[hbm4b:s13+s23] =	stream.strided.scatter [tilespmem:s21], [sflag:$0x6], $0x3200, s24, s23, $0x38;
	[tilespmem:$0x15E00] =	vst v63  }
0x1f0: {  	s14 =	smul.u32 $0x320, s10;
	_ =	swait.ge [sflag:s29], $0x3200  }
0x1f1: {  	[sflag:s29] =	ssyncset.done $0x0  }
0x1f2: {  	s11 =	sshra.s32 s14, $0x2;
	[sflag:s29] =	ssyncadd.s32 $0xFFFFCE00  }
0x1f3: {  	[tilespmem:s30], [sflag:$0x4] =	stream.indirect.gather [hbm4b:s4+s19], $0x40, s11, s19, $0xb8;
	[tilespmem:$0x15E00] =	vst v63  }
0x1f4: {  	_ =	swait.ge [sflag:s31], $0x3200  }
0x1f5: {  	[sflag:s31] =	ssyncset.done $0x0  }
0x1f6: {  	s11 =	simm.s32 $0xFA80;
	[sflag:s31] =	ssyncadd.s32 $0xFFFFCE00  }
0x1f7: {  	s12 =	simm.s32 $0x6480;
	v0 =	vld [tilespmem:s11+$0x40]  }
0x1f8: {  	v1 =	vld [tilespmem:s12+$0x40]  }
0x1f9: {  	v2 =	vld [tilespmem:s11+$0xFFFFFFC0]  }
0x1fa: {  	v3 =	vld [tilespmem:s12+$0xFFFFFFC0]  }
0x1fb: {  	v4 =	vld [tilespmem:s11+$0x0]  }
0x1fc: {  	v5 =	vld [tilespmem:s12+$0x0]  }
0x1fd: {  	v6 =	vld [tilespmem:s11+$0xFFFFFF80];
	v0 =	vadd.f32 v1, v0  }
0x1fe: {  	v1 =	vld [tilespmem:s12+$0xFFFFFF80]  }
0x1ff: {  	[tilespmem:s11+$0x40] =	vst v0;
	v0 =	vld [tilespmem:s11+$0x50]  }
0x200: {  	v2 =	vadd.f32 v3, v2;
	v3 =	vld [tilespmem:s12+$0x50]  }
0x201: {  	v7 =	vld [tilespmem:s11+$0xFFFFFF90]  }
0x202: {  	[tilespmem:s11+$0xFFFFFFC0] =	vst v2;
	v2 =	vadd.f32 v5, v4;
	v4 =	vld [tilespmem:s11+$0xFFFFFFD0]  }
0x203: {  	v5 =	vld [tilespmem:s12+$0xFFFFFFD0];
	v1 =	vadd.f32 v1, v6  }
0x204: {  	[tilespmem:s11+$0x0] =	vst v2;
	v2 =	vld [tilespmem:s11+$0x10]  }
0x205: {  	v6 =	vld [tilespmem:s12+$0x10];
	[tilespmem:s11+$0xFFFFFF80] =	vst v1;
	v0 =	vadd.f32 v3, v0  }
0x206: {  	v1 =	vld [tilespmem:s12+$0xFFFFFF90]  }
0x207: {  	[tilespmem:s11+$0x50] =	vst v0;
	v0 =	vld [tilespmem:s11+$0x60]  }
0x208: {  	v3 =	vadd.f32 v5, v4;
	v4 =	vld [tilespmem:s12+$0x60]  }
0x209: {  	v5 =	vld [tilespmem:s11+$0xFFFFFFA0]  }
0x20a: {  	[tilespmem:s11+$0xFFFFFFD0] =	vst v3;
	v2 =	vadd.f32 v6, v2;
	v3 =	vld [tilespmem:s11+$0xFFFFFFE0]  }
0x20b: {  	v6 =	vld [tilespmem:s12+$0xFFFFFFE0];
	v1 =	vadd.f32 v1, v7  }
0x20c: {  	[tilespmem:s11+$0x10] =	vst v2;
	v2 =	vld [tilespmem:s11+$0x20]  }
0x20d: {  	v7 =	vld [tilespmem:s12+$0x20];
	[tilespmem:s11+$0xFFFFFF90] =	vst v1;
	v0 =	vadd.f32 v4, v0  }
0x20e: {  	v4 =	vld [tilespmem:s12+$0xFFFFFFA0]  }
0x20f: {  	v8 =	vld [tilespmem:s11+$0x70];
	[tilespmem:s11+$0x60] =	vst v0  }
0x210: {  	v1 =	vadd.f32 v6, v3;
	v6 =	vld [tilespmem:s12+$0x70]  }
0x211: {  	v0 =	vld [tilespmem:s11+$0xFFFFFFB0]  }
0x212: {  	[tilespmem:s11+$0xFFFFFFE0] =	vst v1;
	v2 =	vadd.f32 v7, v2;
	v1 =	vld [tilespmem:s11+$0xFFFFFFF0]  }
0x213: {  	v3 =	vld [tilespmem:s12+$0xFFFFFFF0];
	v4 =	vadd.f32 v4, v5  }
0x214: {  	[tilespmem:s11+$0x20] =	vst v2;
	v2 =	vld [tilespmem:s11+$0x30]  }
0x215: {  	[tilespmem:s11+$0xFFFFFFA0] =	vst v4;
	v4 =	vld [tilespmem:s12+$0x30];
	v6 =	vadd.f32 v6, v8  }
0x216: {  	s14 =	simm.s32 $0xFB80;
	s13 =	simm.s32 $0x0;
	v5 =	vld [tilespmem:s12+$0xFFFFFFB0]  }
.LBB2_15:
0x217: {  	v7 =	vld [tilespmem:s14+$0x40];
	[tilespmem:s11+$0x70] =	vst v6;
	s12 =	sadd.s32 $0x100, s12  }
0x218: {  	s13 =	sadd.s32 $0x4, s13;
	v6 =	vld [tilespmem:s12+$0x40];
	v1 =	vadd.f32 v3, v1  }
0x219: {  	p0 =	slt.u32 s13, $0xC4;
	v3 =	vld [tilespmem:s12+$0xFFFFFF80]  }
0x21a: {  	v8 =	vld [tilespmem:s14+$0xFFFFFFC0];
	[tilespmem:s11+$0xFFFFFFF0] =	vst v1;
	v1 =	vadd.f32 v4, v2  }
0x21b: {  	v2 =	vld [tilespmem:s12+$0xFFFFFFC0];
	v0 =	vadd.f32 v5, v0  }
0x21c: {  	v4 =	vld [tilespmem:s14+$0x0];
	[tilespmem:s11+$0x30] =	vst v1  }
0x21d: {  	v1 =	vld [tilespmem:s12+$0x0];
	v5 =	vadd.f32 v6, v7;
	[tilespmem:s11+$0xFFFFFFB0] =	vst v0;
	s11 =	smov.u32 s14  }
0x21e: {  	v0 =	vld [tilespmem:s14+$0xFFFFFF80]  }
0x21f: {  	[tilespmem:s14+$0x40] =	vst v5;
	v5 =	vld [tilespmem:s14+$0x50]  }
0x220: {  	v2 =	vadd.f32 v2, v8;
	v6 =	vld [tilespmem:s12+$0x50]  }
0x221: {  	v7 =	vld [tilespmem:s14+$0xFFFFFF90]  }
0x222: {  	[tilespmem:s14+$0xFFFFFFC0] =	vst v2;
	v2 =	vld [tilespmem:s14+$0xFFFFFFD0];
	v1 =	vadd.f32 v1, v4  }
0x223: {  	v0 =	vadd.f32 v3, v0;
	v3 =	vld [tilespmem:s12+$0xFFFFFFD0]  }
0x224: {  	[tilespmem:s14+$0x0] =	vst v1;
	v1 =	vld [tilespmem:s14+$0x10]  }
0x225: {  	[tilespmem:s14+$0xFFFFFF80] =	vst v0;
	v0 =	vld [tilespmem:s12+$0x10];
	v4 =	vadd.f32 v6, v5  }
0x226: {  	v5 =	vld [tilespmem:s12+$0xFFFFFF90]  }
0x227: {  	[tilespmem:s14+$0x50] =	vst v4;
	v4 =	vld [tilespmem:s14+$0x60]  }
0x228: {  	v2 =	vadd.f32 v3, v2;
	v3 =	vld [tilespmem:s12+$0x60]  }
0x229: {  	v6 =	vld [tilespmem:s14+$0xFFFFFFA0]  }
0x22a: {  	[tilespmem:s14+$0xFFFFFFD0] =	vst v2;
	v2 =	vld [tilespmem:s14+$0xFFFFFFE0];
	v0 =	vadd.f32 v0, v1  }
0x22b: {  	v1 =	vadd.f32 v5, v7;
	v5 =	vld [tilespmem:s12+$0xFFFFFFE0]  }
0x22c: {  	[tilespmem:s14+$0x10] =	vst v0;
	v7 =	vld [tilespmem:s14+$0x20]  }
0x22d: {  	[tilespmem:s14+$0xFFFFFF90] =	vst v1;
	v8 =	vld [tilespmem:s12+$0x20];
	v0 =	vadd.f32 v3, v4  }
0x22e: {  	v3 =	vld [tilespmem:s12+$0xFFFFFFA0]  }
0x22f: {  	[tilespmem:s14+$0x60] =	vst v0;
	v9 =	vld [tilespmem:s14+$0x70]  }
0x230: {  	v1 =	vadd.f32 v5, v2;
	v5 =	vld [tilespmem:s12+$0x70]  }
0x231: {  	v0 =	vld [tilespmem:s14+$0xFFFFFFB0]  }
.Ltmp6:
0x232: {  	[tilespmem:s14+$0xFFFFFFE0] =	vst v1;
	v1 =	vld [tilespmem:s14+$0xFFFFFFF0];
	v2 =	vadd.f32 v8, v7;
	(pc) =	sbr.rel @p0 .LBB2_15-.Ltmp6, $4  }
0x233: {  	v4 =	vadd.f32 v3, v6;
	v3 =	vld [tilespmem:s12+$0xFFFFFFF0]  }
0x234: {  	[tilespmem:s14+$0x20] =	vst v2;
	v2 =	vld [tilespmem:s14+$0x30]  }
0x235: {  	[tilespmem:s14+$0xFFFFFFA0] =	vst v4;
	v4 =	vld [tilespmem:s12+$0x30];
	v6 =	vadd.f32 v5, v9  }
0x236: {  	s14 =	sadd.s32 $0x100, s14;
	v5 =	vld [tilespmem:s12+$0xFFFFFFB0]  }
0x237: {  	_ =	sdelay $0x1  }
0x238: {  	v1 =	vadd.f32 v3, v1  }
0x239: {  	[tilespmem:s11+$0x70] =	vst v6;
	s9 =	sadd.s32 s3, s9;
	v2 =	vadd.f32 v4, v2  }
0x23a: {  	s9 =	smul.u32 $0xC80, s9;
	[tilespmem:s11+$0xFFFFFFF0] =	vst v1;
	v0 =	vadd.f32 v5, v0  }
0x23b: {  	[tilespmem:s11+$0x30] =	vst v2  }
0x23c: {  	s13 =	smul.u32 $0xC80, s7;
	s9 =	sadd.s32 s6, s9;
	[tilespmem:s11+$0xFFFFFFB0] =	vst v0  }
0x23d: {  	[hbm4b:s9+s23] =	stream.strided.scatter [tilespmem:s26], [sflag:$0x7], $0x3200, s24, s23, $0x38;
	[tilespmem:$0x15E00] =	vst v63  }
0x23e: {  	_ =	swait.ge [sflag:s1], $0x3200  }
0x23f: {  	s9 =	sshra.s32 s13, $0x2;
	[sflag:s1] =	ssyncset.done $0x0  }
0x240: {  	s14 =	sadd.s32 $0x320, s9;
	[sflag:s1] =	ssyncadd.s32 $0xFFFFCE00  }
0x241: {  	[tilespmem:s20], [sflag:$0x1] =	stream.indirect.gather [hbm4b:s4+s19], $0x40, s14, s19, $0xb8;
	[tilespmem:$0x15E00] =	vst v63  }
0x242: {  	_ =	swait.ge [sflag:s17], $0x3200  }
0x243: {  	[sflag:s17] =	ssyncset.done $0x0  }
0x244: {  	s11 =	simm.s32 $0x12C80;
	[sflag:s17] =	ssyncadd.s32 $0xFFFFCE00  }
0x245: {  	s12 =	simm.s32 $0x6480;
	v0 =	vld [tilespmem:s11+$0x40]  }
0x246: {  	v1 =	vld [tilespmem:s12+$0x40]  }
0x247: {  	v2 =	vld [tilespmem:s11+$0xFFFFFFC0]  }
0x248: {  	v3 =	vld [tilespmem:s12+$0xFFFFFFC0]  }
0x249: {  	v4 =	vld [tilespmem:s11+$0x0]  }
0x24a: {  	v5 =	vld [tilespmem:s12+$0x0]  }
0x24b: {  	v6 =	vld [tilespmem:s11+$0xFFFFFF80];
	v0 =	vadd.f32 v1, v0  }
0x24c: {  	v1 =	vld [tilespmem:s12+$0xFFFFFF80]  }
0x24d: {  	[tilespmem:s11+$0x40] =	vst v0;
	v0 =	vld [tilespmem:s11+$0x50]  }
0x24e: {  	v2 =	vadd.f32 v3, v2;
	v3 =	vld [tilespmem:s12+$0x50]  }
0x24f: {  	v7 =	vld [tilespmem:s11+$0xFFFFFF90]  }
0x250: {  	[tilespmem:s11+$0xFFFFFFC0] =	vst v2;
	v2 =	vadd.f32 v5, v4;
	v4 =	vld [tilespmem:s11+$0xFFFFFFD0]  }
0x251: {  	v5 =	vld [tilespmem:s12+$0xFFFFFFD0];
	v1 =	vadd.f32 v1, v6  }
0x252: {  	[tilespmem:s11+$0x0] =	vst v2;
	v2 =	vld [tilespmem:s11+$0x10]  }
0x253: {  	v6 =	vld [tilespmem:s12+$0x10];
	[tilespmem:s11+$0xFFFFFF80] =	vst v1;
	v0 =	vadd.f32 v3, v0  }
0x254: {  	v1 =	vld [tilespmem:s12+$0xFFFFFF90]  }
0x255: {  	[tilespmem:s11+$0x50] =	vst v0;
	v0 =	vld [tilespmem:s11+$0x60]  }
0x256: {  	v3 =	vadd.f32 v5, v4;
	v4 =	vld [tilespmem:s12+$0x60]  }
0x257: {  	v5 =	vld [tilespmem:s11+$0xFFFFFFA0]  }
0x258: {  	[tilespmem:s11+$0xFFFFFFD0] =	vst v3;
	v2 =	vadd.f32 v6, v2;
	v3 =	vld [tilespmem:s11+$0xFFFFFFE0]  }
0x259: {  	v6 =	vld [tilespmem:s12+$0xFFFFFFE0];
	v1 =	vadd.f32 v1, v7  }
0x25a: {  	[tilespmem:s11+$0x10] =	vst v2;
	v2 =	vld [tilespmem:s11+$0x20]  }
0x25b: {  	v7 =	vld [tilespmem:s12+$0x20];
	[tilespmem:s11+$0xFFFFFF90] =	vst v1;
	v0 =	vadd.f32 v4, v0  }
0x25c: {  	v4 =	vld [tilespmem:s12+$0xFFFFFFA0]  }
0x25d: {  	v8 =	vld [tilespmem:s11+$0x70];
	[tilespmem:s11+$0x60] =	vst v0  }
0x25e: {  	v1 =	vadd.f32 v6, v3;
	v6 =	vld [tilespmem:s12+$0x70]  }
0x25f: {  	v0 =	vld [tilespmem:s11+$0xFFFFFFB0]  }
0x260: {  	[tilespmem:s11+$0xFFFFFFE0] =	vst v1;
	v2 =	vadd.f32 v7, v2;
	v1 =	vld [tilespmem:s11+$0xFFFFFFF0]  }
0x261: {  	v3 =	vld [tilespmem:s12+$0xFFFFFFF0];
	v4 =	vadd.f32 v4, v5  }
0x262: {  	[tilespmem:s11+$0x20] =	vst v2;
	v2 =	vld [tilespmem:s11+$0x30]  }
0x263: {  	[tilespmem:s11+$0xFFFFFFA0] =	vst v4;
	v4 =	vld [tilespmem:s12+$0x30];
	v6 =	vadd.f32 v6, v8  }
0x264: {  	s13 =	simm.s32 $0x0;
	s14 =	simm.s32 $0x12D80;
	v5 =	vld [tilespmem:s12+$0xFFFFFFB0]  }
.LBB2_17:
0x265: {  	v7 =	vld [tilespmem:s14+$0x40];
	[tilespmem:s11+$0x70] =	vst v6;
	s12 =	sadd.s32 $0x100, s12  }
0x266: {  	s13 =	sadd.s32 $0x4, s13;
	v6 =	vld [tilespmem:s12+$0x40];
	v1 =	vadd.f32 v3, v1  }
0x267: {  	p0 =	slt.u32 s13, $0xC4;
	v3 =	vld [tilespmem:s12+$0xFFFFFF80]  }
0x268: {  	v8 =	vld [tilespmem:s14+$0xFFFFFFC0];
	[tilespmem:s11+$0xFFFFFFF0] =	vst v1;
	v1 =	vadd.f32 v4, v2  }
0x269: {  	v2 =	vld [tilespmem:s12+$0xFFFFFFC0];
	v0 =	vadd.f32 v5, v0  }
0x26a: {  	v4 =	vld [tilespmem:s14+$0x0];
	[tilespmem:s11+$0x30] =	vst v1  }
0x26b: {  	v1 =	vld [tilespmem:s12+$0x0];
	v5 =	vadd.f32 v6, v7;
	[tilespmem:s11+$0xFFFFFFB0] =	vst v0;
	s11 =	smov.u32 s14  }
0x26c: {  	v0 =	vld [tilespmem:s14+$0xFFFFFF80]  }
0x26d: {  	[tilespmem:s14+$0x40] =	vst v5;
	v5 =	vld [tilespmem:s14+$0x50]  }
0x26e: {  	v2 =	vadd.f32 v2, v8;
	v6 =	vld [tilespmem:s12+$0x50]  }
0x26f: {  	v7 =	vld [tilespmem:s14+$0xFFFFFF90]  }
0x270: {  	[tilespmem:s14+$0xFFFFFFC0] =	vst v2;
	v2 =	vld [tilespmem:s14+$0xFFFFFFD0];
	v1 =	vadd.f32 v1, v4  }
0x271: {  	v0 =	vadd.f32 v3, v0;
	v3 =	vld [tilespmem:s12+$0xFFFFFFD0]  }
0x272: {  	[tilespmem:s14+$0x0] =	vst v1;
	v1 =	vld [tilespmem:s14+$0x10]  }
0x273: {  	[tilespmem:s14+$0xFFFFFF80] =	vst v0;
	v0 =	vld [tilespmem:s12+$0x10];
	v4 =	vadd.f32 v6, v5  }
0x274: {  	v5 =	vld [tilespmem:s12+$0xFFFFFF90]  }
0x275: {  	[tilespmem:s14+$0x50] =	vst v4;
	v4 =	vld [tilespmem:s14+$0x60]  }
0x276: {  	v2 =	vadd.f32 v3, v2;
	v3 =	vld [tilespmem:s12+$0x60]  }
0x277: {  	v6 =	vld [tilespmem:s14+$0xFFFFFFA0]  }
0x278: {  	[tilespmem:s14+$0xFFFFFFD0] =	vst v2;
	v2 =	vld [tilespmem:s14+$0xFFFFFFE0];
	v0 =	vadd.f32 v0, v1  }
0x279: {  	v1 =	vadd.f32 v5, v7;
	v5 =	vld [tilespmem:s12+$0xFFFFFFE0]  }
0x27a: {  	[tilespmem:s14+$0x10] =	vst v0;
	v7 =	vld [tilespmem:s14+$0x20]  }
0x27b: {  	[tilespmem:s14+$0xFFFFFF90] =	vst v1;
	v8 =	vld [tilespmem:s12+$0x20];
	v0 =	vadd.f32 v3, v4  }
0x27c: {  	v3 =	vld [tilespmem:s12+$0xFFFFFFA0]  }
0x27d: {  	[tilespmem:s14+$0x60] =	vst v0;
	v9 =	vld [tilespmem:s14+$0x70]  }
0x27e: {  	v1 =	vadd.f32 v5, v2;
	v5 =	vld [tilespmem:s12+$0x70]  }
0x27f: {  	v0 =	vld [tilespmem:s14+$0xFFFFFFB0]  }
.Ltmp7:
0x280: {  	[tilespmem:s14+$0xFFFFFFE0] =	vst v1;
	v1 =	vld [tilespmem:s14+$0xFFFFFFF0];
	v2 =	vadd.f32 v8, v7;
	(pc) =	sbr.rel @p0 .LBB2_17-.Ltmp7, $4  }
0x281: {  	v4 =	vadd.f32 v3, v6;
	v3 =	vld [tilespmem:s12+$0xFFFFFFF0]  }
0x282: {  	[tilespmem:s14+$0x20] =	vst v2;
	v2 =	vld [tilespmem:s14+$0x30]  }
0x283: {  	[tilespmem:s14+$0xFFFFFFA0] =	vst v4;
	v4 =	vld [tilespmem:s12+$0x30];
	v6 =	vadd.f32 v5, v9  }
0x284: {  	s14 =	sadd.s32 $0x100, s14;
	v5 =	vld [tilespmem:s12+$0xFFFFFFB0]  }
0x285: {  	_ =	sdelay $0x1  }
0x286: {  	v1 =	vadd.f32 v3, v1  }
0x287: {  	[tilespmem:s11+$0x70] =	vst v6;
	s10 =	sadd.s32 s3, s10;
	v2 =	vadd.f32 v4, v2  }
0x288: {  	s10 =	smul.u32 $0xC80, s10;
	[tilespmem:s11+$0xFFFFFFF0] =	vst v1;
	v0 =	vadd.f32 v5, v0  }
0x289: {  	s7 =	sadd.s32 $0x1, s7;
	[tilespmem:s11+$0x30] =	vst v2  }
0x28a: {  	p0 =	sne.s32 s7, $0x1F;
	s10 =	sadd.s32 s6, s10;
	[tilespmem:s11+$0xFFFFFFB0] =	vst v0  }
0x28b: {  	[hbm4b:s10+s23] =	stream.strided.scatter [tilespmem:s30], [sflag:$0x8], $0x3200, s24, s23, $0x38;
	[tilespmem:$0x15E00] =	vst v63  }
.Ltmp8:
0x28c: {  	_ = 	snop;
	(pc) =	sbr.rel @p0 .LBB2_10-.Ltmp8, $4  }
0x28d: {  	_ =	swait.ge [sflag:s25], $0x3200  }
0x28e: {  	[sflag:s25] =	ssyncset.done $0x0  }
0x28f: {  	s9 =	sadd.s32 $0x3E8, s9;
	[sflag:s25] =	ssyncadd.s32 $0xFFFFCE00  }
0x290: {  	[tilespmem:s21], [sflag:$0x2] =	stream.indirect.gather [hbm4b:s4+s19], $0x40, s9, s19, $0xb8;
	[tilespmem:$0x15E00] =	vst v63  }
0x291: {  	_ =	swait.ge [sflag:s22], $0x3200  }
0x292: {  	[sflag:s22] =	ssyncset.done $0x0  }
0x293: {  	s7 =	simm.s32 $0x9680;
	[sflag:s22] =	ssyncadd.s32 $0xFFFFCE00  }
0x294: {  	s9 =	simm.s32 $0x6480;
	v0 =	vld [tilespmem:s7+$0x40]  }
0x295: {  	v1 =	vld [tilespmem:s9+$0x40]  }
0x296: {  	v2 =	vld [tilespmem:s7+$0xFFFFFFC0]  }
0x297: {  	v3 =	vld [tilespmem:s9+$0xFFFFFFC0]  }
0x298: {  	v4 =	vld [tilespmem:s7+$0x0]  }
0x299: {  	v5 =	vld [tilespmem:s9+$0x0]  }
0x29a: {  	v6 =	vld [tilespmem:s7+$0xFFFFFF80];
	v0 =	vadd.f32 v1, v0  }
0x29b: {  	v1 =	vld [tilespmem:s9+$0xFFFFFF80]  }
0x29c: {  	[tilespmem:s7+$0x40] =	vst v0;
	v0 =	vld [tilespmem:s7+$0x50]  }
0x29d: {  	v2 =	vadd.f32 v3, v2;
	v3 =	vld [tilespmem:s9+$0x50]  }
0x29e: {  	v7 =	vld [tilespmem:s7+$0xFFFFFF90]  }
0x29f: {  	[tilespmem:s7+$0xFFFFFFC0] =	vst v2;
	v2 =	vadd.f32 v5, v4;
	v4 =	vld [tilespmem:s7+$0xFFFFFFD0]  }
0x2a0: {  	v5 =	vld [tilespmem:s9+$0xFFFFFFD0];
	v1 =	vadd.f32 v1, v6  }
0x2a1: {  	[tilespmem:s7+$0x0] =	vst v2;
	v2 =	vld [tilespmem:s7+$0x10]  }
0x2a2: {  	v6 =	vld [tilespmem:s9+$0x10];
	[tilespmem:s7+$0xFFFFFF80] =	vst v1;
	v0 =	vadd.f32 v3, v0  }
0x2a3: {  	v1 =	vld [tilespmem:s9+$0xFFFFFF90]  }
0x2a4: {  	[tilespmem:s7+$0x50] =	vst v0;
	v0 =	vld [tilespmem:s7+$0x60]  }
0x2a5: {  	v3 =	vadd.f32 v5, v4;
	v4 =	vld [tilespmem:s9+$0x60]  }
0x2a6: {  	v5 =	vld [tilespmem:s7+$0xFFFFFFA0]  }
0x2a7: {  	[tilespmem:s7+$0xFFFFFFD0] =	vst v3;
	v2 =	vadd.f32 v6, v2;
	v3 =	vld [tilespmem:s7+$0xFFFFFFE0]  }
0x2a8: {  	v6 =	vld [tilespmem:s9+$0xFFFFFFE0];
	v1 =	vadd.f32 v1, v7  }
0x2a9: {  	[tilespmem:s7+$0x10] =	vst v2;
	v2 =	vld [tilespmem:s7+$0x20]  }
0x2aa: {  	v7 =	vld [tilespmem:s9+$0x20];
	[tilespmem:s7+$0xFFFFFF90] =	vst v1;
	v0 =	vadd.f32 v4, v0  }
0x2ab: {  	v4 =	vld [tilespmem:s9+$0xFFFFFFA0]  }
0x2ac: {  	v8 =	vld [tilespmem:s7+$0x70];
	[tilespmem:s7+$0x60] =	vst v0  }
0x2ad: {  	v1 =	vadd.f32 v6, v3;
	v6 =	vld [tilespmem:s9+$0x70]  }
0x2ae: {  	v0 =	vld [tilespmem:s7+$0xFFFFFFB0]  }
0x2af: {  	[tilespmem:s7+$0xFFFFFFE0] =	vst v1;
	v2 =	vadd.f32 v7, v2;
	v1 =	vld [tilespmem:s7+$0xFFFFFFF0]  }
0x2b0: {  	v3 =	vld [tilespmem:s9+$0xFFFFFFF0];
	v4 =	vadd.f32 v4, v5  }
0x2b1: {  	[tilespmem:s7+$0x20] =	vst v2;
	v2 =	vld [tilespmem:s7+$0x30]  }
0x2b2: {  	[tilespmem:s7+$0xFFFFFFA0] =	vst v4;
	v4 =	vld [tilespmem:s9+$0x30];
	v6 =	vadd.f32 v6, v8  }
0x2b3: {  	s10 =	simm.s32 $0x0;
	s11 =	simm.s32 $0x9780;
	v5 =	vld [tilespmem:s9+$0xFFFFFFB0]  }
.LBB2_20:
0x2b4: {  	v7 =	vld [tilespmem:s11+$0x40];
	[tilespmem:s7+$0x70] =	vst v6;
	s9 =	sadd.s32 $0x100, s9  }
0x2b5: {  	s10 =	sadd.s32 $0x4, s10;
	v6 =	vld [tilespmem:s9+$0x40];
	v1 =	vadd.f32 v3, v1  }
0x2b6: {  	p0 =	slt.u32 s10, $0xC4;
	v3 =	vld [tilespmem:s9+$0xFFFFFF80]  }
0x2b7: {  	v8 =	vld [tilespmem:s11+$0xFFFFFFC0];
	[tilespmem:s7+$0xFFFFFFF0] =	vst v1;
	v1 =	vadd.f32 v4, v2  }
0x2b8: {  	v2 =	vld [tilespmem:s9+$0xFFFFFFC0];
	v0 =	vadd.f32 v5, v0  }
0x2b9: {  	v4 =	vld [tilespmem:s11+$0x0];
	[tilespmem:s7+$0x30] =	vst v1  }
0x2ba: {  	v1 =	vld [tilespmem:s9+$0x0];
	v5 =	vadd.f32 v6, v7;
	[tilespmem:s7+$0xFFFFFFB0] =	vst v0;
	s7 =	smov.u32 s11  }
0x2bb: {  	v0 =	vld [tilespmem:s11+$0xFFFFFF80]  }
0x2bc: {  	[tilespmem:s11+$0x40] =	vst v5;
	v5 =	vld [tilespmem:s11+$0x50]  }
0x2bd: {  	v2 =	vadd.f32 v2, v8;
	v6 =	vld [tilespmem:s9+$0x50]  }
0x2be: {  	v7 =	vld [tilespmem:s11+$0xFFFFFF90]  }
0x2bf: {  	[tilespmem:s11+$0xFFFFFFC0] =	vst v2;
	v2 =	vld [tilespmem:s11+$0xFFFFFFD0];
	v1 =	vadd.f32 v1, v4  }
0x2c0: {  	v0 =	vadd.f32 v3, v0;
	v3 =	vld [tilespmem:s9+$0xFFFFFFD0]  }
0x2c1: {  	[tilespmem:s11+$0x0] =	vst v1;
	v1 =	vld [tilespmem:s11+$0x10]  }
0x2c2: {  	[tilespmem:s11+$0xFFFFFF80] =	vst v0;
	v0 =	vld [tilespmem:s9+$0x10];
	v4 =	vadd.f32 v6, v5  }
0x2c3: {  	v5 =	vld [tilespmem:s9+$0xFFFFFF90]  }
0x2c4: {  	[tilespmem:s11+$0x50] =	vst v4;
	v4 =	vld [tilespmem:s11+$0x60]  }
0x2c5: {  	v2 =	vadd.f32 v3, v2;
	v3 =	vld [tilespmem:s9+$0x60]  }
0x2c6: {  	v6 =	vld [tilespmem:s11+$0xFFFFFFA0]  }
0x2c7: {  	[tilespmem:s11+$0xFFFFFFD0] =	vst v2;
	v2 =	vld [tilespmem:s11+$0xFFFFFFE0];
	v0 =	vadd.f32 v0, v1  }
0x2c8: {  	v1 =	vadd.f32 v5, v7;
	v5 =	vld [tilespmem:s9+$0xFFFFFFE0]  }
0x2c9: {  	[tilespmem:s11+$0x10] =	vst v0;
	v7 =	vld [tilespmem:s11+$0x20]  }
0x2ca: {  	[tilespmem:s11+$0xFFFFFF90] =	vst v1;
	v8 =	vld [tilespmem:s9+$0x20];
	v0 =	vadd.f32 v3, v4  }
0x2cb: {  	v3 =	vld [tilespmem:s9+$0xFFFFFFA0]  }
0x2cc: {  	[tilespmem:s11+$0x60] =	vst v0;
	v9 =	vld [tilespmem:s11+$0x70]  }
0x2cd: {  	v1 =	vadd.f32 v5, v2;
	v5 =	vld [tilespmem:s9+$0x70]  }
0x2ce: {  	v0 =	vld [tilespmem:s11+$0xFFFFFFB0]  }
.Ltmp9:
0x2cf: {  	[tilespmem:s11+$0xFFFFFFE0] =	vst v1;
	v1 =	vld [tilespmem:s11+$0xFFFFFFF0];
	v2 =	vadd.f32 v8, v7;
	(pc) =	sbr.rel @p0 .LBB2_20-.Ltmp9, $4  }
0x2d0: {  	v4 =	vadd.f32 v3, v6;
	v3 =	vld [tilespmem:s9+$0xFFFFFFF0]  }
0x2d1: {  	[tilespmem:s11+$0x20] =	vst v2;
	v2 =	vld [tilespmem:s11+$0x30]  }
0x2d2: {  	[tilespmem:s11+$0xFFFFFFA0] =	vst v4;
	v4 =	vld [tilespmem:s9+$0x30];
	v6 =	vadd.f32 v5, v9  }
0x2d3: {  	s11 =	sadd.s32 $0x100, s11;
	v5 =	vld [tilespmem:s9+$0xFFFFFFB0]  }
0x2d4: {  	_ =	sdelay $0x1  }
0x2d5: {  	v1 =	vadd.f32 v3, v1  }
0x2d6: {  	[tilespmem:s7+$0x70] =	vst v6;
	v2 =	vadd.f32 v4, v2  }
0x2d7: {  	[tilespmem:s7+$0xFFFFFFF0] =	vst v1;
	v0 =	vadd.f32 v5, v0  }
0x2d8: {  	[tilespmem:s7+$0x30] =	vst v2  }
0x2d9: {  	[tilespmem:s7+$0xFFFFFFB0] =	vst v0  }
0x2da: {  	s7 =	rddreg [dreg:$0x8]  }
0x2db: {  	[hbm4b:s7+s23] =	stream.strided.scatter [tilespmem:s20], [sflag:$0x5], $0x3200, s24, s23, $0x38;
	[tilespmem:$0x15E00] =	vst v63  }
0x2dc: {  	_ =	swait.ge [sflag:s0], $0x3200  }
0x2dd: {  	[sflag:s0] =	ssyncset.done $0x0  }
0x2de: {  	s14 =	simm.s32 $0x6270;
	[sflag:s0] =	ssyncadd.s32 $0xFFFFCE00  }
0x2df: {  	[tilespmem:s26], [sflag:$0x3] =	stream.indirect.gather [hbm4b:s4+s19], $0x40, s14, s19, $0xb8;
	[tilespmem:$0x15E00] =	vst v63  }
0x2e0: {  	_ =	swait.ge [sflag:s28], $0x3200  }
0x2e1: {  	[sflag:s28] =	ssyncset.done $0x0  }
0x2e2: {  	s7 =	simm.s32 $0xC880;
	[sflag:s28] =	ssyncadd.s32 $0xFFFFCE00  }
0x2e3: {  	s9 =	simm.s32 $0x6480;
	v0 =	vld [tilespmem:s7+$0x40]  }
0x2e4: {  	v1 =	vld [tilespmem:s9+$0x40]  }
0x2e5: {  	v2 =	vld [tilespmem:s7+$0xFFFFFFC0]  }
0x2e6: {  	v3 =	vld [tilespmem:s9+$0xFFFFFFC0]  }
0x2e7: {  	v4 =	vld [tilespmem:s7+$0x0]  }
0x2e8: {  	v5 =	vld [tilespmem:s9+$0x0]  }
0x2e9: {  	v6 =	vld [tilespmem:s7+$0xFFFFFF80];
	v0 =	vadd.f32 v1, v0  }
0x2ea: {  	v1 =	vld [tilespmem:s9+$0xFFFFFF80]  }
0x2eb: {  	[tilespmem:s7+$0x40] =	vst v0;
	v0 =	vld [tilespmem:s7+$0x50]  }
0x2ec: {  	v2 =	vadd.f32 v3, v2;
	v3 =	vld [tilespmem:s9+$0x50]  }
0x2ed: {  	v7 =	vld [tilespmem:s7+$0xFFFFFF90]  }
0x2ee: {  	[tilespmem:s7+$0xFFFFFFC0] =	vst v2;
	v2 =	vadd.f32 v5, v4;
	v4 =	vld [tilespmem:s7+$0xFFFFFFD0]  }
0x2ef: {  	v5 =	vld [tilespmem:s9+$0xFFFFFFD0];
	v1 =	vadd.f32 v1, v6  }
0x2f0: {  	[tilespmem:s7+$0x0] =	vst v2;
	v2 =	vld [tilespmem:s7+$0x10]  }
0x2f1: {  	v6 =	vld [tilespmem:s9+$0x10];
	[tilespmem:s7+$0xFFFFFF80] =	vst v1;
	v0 =	vadd.f32 v3, v0  }
0x2f2: {  	v1 =	vld [tilespmem:s9+$0xFFFFFF90]  }
0x2f3: {  	[tilespmem:s7+$0x50] =	vst v0;
	v0 =	vld [tilespmem:s7+$0x60]  }
0x2f4: {  	v3 =	vadd.f32 v5, v4;
	v4 =	vld [tilespmem:s9+$0x60]  }
0x2f5: {  	v5 =	vld [tilespmem:s7+$0xFFFFFFA0]  }
0x2f6: {  	[tilespmem:s7+$0xFFFFFFD0] =	vst v3;
	v2 =	vadd.f32 v6, v2;
	v3 =	vld [tilespmem:s7+$0xFFFFFFE0]  }
0x2f7: {  	v6 =	vld [tilespmem:s9+$0xFFFFFFE0];
	v1 =	vadd.f32 v1, v7  }
0x2f8: {  	[tilespmem:s7+$0x10] =	vst v2;
	v2 =	vld [tilespmem:s7+$0x20]  }
0x2f9: {  	v7 =	vld [tilespmem:s9+$0x20];
	[tilespmem:s7+$0xFFFFFF90] =	vst v1;
	v0 =	vadd.f32 v4, v0  }
0x2fa: {  	v4 =	vld [tilespmem:s9+$0xFFFFFFA0]  }
0x2fb: {  	v8 =	vld [tilespmem:s7+$0x70];
	[tilespmem:s7+$0x60] =	vst v0  }
0x2fc: {  	v1 =	vadd.f32 v6, v3;
	v6 =	vld [tilespmem:s9+$0x70]  }
0x2fd: {  	v0 =	vld [tilespmem:s7+$0xFFFFFFB0]  }
0x2fe: {  	[tilespmem:s7+$0xFFFFFFE0] =	vst v1;
	v2 =	vadd.f32 v7, v2;
	v1 =	vld [tilespmem:s7+$0xFFFFFFF0]  }
0x2ff: {  	v3 =	vld [tilespmem:s9+$0xFFFFFFF0];
	v4 =	vadd.f32 v4, v5  }
0x300: {  	[tilespmem:s7+$0x20] =	vst v2;
	v2 =	vld [tilespmem:s7+$0x30]  }
0x301: {  	[tilespmem:s7+$0xFFFFFFA0] =	vst v4;
	v4 =	vld [tilespmem:s9+$0x30];
	v6 =	vadd.f32 v6, v8  }
0x302: {  	s10 =	simm.s32 $0x0;
	s11 =	simm.s32 $0xC980;
	v5 =	vld [tilespmem:s9+$0xFFFFFFB0]  }
.LBB2_22:
0x303: {  	v7 =	vld [tilespmem:s11+$0x40];
	[tilespmem:s7+$0x70] =	vst v6;
	s9 =	sadd.s32 $0x100, s9  }
0x304: {  	s10 =	sadd.s32 $0x4, s10;
	v6 =	vld [tilespmem:s9+$0x40];
	v1 =	vadd.f32 v3, v1  }
0x305: {  	p0 =	slt.u32 s10, $0xC4;
	v3 =	vld [tilespmem:s9+$0xFFFFFF80]  }
0x306: {  	v8 =	vld [tilespmem:s11+$0xFFFFFFC0];
	[tilespmem:s7+$0xFFFFFFF0] =	vst v1;
	v1 =	vadd.f32 v4, v2  }
0x307: {  	v2 =	vld [tilespmem:s9+$0xFFFFFFC0];
	v0 =	vadd.f32 v5, v0  }
0x308: {  	v4 =	vld [tilespmem:s11+$0x0];
	[tilespmem:s7+$0x30] =	vst v1  }
0x309: {  	v1 =	vld [tilespmem:s9+$0x0];
	v5 =	vadd.f32 v6, v7;
	[tilespmem:s7+$0xFFFFFFB0] =	vst v0;
	s7 =	smov.u32 s11  }
0x30a: {  	v0 =	vld [tilespmem:s11+$0xFFFFFF80]  }
0x30b: {  	[tilespmem:s11+$0x40] =	vst v5;
	v5 =	vld [tilespmem:s11+$0x50]  }
0x30c: {  	v2 =	vadd.f32 v2, v8;
	v6 =	vld [tilespmem:s9+$0x50]  }
0x30d: {  	v7 =	vld [tilespmem:s11+$0xFFFFFF90]  }
0x30e: {  	[tilespmem:s11+$0xFFFFFFC0] =	vst v2;
	v2 =	vld [tilespmem:s11+$0xFFFFFFD0];
	v1 =	vadd.f32 v1, v4  }
0x30f: {  	v0 =	vadd.f32 v3, v0;
	v3 =	vld [tilespmem:s9+$0xFFFFFFD0]  }
0x310: {  	[tilespmem:s11+$0x0] =	vst v1;
	v1 =	vld [tilespmem:s11+$0x10]  }
0x311: {  	[tilespmem:s11+$0xFFFFFF80] =	vst v0;
	v0 =	vld [tilespmem:s9+$0x10];
	v4 =	vadd.f32 v6, v5  }
0x312: {  	v5 =	vld [tilespmem:s9+$0xFFFFFF90]  }
0x313: {  	[tilespmem:s11+$0x50] =	vst v4;
	v4 =	vld [tilespmem:s11+$0x60]  }
0x314: {  	v2 =	vadd.f32 v3, v2;
	v3 =	vld [tilespmem:s9+$0x60]  }
0x315: {  	v6 =	vld [tilespmem:s11+$0xFFFFFFA0]  }
0x316: {  	[tilespmem:s11+$0xFFFFFFD0] =	vst v2;
	v2 =	vld [tilespmem:s11+$0xFFFFFFE0];
	v0 =	vadd.f32 v0, v1  }
0x317: {  	v1 =	vadd.f32 v5, v7;
	v5 =	vld [tilespmem:s9+$0xFFFFFFE0]  }
0x318: {  	[tilespmem:s11+$0x10] =	vst v0;
	v7 =	vld [tilespmem:s11+$0x20]  }
0x319: {  	[tilespmem:s11+$0xFFFFFF90] =	vst v1;
	v8 =	vld [tilespmem:s9+$0x20];
	v0 =	vadd.f32 v3, v4  }
0x31a: {  	v3 =	vld [tilespmem:s9+$0xFFFFFFA0]  }
0x31b: {  	[tilespmem:s11+$0x60] =	vst v0;
	v9 =	vld [tilespmem:s11+$0x70]  }
0x31c: {  	v1 =	vadd.f32 v5, v2;
	v5 =	vld [tilespmem:s9+$0x70]  }
0x31d: {  	v0 =	vld [tilespmem:s11+$0xFFFFFFB0]  }
.Ltmp10:
0x31e: {  	[tilespmem:s11+$0xFFFFFFE0] =	vst v1;
	v1 =	vld [tilespmem:s11+$0xFFFFFFF0];
	v2 =	vadd.f32 v8, v7;
	(pc) =	sbr.rel @p0 .LBB2_22-.Ltmp10, $4  }
0x31f: {  	v4 =	vadd.f32 v3, v6;
	v3 =	vld [tilespmem:s9+$0xFFFFFFF0]  }
0x320: {  	[tilespmem:s11+$0x20] =	vst v2;
	v2 =	vld [tilespmem:s11+$0x30]  }
0x321: {  	[tilespmem:s11+$0xFFFFFFA0] =	vst v4;
	v4 =	vld [tilespmem:s9+$0x30];
	v6 =	vadd.f32 v5, v9  }
0x322: {  	s11 =	sadd.s32 $0x100, s11;
	v5 =	vld [tilespmem:s9+$0xFFFFFFB0]  }
0x323: {  	_ =	sdelay $0x1  }
0x324: {  	v1 =	vadd.f32 v3, v1  }
0x325: {  	[tilespmem:s7+$0x70] =	vst v6;
	v2 =	vadd.f32 v4, v2  }
0x326: {  	[tilespmem:s7+$0xFFFFFFF0] =	vst v1;
	v0 =	vadd.f32 v5, v0  }
0x327: {  	[tilespmem:s7+$0x30] =	vst v2  }
0x328: {  	[tilespmem:s7+$0xFFFFFFB0] =	vst v0  }
0x329: {  	s7 =	rddreg [dreg:$0x9]  }
0x32a: {  	[hbm4b:s7+s23] =	stream.strided.scatter [tilespmem:s21], [sflag:$0x6], $0x3200, s24, s23, $0x38;
	[tilespmem:$0x15E00] =	vst v63  }
0x32b: {  	_ =	swait.ge [sflag:s29], $0x3200  }
0x32c: {  	[sflag:s29] =	ssyncset.done $0x0  }
0x32d: {  	s14 =	simm.s32 $0x6338;
	[sflag:s29] =	ssyncadd.s32 $0xFFFFCE00  }
0x32e: {  	[tilespmem:s30], [sflag:$0x4] =	stream.indirect.gather [hbm4b:s4+s19], $0x40, s14, s19, $0xb8;
	[tilespmem:$0x15E00] =	vst v63  }
0x32f: {  	_ =	swait.ge [sflag:s31], $0x3200  }
0x330: {  	[sflag:s31] =	ssyncset.done $0x0  }
0x331: {  	s7 =	simm.s32 $0xFA80;
	[sflag:s31] =	ssyncadd.s32 $0xFFFFCE00  }
0x332: {  	s9 =	simm.s32 $0x6480;
	v0 =	vld [tilespmem:s7+$0x40]  }
0x333: {  	v1 =	vld [tilespmem:s9+$0x40]  }
0x334: {  	v2 =	vld [tilespmem:s7+$0xFFFFFFC0]  }
0x335: {  	v3 =	vld [tilespmem:s9+$0xFFFFFFC0]  }
0x336: {  	v4 =	vld [tilespmem:s7+$0x0]  }
0x337: {  	v5 =	vld [tilespmem:s9+$0x0]  }
0x338: {  	v6 =	vld [tilespmem:s7+$0xFFFFFF80];
	v0 =	vadd.f32 v1, v0  }
0x339: {  	v1 =	vld [tilespmem:s9+$0xFFFFFF80]  }
0x33a: {  	[tilespmem:s7+$0x40] =	vst v0;
	v0 =	vld [tilespmem:s7+$0x50]  }
0x33b: {  	v2 =	vadd.f32 v3, v2;
	v3 =	vld [tilespmem:s9+$0x50]  }
0x33c: {  	v7 =	vld [tilespmem:s7+$0xFFFFFF90]  }
0x33d: {  	[tilespmem:s7+$0xFFFFFFC0] =	vst v2;
	v2 =	vadd.f32 v5, v4;
	v4 =	vld [tilespmem:s7+$0xFFFFFFD0]  }
0x33e: {  	v5 =	vld [tilespmem:s9+$0xFFFFFFD0];
	v1 =	vadd.f32 v1, v6  }
0x33f: {  	[tilespmem:s7+$0x0] =	vst v2;
	v2 =	vld [tilespmem:s7+$0x10]  }
0x340: {  	v6 =	vld [tilespmem:s9+$0x10];
	[tilespmem:s7+$0xFFFFFF80] =	vst v1;
	v0 =	vadd.f32 v3, v0  }
0x341: {  	v1 =	vld [tilespmem:s9+$0xFFFFFF90]  }
0x342: {  	[tilespmem:s7+$0x50] =	vst v0;
	v0 =	vld [tilespmem:s7+$0x60]  }
0x343: {  	v3 =	vadd.f32 v5, v4;
	v4 =	vld [tilespmem:s9+$0x60]  }
0x344: {  	v5 =	vld [tilespmem:s7+$0xFFFFFFA0]  }
0x345: {  	[tilespmem:s7+$0xFFFFFFD0] =	vst v3;
	v2 =	vadd.f32 v6, v2;
	v3 =	vld [tilespmem:s7+$0xFFFFFFE0]  }
0x346: {  	v6 =	vld [tilespmem:s9+$0xFFFFFFE0];
	v1 =	vadd.f32 v1, v7  }
0x347: {  	[tilespmem:s7+$0x10] =	vst v2;
	v2 =	vld [tilespmem:s7+$0x20]  }
0x348: {  	v7 =	vld [tilespmem:s9+$0x20];
	[tilespmem:s7+$0xFFFFFF90] =	vst v1;
	v0 =	vadd.f32 v4, v0  }
0x349: {  	v4 =	vld [tilespmem:s9+$0xFFFFFFA0]  }
0x34a: {  	v8 =	vld [tilespmem:s7+$0x70];
	[tilespmem:s7+$0x60] =	vst v0  }
0x34b: {  	v1 =	vadd.f32 v6, v3;
	v6 =	vld [tilespmem:s9+$0x70]  }
0x34c: {  	v0 =	vld [tilespmem:s7+$0xFFFFFFB0]  }
0x34d: {  	[tilespmem:s7+$0xFFFFFFE0] =	vst v1;
	v2 =	vadd.f32 v7, v2;
	v1 =	vld [tilespmem:s7+$0xFFFFFFF0]  }
0x34e: {  	v3 =	vld [tilespmem:s9+$0xFFFFFFF0];
	v4 =	vadd.f32 v4, v5  }
0x34f: {  	[tilespmem:s7+$0x20] =	vst v2;
	v2 =	vld [tilespmem:s7+$0x30]  }
0x350: {  	[tilespmem:s7+$0xFFFFFFA0] =	vst v4;
	v4 =	vld [tilespmem:s9+$0x30];
	v6 =	vadd.f32 v6, v8  }
0x351: {  	s10 =	simm.s32 $0x0;
	s11 =	simm.s32 $0xFB80;
	v5 =	vld [tilespmem:s9+$0xFFFFFFB0]  }
.LBB2_24:
0x352: {  	v7 =	vld [tilespmem:s11+$0x40];
	[tilespmem:s7+$0x70] =	vst v6;
	s9 =	sadd.s32 $0x100, s9  }
0x353: {  	s10 =	sadd.s32 $0x4, s10;
	v6 =	vld [tilespmem:s9+$0x40];
	v1 =	vadd.f32 v3, v1  }
0x354: {  	p0 =	slt.u32 s10, $0xC4;
	v3 =	vld [tilespmem:s9+$0xFFFFFF80]  }
0x355: {  	v8 =	vld [tilespmem:s11+$0xFFFFFFC0];
	[tilespmem:s7+$0xFFFFFFF0] =	vst v1;
	v1 =	vadd.f32 v4, v2  }
0x356: {  	v2 =	vld [tilespmem:s9+$0xFFFFFFC0];
	v0 =	vadd.f32 v5, v0  }
0x357: {  	v4 =	vld [tilespmem:s11+$0x0];
	[tilespmem:s7+$0x30] =	vst v1  }
0x358: {  	v1 =	vld [tilespmem:s9+$0x0];
	v5 =	vadd.f32 v6, v7;
	[tilespmem:s7+$0xFFFFFFB0] =	vst v0;
	s7 =	smov.u32 s11  }
0x359: {  	v0 =	vld [tilespmem:s11+$0xFFFFFF80]  }
0x35a: {  	[tilespmem:s11+$0x40] =	vst v5;
	v5 =	vld [tilespmem:s11+$0x50]  }
0x35b: {  	v2 =	vadd.f32 v2, v8;
	v6 =	vld [tilespmem:s9+$0x50]  }
0x35c: {  	v7 =	vld [tilespmem:s11+$0xFFFFFF90]  }
0x35d: {  	[tilespmem:s11+$0xFFFFFFC0] =	vst v2;
	v2 =	vld [tilespmem:s11+$0xFFFFFFD0];
	v1 =	vadd.f32 v1, v4  }
0x35e: {  	v0 =	vadd.f32 v3, v0;
	v3 =	vld [tilespmem:s9+$0xFFFFFFD0]  }
0x35f: {  	[tilespmem:s11+$0x0] =	vst v1;
	v1 =	vld [tilespmem:s11+$0x10]  }
0x360: {  	[tilespmem:s11+$0xFFFFFF80] =	vst v0;
	v0 =	vld [tilespmem:s9+$0x10];
	v4 =	vadd.f32 v6, v5  }
0x361: {  	v5 =	vld [tilespmem:s9+$0xFFFFFF90]  }
0x362: {  	[tilespmem:s11+$0x50] =	vst v4;
	v4 =	vld [tilespmem:s11+$0x60]  }
0x363: {  	v2 =	vadd.f32 v3, v2;
	v3 =	vld [tilespmem:s9+$0x60]  }
0x364: {  	v6 =	vld [tilespmem:s11+$0xFFFFFFA0]  }
0x365: {  	[tilespmem:s11+$0xFFFFFFD0] =	vst v2;
	v2 =	vld [tilespmem:s11+$0xFFFFFFE0];
	v0 =	vadd.f32 v0, v1  }
0x366: {  	v1 =	vadd.f32 v5, v7;
	v5 =	vld [tilespmem:s9+$0xFFFFFFE0]  }
0x367: {  	[tilespmem:s11+$0x10] =	vst v0;
	v7 =	vld [tilespmem:s11+$0x20]  }
0x368: {  	[tilespmem:s11+$0xFFFFFF90] =	vst v1;
	v8 =	vld [tilespmem:s9+$0x20];
	v0 =	vadd.f32 v3, v4  }
0x369: {  	v3 =	vld [tilespmem:s9+$0xFFFFFFA0]  }
0x36a: {  	[tilespmem:s11+$0x60] =	vst v0;
	v9 =	vld [tilespmem:s11+$0x70]  }
0x36b: {  	v1 =	vadd.f32 v5, v2;
	v5 =	vld [tilespmem:s9+$0x70]  }
0x36c: {  	v0 =	vld [tilespmem:s11+$0xFFFFFFB0]  }
.Ltmp11:
0x36d: {  	[tilespmem:s11+$0xFFFFFFE0] =	vst v1;
	v1 =	vld [tilespmem:s11+$0xFFFFFFF0];
	v2 =	vadd.f32 v8, v7;
	(pc) =	sbr.rel @p0 .LBB2_24-.Ltmp11, $4  }
0x36e: {  	v4 =	vadd.f32 v3, v6;
	v3 =	vld [tilespmem:s9+$0xFFFFFFF0]  }
0x36f: {  	[tilespmem:s11+$0x20] =	vst v2;
	v2 =	vld [tilespmem:s11+$0x30]  }
0x370: {  	[tilespmem:s11+$0xFFFFFFA0] =	vst v4;
	v4 =	vld [tilespmem:s9+$0x30];
	v6 =	vadd.f32 v5, v9  }
0x371: {  	s11 =	sadd.s32 $0x100, s11;
	v5 =	vld [tilespmem:s9+$0xFFFFFFB0]  }
0x372: {  	_ =	sdelay $0x1  }
0x373: {  	v1 =	vadd.f32 v3, v1  }
0x374: {  	[tilespmem:s7+$0x70] =	vst v6;
	v2 =	vadd.f32 v4, v2  }
0x375: {  	[tilespmem:s7+$0xFFFFFFF0] =	vst v1;
	v0 =	vadd.f32 v5, v0  }
0x376: {  	[tilespmem:s7+$0x30] =	vst v2  }
0x377: {  	[tilespmem:s7+$0xFFFFFFB0] =	vst v0  }
0x378: {  	s7 =	rddreg [dreg:$0xa]  }
0x379: {  	[hbm4b:s7+s23] =	stream.strided.scatter [tilespmem:s26], [sflag:$0x7], $0x3200, s24, s23, $0x38;
	[tilespmem:$0x15E00] =	vst v63  }
0x37a: {  	_ =	swait.ge [sflag:s17], $0x3200  }
0x37b: {  	[sflag:s17] =	ssyncset.done $0x0  }
0x37c: {  	s7 =	simm.s32 $0x12C80;
	[sflag:s17] =	ssyncadd.s32 $0xFFFFCE00  }
0x37d: {  	s9 =	simm.s32 $0x6480;
	v0 =	vld [tilespmem:s7+$0x40]  }
0x37e: {  	v1 =	vld [tilespmem:s9+$0x40]  }
0x37f: {  	v2 =	vld [tilespmem:s7+$0xFFFFFFC0]  }
0x380: {  	v3 =	vld [tilespmem:s9+$0xFFFFFFC0]  }
0x381: {  	v4 =	vld [tilespmem:s7+$0x0]  }
0x382: {  	v5 =	vld [tilespmem:s9+$0x0]  }
0x383: {  	v6 =	vld [tilespmem:s7+$0xFFFFFF80];
	v0 =	vadd.f32 v1, v0  }
0x384: {  	v1 =	vld [tilespmem:s9+$0xFFFFFF80]  }
0x385: {  	[tilespmem:s7+$0x40] =	vst v0;
	v0 =	vld [tilespmem:s7+$0x50]  }
0x386: {  	v2 =	vadd.f32 v3, v2;
	v3 =	vld [tilespmem:s9+$0x50]  }
0x387: {  	v7 =	vld [tilespmem:s7+$0xFFFFFF90]  }
0x388: {  	[tilespmem:s7+$0xFFFFFFC0] =	vst v2;
	v2 =	vadd.f32 v5, v4;
	v4 =	vld [tilespmem:s7+$0xFFFFFFD0]  }
0x389: {  	v5 =	vld [tilespmem:s9+$0xFFFFFFD0];
	v1 =	vadd.f32 v1, v6  }
0x38a: {  	[tilespmem:s7+$0x0] =	vst v2;
	v2 =	vld [tilespmem:s7+$0x10]  }
0x38b: {  	v6 =	vld [tilespmem:s9+$0x10];
	[tilespmem:s7+$0xFFFFFF80] =	vst v1;
	v0 =	vadd.f32 v3, v0  }
0x38c: {  	v1 =	vld [tilespmem:s9+$0xFFFFFF90]  }
0x38d: {  	[tilespmem:s7+$0x50] =	vst v0;
	v0 =	vld [tilespmem:s7+$0x60]  }
0x38e: {  	v3 =	vadd.f32 v5, v4;
	v4 =	vld [tilespmem:s9+$0x60]  }
0x38f: {  	v5 =	vld [tilespmem:s7+$0xFFFFFFA0]  }
0x390: {  	[tilespmem:s7+$0xFFFFFFD0] =	vst v3;
	v2 =	vadd.f32 v6, v2;
	v3 =	vld [tilespmem:s7+$0xFFFFFFE0]  }
0x391: {  	v6 =	vld [tilespmem:s9+$0xFFFFFFE0];
	v1 =	vadd.f32 v1, v7  }
0x392: {  	[tilespmem:s7+$0x10] =	vst v2;
	v2 =	vld [tilespmem:s7+$0x20]  }
0x393: {  	v7 =	vld [tilespmem:s9+$0x20];
	[tilespmem:s7+$0xFFFFFF90] =	vst v1;
	v0 =	vadd.f32 v4, v0  }
0x394: {  	v4 =	vld [tilespmem:s9+$0xFFFFFFA0]  }
0x395: {  	v8 =	vld [tilespmem:s7+$0x70];
	[tilespmem:s7+$0x60] =	vst v0  }
0x396: {  	v1 =	vadd.f32 v6, v3;
	v6 =	vld [tilespmem:s9+$0x70]  }
0x397: {  	v0 =	vld [tilespmem:s7+$0xFFFFFFB0]  }
0x398: {  	[tilespmem:s7+$0xFFFFFFE0] =	vst v1;
	v2 =	vadd.f32 v7, v2;
	v1 =	vld [tilespmem:s7+$0xFFFFFFF0]  }
0x399: {  	v3 =	vld [tilespmem:s9+$0xFFFFFFF0];
	v4 =	vadd.f32 v4, v5  }
0x39a: {  	[tilespmem:s7+$0x20] =	vst v2;
	v2 =	vld [tilespmem:s7+$0x30]  }
0x39b: {  	[tilespmem:s7+$0xFFFFFFA0] =	vst v4;
	v4 =	vld [tilespmem:s9+$0x30];
	v6 =	vadd.f32 v6, v8  }
0x39c: {  	s10 =	simm.s32 $0x0;
	s11 =	simm.s32 $0x12D80;
	v5 =	vld [tilespmem:s9+$0xFFFFFFB0]  }
.LBB2_26:
0x39d: {  	v7 =	vld [tilespmem:s11+$0x40];
	[tilespmem:s7+$0x70] =	vst v6;
	s9 =	sadd.s32 $0x100, s9  }
0x39e: {  	s10 =	sadd.s32 $0x4, s10;
	v6 =	vld [tilespmem:s9+$0x40];
	v1 =	vadd.f32 v3, v1  }
0x39f: {  	p0 =	slt.u32 s10, $0xC4;
	v3 =	vld [tilespmem:s9+$0xFFFFFF80]  }
0x3a0: {  	v8 =	vld [tilespmem:s11+$0xFFFFFFC0];
	[tilespmem:s7+$0xFFFFFFF0] =	vst v1;
	v1 =	vadd.f32 v4, v2  }
0x3a1: {  	v2 =	vld [tilespmem:s9+$0xFFFFFFC0];
	v0 =	vadd.f32 v5, v0  }
0x3a2: {  	v4 =	vld [tilespmem:s11+$0x0];
	[tilespmem:s7+$0x30] =	vst v1  }
0x3a3: {  	v1 =	vld [tilespmem:s9+$0x0];
	v5 =	vadd.f32 v6, v7;
	[tilespmem:s7+$0xFFFFFFB0] =	vst v0;
	s7 =	smov.u32 s11  }
0x3a4: {  	v0 =	vld [tilespmem:s11+$0xFFFFFF80]  }
0x3a5: {  	[tilespmem:s11+$0x40] =	vst v5;
	v5 =	vld [tilespmem:s11+$0x50]  }
0x3a6: {  	v2 =	vadd.f32 v2, v8;
	v6 =	vld [tilespmem:s9+$0x50]  }
0x3a7: {  	v7 =	vld [tilespmem:s11+$0xFFFFFF90]  }
0x3a8: {  	[tilespmem:s11+$0xFFFFFFC0] =	vst v2;
	v2 =	vld [tilespmem:s11+$0xFFFFFFD0];
	v1 =	vadd.f32 v1, v4  }
0x3a9: {  	v0 =	vadd.f32 v3, v0;
	v3 =	vld [tilespmem:s9+$0xFFFFFFD0]  }
0x3aa: {  	[tilespmem:s11+$0x0] =	vst v1;
	v1 =	vld [tilespmem:s11+$0x10]  }
0x3ab: {  	[tilespmem:s11+$0xFFFFFF80] =	vst v0;
	v0 =	vld [tilespmem:s9+$0x10];
	v4 =	vadd.f32 v6, v5  }
0x3ac: {  	v5 =	vld [tilespmem:s9+$0xFFFFFF90]  }
0x3ad: {  	[tilespmem:s11+$0x50] =	vst v4;
	v4 =	vld [tilespmem:s11+$0x60]  }
0x3ae: {  	v2 =	vadd.f32 v3, v2;
	v3 =	vld [tilespmem:s9+$0x60]  }
0x3af: {  	v6 =	vld [tilespmem:s11+$0xFFFFFFA0]  }
0x3b0: {  	[tilespmem:s11+$0xFFFFFFD0] =	vst v2;
	v2 =	vld [tilespmem:s11+$0xFFFFFFE0];
	v0 =	vadd.f32 v0, v1  }
0x3b1: {  	v1 =	vadd.f32 v5, v7;
	v5 =	vld [tilespmem:s9+$0xFFFFFFE0]  }
0x3b2: {  	[tilespmem:s11+$0x10] =	vst v0;
	v7 =	vld [tilespmem:s11+$0x20]  }
0x3b3: {  	[tilespmem:s11+$0xFFFFFF90] =	vst v1;
	v8 =	vld [tilespmem:s9+$0x20];
	v0 =	vadd.f32 v3, v4  }
0x3b4: {  	v3 =	vld [tilespmem:s9+$0xFFFFFFA0]  }
0x3b5: {  	[tilespmem:s11+$0x60] =	vst v0;
	v9 =	vld [tilespmem:s11+$0x70]  }
0x3b6: {  	v1 =	vadd.f32 v5, v2;
	v5 =	vld [tilespmem:s9+$0x70]  }
0x3b7: {  	v0 =	vld [tilespmem:s11+$0xFFFFFFB0]  }
.Ltmp12:
0x3b8: {  	[tilespmem:s11+$0xFFFFFFE0] =	vst v1;
	v1 =	vld [tilespmem:s11+$0xFFFFFFF0];
	v2 =	vadd.f32 v8, v7;
	(pc) =	sbr.rel @p0 .LBB2_26-.Ltmp12, $4  }
0x3b9: {  	v4 =	vadd.f32 v3, v6;
	v3 =	vld [tilespmem:s9+$0xFFFFFFF0]  }
0x3ba: {  	[tilespmem:s11+$0x20] =	vst v2;
	v2 =	vld [tilespmem:s11+$0x30]  }
0x3bb: {  	[tilespmem:s11+$0xFFFFFFA0] =	vst v4;
	v4 =	vld [tilespmem:s9+$0x30];
	v6 =	vadd.f32 v5, v9  }
0x3bc: {  	s11 =	sadd.s32 $0x100, s11;
	v5 =	vld [tilespmem:s9+$0xFFFFFFB0]  }
0x3bd: {  	_ =	sdelay $0x1  }
0x3be: {  	v1 =	vadd.f32 v3, v1  }
0x3bf: {  	[tilespmem:s7+$0x70] =	vst v6;
	v2 =	vadd.f32 v4, v2  }
0x3c0: {  	[tilespmem:s7+$0xFFFFFFF0] =	vst v1;
	v0 =	vadd.f32 v5, v0  }
0x3c1: {  	[tilespmem:s7+$0x30] =	vst v2  }
0x3c2: {  	[tilespmem:s7+$0xFFFFFFB0] =	vst v0  }
0x3c3: {  	[hbm4b:s15+s23] =	stream.strided.scatter [tilespmem:s30], [sflag:$0x8], $0x3200, s24, s23, $0x38;
	[tilespmem:$0x15E00] =	vst v63  }
0x3c4: {  	_ =	swait.ge [sflag:s1], $0x3200  }
0x3c5: {  	[sflag:s1] =	ssyncset.done $0x0  }
0x3c6: {  	[sflag:s1] =	ssyncadd.s32 $0xFFFFCE00  }
0x3c7: {  	_ =	swait.ge [sflag:s25], $0x3200  }
0x3c8: {  	[sflag:s25] =	ssyncset.done $0x0  }
0x3c9: {  	s5 =	sadd.s32 $0x1, s5;
	[sflag:s25] =	ssyncadd.s32 $0xFFFFCE00  }
0x3ca: {  	p0 =	sne.s32 s5, s16;
	_ =	swait.ge [sflag:s0], $0x3200  }
.Ltmp13:
0x3cb: {  	[sflag:s0] =	ssyncset.done $0x0;
	(pc) =	sbr.rel @p0 .LBB2_1-.Ltmp13, $4  }
0x3cc: {  	[sflag:s0] =	ssyncadd.s32 $0xFFFFCE00  }
0x3cd: {  	_ =	swait.ge [sflag:s29], $0x3200  }
0x3ce: {  	[sflag:s29] =	ssyncset.done $0x0  }
0x3cf: {  	[sflag:s29] =	ssyncadd.s32 $0xFFFFCE00  }
0x3d0: {  	_ =	sfence.sel $0x180000  }
0x3d1: {  	[bflag:$0x0] =	sbarrier.arrive $0xFFFF  }
0x3d2: {  	_ =	strace $0x90000047  }
0x3d3: {  	s0 =	stileid.u32;
	[bflag:$0x2] =	sbarrier.arrive $0xFFFF  }
0x3d4: {  	p0 =	sne.s32 s0, $0x0;
	s0 =	rddreg [dreg:$0x2]  }
0x3d5: {  	s0 =	sadd.s32 @!p0 $0x100000, s0  }
0x3d6: {  	[sflag:s0] =	ssyncadd.tile.s32 @!p0 $0x1;
	_ =	shalt  }
.Lfunc_end2:
_tile_overlayer_lowered:
.L_overlay_start_2:
0x3d7: {  	(tag) =	ssettag $0x2  }
0x3d8: {  	s0 =	rddreg [dreg:$0x0];
	s2 =	stileid.u32  }
0x3d9: {  	s1 =	rddreg [dreg:$0x1];
	p0 =	sne.s32 s2, $0x0  }
0x3da: {  	s3 =	rddreg [dreg:$0x2];
	[bflag:$0x3] =	sbarrier.arrive $0xFFFF;
	s2 =	simm.s32 @!p0 $0x1C09  }
0x3db: {  	[timem:s3], [sflag:s2] =	dma.local @!p0 [hbm:s0], s1  }
0x3dc: {  	s0 =	simm.s32 @!p0 $0x9  }
0x3dd: {  	_ =	swait.ge @!p0 [sflag:s0], s1  }
0x3de: {  	s1 =	ssub.s32 @!p0 $0x0, s1;
	[sflag:s0] =	ssyncset.done @!p0 $0x0  }
0x3df: {  	[sflag:s0] =	ssyncadd.s32 @!p0 s1  }
0x3e0: {  	[bflag:$0x3] =	sbarrier.arrive $0xFFFF  }
0x3e1: {  	_ =	shalt  }

// kernel: sparse-core-data-format-call.cloned.1.call-start
scs
called_computation_lowered:
.L_overlay_start_0:
0x0: {  	s2 =	sld [smem:$0x3FD9]  }
0x1: {  	s3 =	sld [smem:$0x3FFE];
	_ =	sdelay $0x1  }
0x2: {  	s1 =	srdreg.scid  }
0x3: {  	s0 =	sand.u32 $0x1, s1  }
0x4: {  	s18 =	sshll.u32 s0, $0xA;
	s2 =	sadd.s32 s3, s2  }
0x5: {  	s2 =	sadd.s32 s2, s18  }
0x6: {  	[smem:$0x3FC6] =	sst s2  }
0x7: {  	_ = 	snop  }
0x8: {  	s2 =	sld [smem:$0x3FD0];
	(tm) =	ssettm $0x1  }
0x9: {  	s19 =	sld [smem:$0x3FFB];
	_ =	sdelay $0x3  }
0xa: {  	_ =	strace s19  }
0xb: {  	s3 =	sld [smem:$0x3FFC];
	_ =	sdelay $0x3  }
0xc: {  	_ =	strace s3  }
0xd: {  	s3 =	sld [smem:$0x3FFD];
	_ =	sdelay $0x3  }
0xe: {  	_ =	strace s3  }
0xf: {  	_ =	strace $0x8FFFFFFF  }
0x10: {  	s20 =	sld [smem:$0x3FDB];
	_ =	sdelay $0x1  }
0x11: {  	s4 =	simm.s32 $_scs_section_size  }
0x12: {  	s5 =	simm.s32 $_size__tile_overlayer_lowered;
	s6 =	simm.s32 $_tile_overlayer_lowered  }
0x13: {  	s23 =	simm.s32 $0x1BFF;
	s22 =	sshll.u32 s6, $0x1;
	s3 =	sadd.s32 s4, s20  }
0x14: {  	s7 =	simm.s32 $0x0;
	s21 =	sshll.u32 s5, $0x1;
	s5 =	sadd.s32 s22, s3  }
0x15: {  	[timem:s7], [sflag:s23] =	dma.local [hbm:s5], s21  }
0x16: {  	_ =	swait.ge [sflag:s23], s21  }
0x17: {  	s4 =	ssub.s32 $0x0, s21;
	[sflag:s23] =	ssyncset.done $0x0  }
0x18: {  	[sflag:s23] =	ssyncadd.s32 s4;
	_ =	sdelay $0x1  }
0x19: {  	s24 =	simm.s32 $0x1B8B  }
0x1a: {  	_ =	swait.ge [sflag:s24], $0x1  }
0x1b: {  	[sflag:s24] =	ssyncset.done $0x0  }
0x1c: {  	s26 =	simm.s32 $0x1B8E;
	s25 =	sld [smem:$0x3FFE];
	[sflag:s24] =	ssyncadd.s32 $0xFFFFFFFF  }
0x1d: {  	s27 =	simm.s32 $execute0_lowered;
	[smem:$0x3FD2] =	sst s26  }
0x1e: {  	s5 =	sshll.u32 s27, $0x1;
	_ =	strace $0x80000049;
	[dreg:$0x1] =	wrdreg $0xFFFFFFFF  }
0x1f: {  	s28 =	simm.s32 $_size_execute0_lowered;
	s3 =	sadd.s32 s3, s5;
	[dreg:$0x0] =	wrdreg $0x0  }
0x20: {  	s5 =	sshll.u32 s28, $0x1;
	[dreg:$0x2] =	wrdreg s3  }
0x21: {  	[dreg:$0x3] =	wrdreg s5  }
0x22: {  	[dreg:$0x4] =	wrdreg $0xC0  }
0x23: {  	_ =	task [dreg:s7], $0x5FFFF  }
0x24: {  	[dreg:$0x1] =	wrdreg $0xFFFFFFFF  }
0x25: {  	[dreg:$0x0] =	wrdreg $0x60  }
0x26: {  	[dreg:$0x2] =	wrdreg s25  }
0x27: {  	[dreg:$0x3] =	wrdreg s2  }
0x28: {  	[dreg:$0x4] =	wrdreg $0x9  }
0x29: {  	_ =	task.clear_ibuf [dreg:s7], $0x5FFFF;
	_ =	strace $0x90000049  }
0x2a: {  	s29 =	simm.s32 $0x9;
	_ =	strace $0x8000004B  }
0x2b: {  	_ =	swait.ge [sflag:s29], $0x1  }
0x2c: {  	[sflag:s29] =	ssyncadd.s32 $0xFFFFFFFF  }
0x2d: {  	_ =	strace $0x9000004B  }
0x2e: {  	_ =	sfence  }
0x2f: {  	s30 =	sld [smem:$0x0];
	_ =	sdelay $0x2  }
0x30: {  	s31 =	sshll.u32 s1, $0xD;
	s1 =	sshrl.u32 s1, $0x2  }
0x31: {  	s3 =	sand.u32 $0x4000, s31;
	s1 =	sadd.s32 s1, s30  }
0x32: {  	s0 =	sor.u32 s3, s0;
	s1 =	sshll.u32 s1, $0x11  }
0x33: {  	s0 =	sor.u32 s1, s0  }
0x34: {  	s0 =	sadd.s32 $0x8F2B, s0  }
0x35: {  	[sflag:s0] =	ssyncadd.remote.s32 $0x1  }
0x36: {  	_ =	sfence.sel $0xFFFF  }
0x37: {  	[dreg:$0x0] =	wrdreg $0xFFFFFFFF;
	(pc) =	sbr.abs _section_cstart, $3  }
0x38: {  	[dreg:$0x1] =	wrdreg $0xFFFFFFFF  }
0x39: {  	_ =	task.clear_ibuf [dreg:s7], $0x2FFFF;
	_ =	strace $0x9FFFFFFF  }
0x3a: {  	(tm) =	ssettm $0x7FFFFFFF  }
0x3b: {  	_ =	shalt  }
tec
execute0_lowered:
.L_overlay_start_1:
0x0: {  	(tag) =	ssettag $0x1  }
0x1: {  	s0 =	srdreg.scid  }
0x2: {  	s1 =	sshll.u32 s0, $0x4  }
0x3: {  	s0 =	stileid.u32;
	s1 =	sand.u32 $0x10, s1  }
0x4: {  	s1 =	sor.u32 s0, s1  }
0x5: {  	s6 =	rddreg [dreg:$0x0];
	s4 =	simm.s32 $0x1;
	s2 =	sshll.u32 s1, $0x7  }
0x6: {  	s7 =	simm.s32 $0x2;
	s12 =	simm.s32 $0x0;
	s1 =	ssub.s32 $0x1000, s2  }
0x7: {  	s8 =	simm.s32 $0x8000;
	s13 =	simm.s32 $0x0;
	s3 =	sand.u32 $0xF80, s1  }
0x8: {  	s9 =	simm.s32 $0x0;
	s5 =	sshrl.u32 s1, $0xC;
	p0 =	sne.s32 s3, $0x0  }
.Ltmp0:
0x9: {  	s1 =	rddreg [dreg:$0x2];
	s4 =	simm.s32 @!p0 $0x0;
	(pc) =	sbr.rel .LBB1_1-.Ltmp0, $4  }
0xa: {  	s11 =	simm.s32 $0x0;
	s3 =	rddreg [dreg:$0x1];
	s5 =	sadd.s32 s4, s5  }
0xb: {  	_ =	strace $0x8000004A;
	s4 =	simm.s32 $0x1;
	s5 =	smul.u32 $0xC8, s5  }
0xc: {  	s6 =	sadd.s32 $0x1400, s6;
	s10 =	smov.u32 s2;
	[sflag:s4] =	ssyncpa.u1 $0x0  }
0xd: {  	p0 =	por $0x0, $0x0;
	[sflag:s7] =	ssyncpa.u1 $0x0;
	s7 =	sor.u32 $0x1, s5  }
.LBB1_4:
0xe: {  	s16 =	sshll.u32 s13, $0x3;
	s17 =	sand.u32 $0x78, s13  }
0xf: {  	s30 =	sand.u32 $0x7E00, s13;
	s12 =	sshll.u32 s12, $0xF;
	s16 =	sand.u32 $0xC00, s16  }
0x10: {  	[tilespmem:s15+$0x810 ss:$0x81] =	vst.msk $0xffff, v2;
	s31 =	sand.u32 $0x7, s13;
	s16 =	sor.u32 s17, s16;
	s17 =	sadd.s32 s3, s30  }
0x11: {  	[tilespmem:s15+$0x1020 ss:$0x81] =	vst.msk $0xffff, v0;
	s13 =	sshll.u32 s31, $0x12;
	s12 =	sadd.s32 s12, s17;
	s16 =	sshrl.u32 s16, $0x3  }
0x12: {  	[tilespmem:s15+$0x0 ss:$0x81] =	vst.msk $0xffff, v1;
	s13 =	sor.u32 $0x400, s13;
	s12 =	sadd.s32 s16, s12  }
0x13: {  	[hbm4b:s12+s13] =	stream.strided.scatter [tilespmem:s14], [sflag:$0x2], $0x2000, s8, s13, $0x20;
	[tilespmem:$0x8080] =	vst v63  }
.LBB1_5:
0x14: {  	s14 =	sadd.s32 $0x1, s9  }
0x15: {  	s12 =	sadd.s32 $0x1000, s10;
	s16 =	smov.u32 s10;
	p2 =	sgt.s32 s14, $0xC7  }
0x16: {  	s16 =	smov.u32 @p2 s12  }
0x17: {  	s14 =	simm.s32 @p2 $0x0;
	p2 =	sgt.s32 s16, $0xFFF  }
0x18: {  	s16 =	smov.u32 @p2 s2;
	p2 =	sne.s32 s11, s7  }
.Ltmp1:
0x19: {  	p1 =	slt.u32 s11, $0x2;
	(pc) =	sbr.rel @!p2 .LBB1_6-.Ltmp1, $4  }
0x1a: {  	s15 =	simm.s32 @!p1 $0x2  }
0x1b: {  	s13 =	smov.u32 s10;
	p0 =	por !p0, !p0;
	_ =	swait.ge @!p1 [sflag:s15], $0x2000  }
0x1c: {  	s12 =	smov.u32 s9;
	[sflag:s15] =	ssyncset.done @!p1 $0x0;
	s9 =	smov.u32 s14  }
0x1d: {  	s11 =	sadd.s32 $0x1, s11;
	[sflag:s15] =	ssyncadd.s32 @!p1 $0xFFFFE000;
	s10 =	smov.u32 s16  }
.LBB1_1:
0x1e: {  	p1 =	sge.u32 s11, s5  }
0x1f: {  	s14 =	sand.u32 @!p1 $0x1FFFFFF, s9  }
0x20: {  	s15 =	smulhi.u32 @!p1 $0x147AE15, s14;
	_ =	sdelay $0x1  }
0x21: {  	s15 =	smul.u32 @!p1 $0xC8, s15  }
0x22: {  	s16 =	sxor.u32 @!p1 $0xFFFFFFFF, s11;
	s17 =	smul.u32 @!p1 $0xC80, s10  }
0x23: {  	s31 =	sadd.s32 $0xFFFFFFFF, s11;
	s16 =	sshll.u32 @!p1 s16, $0xD;
	s14 =	ssub.s32 @!p1 s14, s15  }
0x24: {  	s15 =	sand.u32 @!p1 $0x2000, s16;
	s16 =	sadd.s32 @!p1 s6, s17;
	s14 =	sshll.u32 @!p1 s14, $0x4  }
0x25: {  	s17 =	simm.s32 @!p1 $0x6400;
	s14 =	sadd.s32 @!p1 s14, s16;
	s16 =	simm.s32 @!p1 $0x40  }
0x26: {  	[tilespmem:s15], [sflag:$0x1] =	stream.strided.gather @!p1 [hbm4b:s14+s16], $0x2000, s17, s16, $0x38;
	[tilespmem:$0x8080] =	vst v63  }
0x27: {  	p1 =	sge.u32 s31, s5  }
.Ltmp2:
0x28: {  	_ = 	snop;
	(pc) =	sbr.rel @p1 .LBB1_5-.Ltmp2, $1  }
0x29: {  	_ =	sdelay $0x3  }
0x2a: {  	s14 =	simm.s32 $0x1  }
0x2b: {  	_ =	swait.ge [sflag:s4], $0x2000;
	s14 =	simm.s32 @!p0 $0x0  }
0x2c: {  	[sflag:s4] =	ssyncset.done $0x0;
	s15 =	sshll.u32 s14, $0xD  }
0x2d: {  	[sflag:s4] =	ssyncadd.s32 $0xFFFFE000;
	s18 =	sor.u32 $0x20, s15  }
0x2e: {  	s14 =	smul.u32 $0x8100, s14;
	v3 =	vld [tilespmem:s18+$0x10]  }
0x2f: {  	s30 =	sand.u32 $0x1, s11;
	v2 =	vld [tilespmem:s18+$0xFFFFFFF0]  }
0x30: {  	s15 =	smul.u32 $0x8100, s30;
	s14 =	sshrl.u32 s14, $0x2;
	v0 =	vld [tilespmem:s18+$0x0]  }
0x31: {  	v1 =	vld [tilespmem:s18+$0xFFFFFFE0];
	s16 =	sor.u32 $0x4000, s14  }
0x32: {  	s31 =	sshrl.u32 s15, $0x2;
	s15 =	sadd.s32 $0x0, s16  }
0x33: {  	s17 =	simm.s32 $0x4;
	s18 =	sadd.s32 $0x40, s18;
	s14 =	sor.u32 $0x4000, s31;
	[tilespmem:s15+$0x1830 ss:$0x81] =	vst.msk $0xffff, v3  }
.LBB1_3:
0x34: {  	v3 =	vld [tilespmem:s18+$0x10];
	p1 =	sne.s32 s17, $0x1FC;
	[tilespmem:s15+$0x810 ss:$0x81] =	vst.msk $0xffff, v2;
	s19 =	smov.u32 s17;
	s17 =	sadd.s32 $0x4, s17  }
.Ltmp3:
0x35: {  	v2 =	vld [tilespmem:s18+$0xFFFFFFF0];
	[tilespmem:s15+$0x1020 ss:$0x81] =	vst.msk $0xffff, v0;
	(pc) =	sbr.rel @p1 .LBB1_3-.Ltmp3, $4  }
0x36: {  	v0 =	vld [tilespmem:s18+$0x0];
	[tilespmem:s15+$0x0 ss:$0x81] =	vst.msk $0xffff, v1  }
0x37: {  	s15 =	sshra.s32 s19, $0x2;
	v1 =	vld [tilespmem:s18+$0xFFFFFFE0]  }
0x38: {  	s15 =	sadd.s32 s15, s16  }
0x39: {  	s18 =	sadd.s32 $0x40, s18;
	[tilespmem:s15+$0x1830 ss:$0x81] =	vst.msk $0xffff, v3  }
.Ltmp4:
0x3a: {  	_ = 	snop;
	(pc) =	sbr.rel .LBB1_4-.Ltmp4, $1  }
0x3b: {  	_ =	sdelay $0x3  }
.LBB1_6:
0x3c: {  	_ =	sfence.sel $0x180000  }
0x3d: {  	s2 =	simm.s32 $0x1;
	[bflag:$0x0] =	sbarrier.arrive $0xFFFF  }
0x3e: {  	s31 =	simm.s32 $0x2;
	[sflag:s2] =	ssyncpa.u1 $0x1  }
0x3f: {  	[sflag:s31] =	ssyncpa.u1 $0x1  }
0x40: {  	p0 =	sne.s32 s0, $0x0;
	_ =	strace $0x9000004A  }
0x41: {  	s0 =	sadd.s32 @!p0 $0x100000, s1;
	[bflag:$0x2] =	sbarrier.arrive $0xFFFF  }
0x42: {  	[sflag:s0] =	ssyncadd.tile.s32 @!p0 $0x1;
	_ =	shalt  }
.Lfunc_end1:
_tile_overlayer_lowered:
.L_overlay_start_2:
0x43: {  	(tag) =	ssettag $0x2  }
0x44: {  	s0 =	rddreg [dreg:$0x0];
	s2 =	stileid.u32  }
0x45: {  	s1 =	rddreg [dreg:$0x1];
	p0 =	sne.s32 s2, $0x0  }
0x46: {  	s3 =	rddreg [dreg:$0x2];
	[bflag:$0x3] =	sbarrier.arrive $0xFFFF;
	s2 =	simm.s32 @!p0 $0x1C01  }
0x47: {  	[timem:s3], [sflag:s2] =	dma.local @!p0 [hbm:s0], s1  }
0x48: {  	s0 =	simm.s32 @!p0 $0x1  }
0x49: {  	_ =	swait.ge @!p0 [sflag:s0], s1  }
0x4a: {  	s1 =	ssub.s32 @!p0 $0x0, s1;
	[sflag:s0] =	ssyncset.done @!p0 $0x0  }
0x4b: {  	[sflag:s0] =	ssyncadd.s32 @!p0 s1  }
0x4c: {  	[bflag:$0x3] =	sbarrier.arrive $0xFFFF  }
0x4d: {  	_ =	shalt  }

</sc_bundles>
